<compile_context>
chip_gen: v7x
topology: tpu7x:2x2x1
jax: 0.10.2.dev20260603
libtpu: 0.0.44.dev20260713+nightly
codegen_flags: <defaults>
</compile_context>

<pallas_src>
import functools

import jax
import jax.numpy as jnp
from jax import lax
from jax.experimental import pallas as pl
from jax.experimental.pallas import tpu as pltpu, tpu_sc as plsc

_NC = 2
_NS = 16
_L = 16
_C = 1536
_U = 3


def _pack2(a, b):
    ua = lax.bitcast_convert_type(
        a.astype(jnp.bfloat16).astype(jnp.float32), jnp.uint32)
    ub = lax.bitcast_convert_type(
        b.astype(jnp.bfloat16).astype(jnp.float32), jnp.uint32)
    return lax.bitcast_convert_type(ua | (ub >> 16), jnp.int32)


def _table_body(w_ref, v_ref, th_ref, o_w01, o_w2t0, o_t12, o_sc):
    w0, w1, w2 = w_ref[0], w_ref[1], w_ref[2]
    v0, v1, v2 = v_ref[0], v_ref[1], v_ref[2]
    th = th_ref[...]
    s = jnp.sin(th)
    c1 = 1.0 - jnp.cos(th)
    tms = th - s
    a0 = w1 * v2 - w2 * v1
    a1 = w2 * v0 - w0 * v2
    a2 = w0 * v1 - w1 * v0
    b0 = w1 * a2 - w2 * a1
    b1 = w2 * a0 - w0 * a2
    b2 = w0 * a1 - w1 * a0
    t0 = th * v0 + c1 * a0 + tms * b0
    t1 = th * v1 + c1 * a1 + tms * b1
    t2 = th * v2 + c1 * a2 + tms * b2
    o_w01[...] = _pack2(w0, w1)
    o_w2t0[...] = _pack2(w2, t0)
    o_t12[...] = _pack2(t1, t2)
    o_sc[...] = _pack2(s, c1)


def _build_tables(w, v, theta):
    n = theta.shape[0]
    r = n // 128
    wt = w.T.reshape(3, r, 128)
    vt = v.T.reshape(3, r, 128)
    th = theta.reshape(r, 128)
    o = jax.ShapeDtypeStruct((r, 128), jnp.int32)
    t01, t2t0, t12, tsc = pl.pallas_call(
        _table_body, out_shape=[o, o, o, o])(wt, vt, th)
    return t01.reshape(n), t2t0.reshape(n), t12.reshape(n), tsc.reshape(n)


def _make_sc_apply(B, n):
    W = _NC * _NS
    K = -(-B // (_C * W))
    last = (B // 128) * 128 - _C + 128
    idx_mask = n - 1

    mesh = plsc.VectorSubcoreMesh(
        core_axis_name="c", subcore_axis_name="s",
        num_cores=_NC, num_subcores=_NS)

    @functools.partial(
        pl.kernel,
        out_type=jax.ShapeDtypeStruct((8, B), jnp.float32),
        mesh=mesh,
        scratch_types=[
            pltpu.VMEM((n,), jnp.int32),
            pltpu.VMEM((n,), jnp.int32),
            pltpu.VMEM((n,), jnp.int32),
            pltpu.VMEM((n,), jnp.int32),
            [pltpu.VMEM((8, _C), jnp.float32) for _ in range(2)],
            [pltpu.VMEM((8, _C), jnp.float32) for _ in range(2)],
            [pltpu.VMEM((_C,), jnp.int32) for _ in range(2)],
            [pltpu.VMEM((_C,), jnp.float32) for _ in range(2)],
            [pltpu.SemaphoreType.DMA for _ in range(2)],
            [pltpu.SemaphoreType.DMA for _ in range(2)],
        ],
        compiler_params=pltpu.CompilerParams(
            needs_layout_passes=False, use_tc_tiling_on_sc=True),
    )
    def sc_apply(t01_hbm, t2t0_hbm, t12_hbm, tsc_hbm, raysT_hbm, idx_hbm,
                 mask_hbm, out_hbm, t01_v, t2t0_v, t12_v, tsc_v,
                 rin, rout, idxv, mskv, sin_, sout):
        wid = lax.axis_index("s") * _NC + lax.axis_index("c")
        pltpu.sync_copy(t01_hbm, t01_v)
        pltpu.sync_copy(t2t0_hbm, t2t0_v)
        pltpu.sync_copy(t12_hbm, t12_v)
        pltpu.sync_copy(tsc_hbm, tsc_v)

        def hi(p):
            return plsc.bitcast(p & jnp.int32(-65536), jnp.float32)

        def lo(p):
            return plsc.bitcast(p << 16, jnp.float32)

        def chunk_start(c):
            return jnp.minimum((wid * K + jnp.minimum(c, K - 1)) * _C, last)

        def in_start(c, b):
            start = chunk_start(c)
            pltpu.async_copy(idx_hbm.at[pl.ds(start, _C)], idxv[b], sin_[b])
            pltpu.async_copy(mask_hbm.at[pl.ds(start, _C)], mskv[b], sin_[b])
            pltpu.async_copy(raysT_hbm.at[:, pl.ds(start, _C)], rin[b],
                             sin_[b])

        def in_wait(c, b):
            start = chunk_start(c)
            pltpu.make_async_copy(
                idx_hbm.at[pl.ds(start, _C)], idxv[b], sin_[b]).wait()
            pltpu.make_async_copy(
                mask_hbm.at[pl.ds(start, _C)], mskv[b], sin_[b]).wait()
            pltpu.make_async_copy(
                raysT_hbm.at[:, pl.ds(start, _C)], rin[b], sin_[b]).wait()

        def out_start(c, b):
            start = chunk_start(c)
            pltpu.async_copy(rout[b], out_hbm.at[:, pl.ds(start, _C)],
                             sout[b])

        def out_wait(c, b):
            start = chunk_start(c)
            pltpu.make_async_copy(
                rout[b], out_hbm.at[:, pl.ds(start, _C)], sout[b]).wait()

        def compute(b):
            ray_i = rin[b]
            ray_o = rout[b]
            idx_v = idxv[b]
            mask_v = mskv[b]

            def group(g, c2):
                loaded = []
                for u in range(_U):
                    sl = pl.ds((g * _U + u) * _L, _L)
                    ix = idx_v[sl] & idx_mask
                    p01 = plsc.load_gather(t01_v, [ix])
                    p2t0 = plsc.load_gather(t2t0_v, [ix])
                    pt12 = plsc.load_gather(t12_v, [ix])
                    psc = plsc.load_gather(tsc_v, [ix])
                    mf = mask_v[sl]
                    o = [ray_i[c, sl] for c in range(3)]
                    d = [ray_i[c + 3, sl] for c in range(3)]
                    e = [ray_i[c + 6, sl] for c in range(2)]
                    loaded.append((sl, p01, p2t0, pt12, psc, mf, o, d, e))
                results = []
                for sl, p01, p2t0, pt12, psc, mf, o, d, e in loaded:
                    w0 = hi(p01)
                    w1 = lo(p01)
                    w2 = hi(p2t0)
                    t0 = lo(p2t0)
                    t1 = hi(pt12)
                    t2 = lo(pt12)
                    sm = hi(psc) * mf
                    c1m = lo(psc) * mf
                    dx, dy, dz = d
                    cx = w1 * dz - w2 * dy
                    cy = w2 * dx - w0 * dz
                    cz = w0 * dy - w1 * dx
                    ex = w1 * cz - w2 * cy
                    ey = w2 * cx - w0 * cz
                    ez = w0 * cy - w1 * cx
                    results.append((
                        sl,
                        [o[0] + t0 * mf, o[1] + t1 * mf, o[2] + t2 * mf,
                         dx + sm * cx + c1m * ex,
                         dy + sm * cy + c1m * ey,
                         dz + sm * cz + c1m * ez] + e))
                for sl, vals in results:
                    for c in range(8):
                        ray_o[c, sl] = vals[c]
                return c2

            lax.fori_loop(0, _C // (_U * _L), group, 0)

        in_start(0, 0)
        in_start(1, 1)
        in_wait(0, 0)
        compute(0)
        out_start(0, 0)
        in_start(2, 0)
        in_wait(1, 1)
        compute(1)
        out_start(1, 1)
        in_start(3, 1)

        def pair(j, carry):
            a = 2 * j
            in_wait(a, 0)
            out_wait(a - 2, 0)
            compute(0)
            out_start(a, 0)
            in_start(a + 2, 0)
            in_wait(a + 1, 1)
            out_wait(a - 1, 1)
            compute(1)
            out_start(a + 1, 1)
            in_start(a + 3, 1)
            return carry

        J = (K - 1) // 2
        lax.fori_loop(1, J + 1, pair, 0)
        in_wait(2 * J + 2, 0)
        in_wait(2 * J + 3, 1)
        out_wait(2 * J, 0)
        out_wait(2 * J + 1, 1)

    return sc_apply


def kernel(w, v, theta, rays, image_indices, depth_mask):
    B = rays.shape[0]
    n = theta.shape[0]
    t01, t2t0, t12, tsc = _build_tables(
        w.astype(jnp.float32), v.astype(jnp.float32),
        theta.astype(jnp.float32))
    raysT = rays.T
    idx = image_indices.reshape(-1).astype(jnp.int32)
    maskf = (depth_mask.reshape(-1) == 1).astype(jnp.float32)
    sc_apply = _make_sc_apply(B, n)
    outT = sc_apply(t01, t2t0, t12, tsc, raysT, idx, maskf)
    return outT.T

# --- scband reference (transcript-rebuilt; emitter-appended) ---
"""Pipeline reference for scband-pose-correction-58995670778181 (READ-ONLY COPY).

The authoritative reference and input builder live on the scoring server;
editing this copy changes nothing except your own understanding.
"""

import jax, jax.numpy as jnp
import numpy as np


def vec2ss_matrix(vec):
    # vec: [N, 3] -> [N, 3, 3] skew-symmetric matrices
    z = jnp.zeros((vec.shape[0],), dtype=vec.dtype)
    row0 = jnp.stack([z, -vec[:, 2], vec[:, 1]], axis=-1)
    row1 = jnp.stack([vec[:, 2], z, -vec[:, 0]], axis=-1)
    row2 = jnp.stack([-vec[:, 1], vec[:, 0], z], axis=-1)
    return jnp.stack([row0, row1, row2], axis=1)


def setup_inputs(seed: int = 0) -> dict:
    key = jax.random.key(seed)
    k1, k2, k3, k4, k5, k6 = jax.random.split(key, 6)
    n_frames = 16384
    B = 1000000
    w = jax.random.normal(k1, (n_frames, 3), dtype=jnp.float32) * 1e-6
    v = jax.random.normal(k2, (n_frames, 3), dtype=jnp.float32) * 1e-6
    theta = jax.random.normal(k3, (n_frames,), dtype=jnp.float32) * 1e-6
    rays = jax.random.normal(k4, (B, 8), dtype=jnp.float32)
    image_indices = jax.random.randint(k5, (B,), 0, n_frames)
    depth_mask = jax.random.randint(k6, (B, 1), 0, 2)
    return {"w": w, "v": v, "theta": theta, "rays": rays,
            "image_indices": image_indices, "depth_mask": depth_mask}


def reference(w, v, theta, rays, image_indices, depth_mask):
    mask = depth_mask.reshape(-1) == 1
    idx = image_indices.reshape(-1)

    w_sel = w[idx]                           # gather [B, 3]
    v_sel = v[idx]                           # gather [B, 3]
    th = theta[idx]                          # gather [B]

    ws = vec2ss_matrix(w_sel)                # [B, 3, 3]
    ws2 = jnp.matmul(ws, ws)
    eye3 = jnp.eye(3, dtype=jnp.float32)[None, :, :]

    sin_t = jnp.sin(th)[:, None, None]
    cos_t = jnp.cos(th)[:, None, None]
    th_b = th[:, None, None]

    R = eye3 + sin_t * ws + (1.0 - cos_t) * ws2
    T = jnp.matmul(eye3 * th_b + (1.0 - cos_t) * ws + (th_b - sin_t) * ws2,
                   v_sel[:, :, None]).squeeze(-1)

    # masked-overwrite of the identity-initialized correction matrices
    corr_R = jnp.where(mask[:, None, None], R, eye3)
    corr_T = jnp.where(mask[:, None], T, jnp.zeros_like(T))

    new_origin = rays[:, :3] + corr_T
    new_dir = jnp.matmul(corr_R, rays[:, 3:6, None]).squeeze(-1)
    rays = rays.at[:, :3].set(new_origin)
    rays = rays.at[:, 3:6].set(new_dir)
    return rays

if __name__ == "__main__":
    import jax
    _d = setup_inputs()
    print(jax.jit(kernel)(*tuple(_d.values())))

</pallas_src>

<mosaic_0001>
#map = affine_map<(d0, d1) -> (0)>
#map1 = affine_map<(d0, d1) -> (0, 0)>
module attributes {stable_mosaic.version = 14 : i64} {
  func.func @sc_apply(%arg0: i32, %arg1: i32, %arg2: memref<16384xi32, #tpu.memory_space<hbm>>, %arg3: memref<16384xi32, #tpu.memory_space<hbm>>, %arg4: memref<16384xi32, #tpu.memory_space<hbm>>, %arg5: memref<16384xi32, #tpu.memory_space<hbm>>, %arg6: memref<8x1000000xf32, #tpu.memory_space<hbm>>, %arg7: memref<1000000xi32, #tpu.memory_space<hbm>>, %arg8: memref<1000000xf32, #tpu.memory_space<hbm>>, %arg9: memref<8x1000000xf32, #tpu.memory_space<hbm>>, %arg10: memref<16384xi32, #tpu.memory_space<vmem>>, %arg11: memref<16384xi32, #tpu.memory_space<vmem>>, %arg12: memref<16384xi32, #tpu.memory_space<vmem>>, %arg13: memref<16384xi32, #tpu.memory_space<vmem>>, %arg14: memref<8x1536xf32, #tpu.memory_space<vmem>>, %arg15: memref<8x1536xf32, #tpu.memory_space<vmem>>, %arg16: memref<8x1536xf32, #tpu.memory_space<vmem>>, %arg17: memref<8x1536xf32, #tpu.memory_space<vmem>>, %arg18: memref<1536xi32, #tpu.memory_space<vmem>>, %arg19: memref<1536xi32, #tpu.memory_space<vmem>>, %arg20: memref<1536xf32, #tpu.memory_space<vmem>>, %arg21: memref<1536xf32, #tpu.memory_space<vmem>>, %arg22: memref<!tpu.dma_semaphore, #tpu.memory_space<semaphore_mem>>, %arg23: memref<!tpu.dma_semaphore, #tpu.memory_space<semaphore_mem>>, %arg24: memref<!tpu.dma_semaphore, #tpu.memory_space<semaphore_mem>>, %arg25: memref<!tpu.dma_semaphore, #tpu.memory_space<semaphore_mem>>) attributes {dimension_semantics = [#tpu.dimension_semantics<core_parallel>, #tpu.dimension_semantics<subcore_parallel>], iteration_bounds = array<i64: 2, 16>, scalar_prefetch = 0 : i64, scratch_operands = 16 : i64, tpu.core_type = #tpu.core_type<sc_vector_subcore>, window_params = [{transform_indices = #map}, {transform_indices = #map}, {transform_indices = #map}, {transform_indices = #map}, {transform_indices = #map1}, {transform_indices = #map}, {transform_indices = #map}, {transform_indices = #map1}]} {
    %mul3A = arith.constant 2 : i32
    %mul3A_0 = arith.muli %arg1, %mul3A : i32
    %add3A = arith.addi %mul3A_0, %arg0 : i32
    "tpu.region"() ({
      %run_scoped3A = tpu.sem_alloc : memref<!tpu.dma_semaphore, #tpu.memory_space<semaphore_mem>>
      tpu.enqueue_dma source(%arg2 : memref<16384xi32, #tpu.memory_space<hbm>>) target(%arg10 : memref<16384xi32, #tpu.memory_space<vmem>>) target_semaphore(%run_scoped3A : memref<!tpu.dma_semaphore, #tpu.memory_space<semaphore_mem>>)
      tpu.wait_dma2 semaphore(%run_scoped3A : memref<!tpu.dma_semaphore, #tpu.memory_space<semaphore_mem>>) src(%arg2 : memref<16384xi32, #tpu.memory_space<hbm>>) dst(%arg10 : memref<16384xi32, #tpu.memory_space<vmem>>)
      tpu.yield
    }) : () -> ()
    "tpu.region"() ({
      %run_scoped3A = tpu.sem_alloc : memref<!tpu.dma_semaphore, #tpu.memory_space<semaphore_mem>>
      tpu.enqueue_dma source(%arg3 : memref<16384xi32, #tpu.memory_space<hbm>>) target(%arg11 : memref<16384xi32, #tpu.memory_space<vmem>>) target_semaphore(%run_scoped3A : memref<!tpu.dma_semaphore, #tpu.memory_space<semaphore_mem>>)
      tpu.wait_dma2 semaphore(%run_scoped3A : memref<!tpu.dma_semaphore, #tpu.memory_space<semaphore_mem>>) src(%arg3 : memref<16384xi32, #tpu.memory_space<hbm>>) dst(%arg11 : memref<16384xi32, #tpu.memory_space<vmem>>)
      tpu.yield
    }) : () -> ()
    "tpu.region"() ({
      %run_scoped3A = tpu.sem_alloc : memref<!tpu.dma_semaphore, #tpu.memory_space<semaphore_mem>>
      tpu.enqueue_dma source(%arg4 : memref<16384xi32, #tpu.memory_space<hbm>>) target(%arg12 : memref<16384xi32, #tpu.memory_space<vmem>>) target_semaphore(%run_scoped3A : memref<!tpu.dma_semaphore, #tpu.memory_space<semaphore_mem>>)
      tpu.wait_dma2 semaphore(%run_scoped3A : memref<!tpu.dma_semaphore, #tpu.memory_space<semaphore_mem>>) src(%arg4 : memref<16384xi32, #tpu.memory_space<hbm>>) dst(%arg12 : memref<16384xi32, #tpu.memory_space<vmem>>)
      tpu.yield
    }) : () -> ()
    "tpu.region"() ({
      %run_scoped3A = tpu.sem_alloc : memref<!tpu.dma_semaphore, #tpu.memory_space<semaphore_mem>>
      tpu.enqueue_dma source(%arg5 : memref<16384xi32, #tpu.memory_space<hbm>>) target(%arg13 : memref<16384xi32, #tpu.memory_space<vmem>>) target_semaphore(%run_scoped3A : memref<!tpu.dma_semaphore, #tpu.memory_space<semaphore_mem>>)
      tpu.wait_dma2 semaphore(%run_scoped3A : memref<!tpu.dma_semaphore, #tpu.memory_space<semaphore_mem>>) src(%arg5 : memref<16384xi32, #tpu.memory_space<hbm>>) dst(%arg13 : memref<16384xi32, #tpu.memory_space<vmem>>)
      tpu.yield
    }) : () -> ()
    %mul3A_1 = arith.constant 21 : i32
    %mul3A_2 = arith.muli %add3A, %mul3A_1 : i32
    %min3A = arith.constant 0 : i32
    %min3A_3 = arith.constant 20 : i32
    %min3A_4 = arith.minsi %min3A, %min3A_3 : i32
    %add3A_5 = arith.addi %mul3A_2, %min3A_4 : i32
    %mul3A_6 = arith.constant 1536 : i32
    %mul3A_7 = arith.muli %add3A_5, %mul3A_6 : i32
    %min3A_8 = arith.constant 998528 : i32
    %min3A_9 = arith.minsi %mul3A_7, %min3A_8 : i32
    %dma_start3A = tpu.memref_slice %arg7[%min3A_9] : memref<1000000xi32, #tpu.memory_space<hbm>> -> memref<1536xi32, #tpu.memory_space<hbm>>
    %dma_start3A_10 = tpu.memref_slice %arg7[%min3A_9] : memref<1000000xi32, #tpu.memory_space<hbm>> -> memref<1536xi32, #tpu.memory_space<hbm>>
    tpu.enqueue_dma source(%dma_start3A_10 : memref<1536xi32, #tpu.memory_space<hbm>>) target(%arg18 : memref<1536xi32, #tpu.memory_space<vmem>>) target_semaphore(%arg22 : memref<!tpu.dma_semaphore, #tpu.memory_space<semaphore_mem>>)
    %dma_start3A_11 = tpu.memref_slice %arg8[%min3A_9] : memref<1000000xf32, #tpu.memory_space<hbm>> -> memref<1536xf32, #tpu.memory_space<hbm>>
    %dma_start3A_12 = tpu.memref_slice %arg8[%min3A_9] : memref<1000000xf32, #tpu.memory_space<hbm>> -> memref<1536xf32, #tpu.memory_space<hbm>>
    tpu.enqueue_dma source(%dma_start3A_12 : memref<1536xf32, #tpu.memory_space<hbm>>) target(%arg20 : memref<1536xf32, #tpu.memory_space<vmem>>) target_semaphore(%arg22 : memref<!tpu.dma_semaphore, #tpu.memory_space<semaphore_mem>>)
    %dma_start3A_13 = arith.constant 0 : i32
    %dma_start3A_14 = tpu.memref_slice %arg6[%dma_start3A_13, %min3A_9] : memref<8x1000000xf32, #tpu.memory_space<hbm>> -> memref<8x1536xf32, #tpu.memory_space<hbm>>
    %dma_start3A_15 = arith.constant 0 : i32
    %dma_start3A_16 = tpu.memref_slice %arg6[%dma_start3A_15, %min3A_9] : memref<8x1000000xf32, #tpu.memory_space<hbm>> -> memref<8x1536xf32, #tpu.memory_space<hbm>>
    tpu.enqueue_dma source(%dma_start3A_16 : memref<8x1536xf32, #tpu.memory_space<hbm>>) target(%arg14 : memref<8x1536xf32, #tpu.memory_space<vmem>>) target_semaphore(%arg22 : memref<!tpu.dma_semaphore, #tpu.memory_space<semaphore_mem>>)
    %mul3A_17 = arith.constant 21 : i32
    %mul3A_18 = arith.muli %add3A, %mul3A_17 : i32
    %min3A_19 = arith.constant 1 : i32
    %min3A_20 = arith.constant 20 : i32
    %min3A_21 = arith.minsi %min3A_19, %min3A_20 : i32
    %add3A_22 = arith.addi %mul3A_18, %min3A_21 : i32
    %mul3A_23 = arith.constant 1536 : i32
    %mul3A_24 = arith.muli %add3A_22, %mul3A_23 : i32
    %min3A_25 = arith.constant 998528 : i32
    %min3A_26 = arith.minsi %mul3A_24, %min3A_25 : i32
    %dma_start3A_27 = tpu.memref_slice %arg7[%min3A_26] : memref<1000000xi32, #tpu.memory_space<hbm>> -> memref<1536xi32, #tpu.memory_space<hbm>>
    %dma_start3A_28 = tpu.memref_slice %arg7[%min3A_26] : memref<1000000xi32, #tpu.memory_space<hbm>> -> memref<1536xi32, #tpu.memory_space<hbm>>
    tpu.enqueue_dma source(%dma_start3A_28 : memref<1536xi32, #tpu.memory_space<hbm>>) target(%arg19 : memref<1536xi32, #tpu.memory_space<vmem>>) target_semaphore(%arg23 : memref<!tpu.dma_semaphore, #tpu.memory_space<semaphore_mem>>)
    %dma_start3A_29 = tpu.memref_slice %arg8[%min3A_26] : memref<1000000xf32, #tpu.memory_space<hbm>> -> memref<1536xf32, #tpu.memory_space<hbm>>
    %dma_start3A_30 = tpu.memref_slice %arg8[%min3A_26] : memref<1000000xf32, #tpu.memory_space<hbm>> -> memref<1536xf32, #tpu.memory_space<hbm>>
    tpu.enqueue_dma source(%dma_start3A_30 : memref<1536xf32, #tpu.memory_space<hbm>>) target(%arg21 : memref<1536xf32, #tpu.memory_space<vmem>>) target_semaphore(%arg23 : memref<!tpu.dma_semaphore, #tpu.memory_space<semaphore_mem>>)
    %dma_start3A_31 = arith.constant 0 : i32
    %dma_start3A_32 = tpu.memref_slice %arg6[%dma_start3A_31, %min3A_26] : memref<8x1000000xf32, #tpu.memory_space<hbm>> -> memref<8x1536xf32, #tpu.memory_space<hbm>>
    %dma_start3A_33 = arith.constant 0 : i32
    %dma_start3A_34 = tpu.memref_slice %arg6[%dma_start3A_33, %min3A_26] : memref<8x1000000xf32, #tpu.memory_space<hbm>> -> memref<8x1536xf32, #tpu.memory_space<hbm>>
    tpu.enqueue_dma source(%dma_start3A_34 : memref<8x1536xf32, #tpu.memory_space<hbm>>) target(%arg15 : memref<8x1536xf32, #tpu.memory_space<vmem>>) target_semaphore(%arg23 : memref<!tpu.dma_semaphore, #tpu.memory_space<semaphore_mem>>)
    %mul3A_35 = arith.constant 21 : i32
    %mul3A_36 = arith.muli %add3A, %mul3A_35 : i32
    %min3A_37 = arith.constant 0 : i32
    %min3A_38 = arith.constant 20 : i32
    %min3A_39 = arith.minsi %min3A_37, %min3A_38 : i32
    %add3A_40 = arith.addi %mul3A_36, %min3A_39 : i32
    %mul3A_41 = arith.constant 1536 : i32
    %mul3A_42 = arith.muli %add3A_40, %mul3A_41 : i32
    %min3A_43 = arith.constant 998528 : i32
    %min3A_44 = arith.minsi %mul3A_42, %min3A_43 : i32
    %dma_wait3A = tpu.memref_slice %arg7[%min3A_44] : memref<1000000xi32, #tpu.memory_space<hbm>> -> memref<1536xi32, #tpu.memory_space<hbm>>
    %dma_wait3A_45 = tpu.memref_slice %arg7[%min3A_44] : memref<1000000xi32, #tpu.memory_space<hbm>> -> memref<1536xi32, #tpu.memory_space<hbm>>
    tpu.wait_dma2 semaphore(%arg22 : memref<!tpu.dma_semaphore, #tpu.memory_space<semaphore_mem>>) src(%dma_wait3A_45 : memref<1536xi32, #tpu.memory_space<hbm>>) dst(%arg18 : memref<1536xi32, #tpu.memory_space<vmem>>)
    %dma_wait3A_46 = tpu.memref_slice %arg8[%min3A_44] : memref<1000000xf32, #tpu.memory_space<hbm>> -> memref<1536xf32, #tpu.memory_space<hbm>>
    %dma_wait3A_47 = tpu.memref_slice %arg8[%min3A_44] : memref<1000000xf32, #tpu.memory_space<hbm>> -> memref<1536xf32, #tpu.memory_space<hbm>>
    tpu.wait_dma2 semaphore(%arg22 : memref<!tpu.dma_semaphore, #tpu.memory_space<semaphore_mem>>) src(%dma_wait3A_47 : memref<1536xf32, #tpu.memory_space<hbm>>) dst(%arg20 : memref<1536xf32, #tpu.memory_space<vmem>>)
    %dma_wait3A_48 = arith.constant 0 : i32
    %dma_wait3A_49 = tpu.memref_slice %arg6[%dma_wait3A_48, %min3A_44] : memref<8x1000000xf32, #tpu.memory_space<hbm>> -> memref<8x1536xf32, #tpu.memory_space<hbm>>
    %dma_wait3A_50 = arith.constant 0 : i32
    %dma_wait3A_51 = tpu.memref_slice %arg6[%dma_wait3A_50, %min3A_44] : memref<8x1000000xf32, #tpu.memory_space<hbm>> -> memref<8x1536xf32, #tpu.memory_space<hbm>>
    tpu.wait_dma2 semaphore(%arg22 : memref<!tpu.dma_semaphore, #tpu.memory_space<semaphore_mem>>) src(%dma_wait3A_51 : memref<8x1536xf32, #tpu.memory_space<hbm>>) dst(%arg14 : memref<8x1536xf32, #tpu.memory_space<vmem>>)
    %scan3A = arith.constant 0 : i32
    %scan3A_52 = arith.constant 0 : i32
    %scan3A_53 = arith.constant 32 : i32
    %scan3A_54 = arith.addi %scan3A_52, %scan3A_53 : i32
    %scan3A_55 = arith.constant 1 : i32
    scf.for %scan3A_215 = %scan3A_52 to %scan3A_54 step %scan3A_55  : i32 {
      %mul3A_216 = arith.constant 3 : i32
      %mul3A_217 = arith.muli %scan3A_215, %mul3A_216 : i32
      %add3A_218 = arith.constant 0 : i32
      %add3A_219 = arith.addi %mul3A_217, %add3A_218 : i32
      %mul3A_220 = arith.constant 16 : i32
      %mul3A_221 = arith.muli %add3A_219, %mul3A_220 : i32
      %get3A = arith.index_cast %mul3A_221 : i32 to index
      %get3A_222 = tpu.vector_load %arg18[%get3A] {strides = array<i32>} : memref<1536xi32, #tpu.memory_space<vmem>>, vector<16xi32>,
      %and3A = arith.constant 16383 : i32
      %and3A_223 = vector.broadcast %and3A : i32 to vector<16xi32>
      %and3A_224 = arith.andi %get3A_222, %and3A_223 : vector<16xi32>
      %gather3A = tpu.vector_load_idx %arg10[%and3A_224] : memref<16384xi32, #tpu.memory_space<vmem>>[vector<16xi32>], vector<16xi32>,
      %gather3A_225 = tpu.vector_load_idx %arg11[%and3A_224] : memref<16384xi32, #tpu.memory_space<vmem>>[vector<16xi32>], vector<16xi32>,
      %gather3A_226 = tpu.vector_load_idx %arg12[%and3A_224] : memref<16384xi32, #tpu.memory_space<vmem>>[vector<16xi32>], vector<16xi32>,
      %gather3A_227 = tpu.vector_load_idx %arg13[%and3A_224] : memref<16384xi32, #tpu.memory_space<vmem>>[vector<16xi32>], vector<16xi32>,
      %get3A_228 = arith.index_cast %mul3A_221 : i32 to index
      %get3A_229 = tpu.vector_load %arg20[%get3A_228] {strides = array<i32>} : memref<1536xf32, #tpu.memory_space<vmem>>, vector<16xf32>,
      %get3A_230 = arith.constant 0 : i32
      %get3A_231 = arith.index_cast %get3A_230 : i32 to index
      %get3A_232 = arith.index_cast %mul3A_221 : i32 to index
      %get3A_233 = tpu.vector_load %arg14[%get3A_231, %get3A_232] {strides = array<i32>} : memref<8x1536xf32, #tpu.memory_space<vmem>>, vector<16xf32>,
      %get3A_234 = arith.constant 1 : i32
      %get3A_235 = arith.index_cast %get3A_234 : i32 to index
      %get3A_236 = arith.index_cast %mul3A_221 : i32 to index
      %get3A_237 = tpu.vector_load %arg14[%get3A_235, %get3A_236] {strides = array<i32>} : memref<8x1536xf32, #tpu.memory_space<vmem>>, vector<16xf32>,
      %get3A_238 = arith.constant 2 : i32
      %get3A_239 = arith.index_cast %get3A_238 : i32 to index
      %get3A_240 = arith.index_cast %mul3A_221 : i32 to index
      %get3A_241 = tpu.vector_load %arg14[%get3A_239, %get3A_240] {strides = array<i32>} : memref<8x1536xf32, #tpu.memory_space<vmem>>, vector<16xf32>,
      %get3A_242 = arith.constant 3 : i32
      %get3A_243 = arith.index_cast %get3A_242 : i32 to index
      %get3A_244 = arith.index_cast %mul3A_221 : i32 to index
      %get3A_245 = tpu.vector_load %arg14[%get3A_243, %get3A_244] {strides = array<i32>} : memref<8x1536xf32, #tpu.memory_space<vmem>>, vector<16xf32>,
      %get3A_246 = arith.constant 4 : i32
      %get3A_247 = arith.index_cast %get3A_246 : i32 to index
      %get3A_248 = arith.index_cast %mul3A_221 : i32 to index
      %get3A_249 = tpu.vector_load %arg14[%get3A_247, %get3A_248] {strides = array<i32>} : memref<8x1536xf32, #tpu.memory_space<vmem>>, vector<16xf32>,
      %get3A_250 = arith.constant 5 : i32
      %get3A_251 = arith.index_cast %get3A_250 : i32 to index
      %get3A_252 = arith.index_cast %mul3A_221 : i32 to index
      %get3A_253 = tpu.vector_load %arg14[%get3A_251, %get3A_252] {strides = array<i32>} : memref<8x1536xf32, #tpu.memory_space<vmem>>, vector<16xf32>,
      %get3A_254 = arith.constant 6 : i32
      %get3A_255 = arith.index_cast %get3A_254 : i32 to index
      %get3A_256 = arith.index_cast %mul3A_221 : i32 to index
      %get3A_257 = tpu.vector_load %arg14[%get3A_255, %get3A_256] {strides = array<i32>} : memref<8x1536xf32, #tpu.memory_space<vmem>>, vector<16xf32>,
      %get3A_258 = arith.constant 7 : i32
      %get3A_259 = arith.index_cast %get3A_258 : i32 to index
      %get3A_260 = arith.index_cast %mul3A_221 : i32 to index
      %get3A_261 = tpu.vector_load %arg14[%get3A_259, %get3A_260] {strides = array<i32>} : memref<8x1536xf32, #tpu.memory_space<vmem>>, vector<16xf32>,
      %mul3A_262 = arith.constant 3 : i32
      %mul3A_263 = arith.muli %scan3A_215, %mul3A_262 : i32
      %add3A_264 = arith.constant 1 : i32
      %add3A_265 = arith.addi %mul3A_263, %add3A_264 : i32
      %mul3A_266 = arith.constant 16 : i32
      %mul3A_267 = arith.muli %add3A_265, %mul3A_266 : i32
      %get3A_268 = arith.index_cast %mul3A_267 : i32 to index
      %get3A_269 = tpu.vector_load %arg18[%get3A_268] {strides = array<i32>} : memref<1536xi32, #tpu.memory_space<vmem>>, vector<16xi32>,
      %and3A_270 = arith.constant 16383 : i32
      %and3A_271 = vector.broadcast %and3A_270 : i32 to vector<16xi32>
      %and3A_272 = arith.andi %get3A_269, %and3A_271 : vector<16xi32>
      %gather3A_273 = tpu.vector_load_idx %arg10[%and3A_272] : memref<16384xi32, #tpu.memory_space<vmem>>[vector<16xi32>], vector<16xi32>,
      %gather3A_274 = tpu.vector_load_idx %arg11[%and3A_272] : memref<16384xi32, #tpu.memory_space<vmem>>[vector<16xi32>], vector<16xi32>,
      %gather3A_275 = tpu.vector_load_idx %arg12[%and3A_272] : memref<16384xi32, #tpu.memory_space<vmem>>[vector<16xi32>], vector<16xi32>,
      %gather3A_276 = tpu.vector_load_idx %arg13[%and3A_272] : memref<16384xi32, #tpu.memory_space<vmem>>[vector<16xi32>], vector<16xi32>,
      %get3A_277 = arith.index_cast %mul3A_267 : i32 to index
      %get3A_278 = tpu.vector_load %arg20[%get3A_277] {strides = array<i32>} : memref<1536xf32, #tpu.memory_space<vmem>>, vector<16xf32>,
      %get3A_279 = arith.constant 0 : i32
      %get3A_280 = arith.index_cast %get3A_279 : i32 to index
      %get3A_281 = arith.index_cast %mul3A_267 : i32 to index
      %get3A_282 = tpu.vector_load %arg14[%get3A_280, %get3A_281] {strides = array<i32>} : memref<8x1536xf32, #tpu.memory_space<vmem>>, vector<16xf32>,
      %get3A_283 = arith.constant 1 : i32
      %get3A_284 = arith.index_cast %get3A_283 : i32 to index
      %get3A_285 = arith.index_cast %mul3A_267 : i32 to index
      %get3A_286 = tpu.vector_load %arg14[%get3A_284, %get3A_285] {strides = array<i32>} : memref<8x1536xf32, #tpu.memory_space<vmem>>, vector<16xf32>,
      %get3A_287 = arith.constant 2 : i32
      %get3A_288 = arith.index_cast %get3A_287 : i32 to index
      %get3A_289 = arith.index_cast %mul3A_267 : i32 to index
      %get3A_290 = tpu.vector_load %arg14[%get3A_288, %get3A_289] {strides = array<i32>} : memref<8x1536xf32, #tpu.memory_space<vmem>>, vector<16xf32>,
      %get3A_291 = arith.constant 3 : i32
      %get3A_292 = arith.index_cast %get3A_291 : i32 to index
      %get3A_293 = arith.index_cast %mul3A_267 : i32 to index
      %get3A_294 = tpu.vector_load %arg14[%get3A_292, %get3A_293] {strides = array<i32>} : memref<8x1536xf32, #tpu.memory_space<vmem>>, vector<16xf32>,
      %get3A_295 = arith.constant 4 : i32
      %get3A_296 = arith.index_cast %get3A_295 : i32 to index
      %get3A_297 = arith.index_cast %mul3A_267 : i32 to index
      %get3A_298 = tpu.vector_load %arg14[%get3A_296, %get3A_297] {strides = array<i32>} : memref<8x1536xf32, #tpu.memory_space<vmem>>, vector<16xf32>,
      %get3A_299 = arith.constant 5 : i32
      %get3A_300 = arith.index_cast %get3A_299 : i32 to index
      %get3A_301 = arith.index_cast %mul3A_267 : i32 to index
      %get3A_302 = tpu.vector_load %arg14[%get3A_300, %get3A_301] {strides = array<i32>} : memref<8x1536xf32, #tpu.memory_space<vmem>>, vector<16xf32>,
      %get3A_303 = arith.constant 6 : i32
      %get3A_304 = arith.index_cast %get3A_303 : i32 to index
      %get3A_305 = arith.index_cast %mul3A_267 : i32 to index
      %get3A_306 = tpu.vector_load %arg14[%get3A_304, %get3A_305] {strides = array<i32>} : memref<8x1536xf32, #tpu.memory_space<vmem>>, vector<16xf32>,
      %get3A_307 = arith.constant 7 : i32
      %get3A_308 = arith.index_cast %get3A_307 : i32 to index
      %get3A_309 = arith.index_cast %mul3A_267 : i32 to index
      %get3A_310 = tpu.vector_load %arg14[%get3A_308, %get3A_309] {strides = array<i32>} : memref<8x1536xf32, #tpu.memory_space<vmem>>, vector<16xf32>,
      %mul3A_311 = arith.constant 3 : i32
      %mul3A_312 = arith.muli %scan3A_215, %mul3A_311 : i32
      %add3A_313 = arith.constant 2 : i32
      %add3A_314 = arith.addi %mul3A_312, %add3A_313 : i32
      %mul3A_315 = arith.constant 16 : i32
      %mul3A_316 = arith.muli %add3A_314, %mul3A_315 : i32
      %get3A_317 = arith.index_cast %mul3A_316 : i32 to index
      %get3A_318 = tpu.vector_load %arg18[%get3A_317] {strides = array<i32>} : memref<1536xi32, #tpu.memory_space<vmem>>, vector<16xi32>,
      %and3A_319 = arith.constant 16383 : i32
      %and3A_320 = vector.broadcast %and3A_319 : i32 to vector<16xi32>
      %and3A_321 = arith.andi %get3A_318, %and3A_320 : vector<16xi32>
      %gather3A_322 = tpu.vector_load_idx %arg10[%and3A_321] : memref<16384xi32, #tpu.memory_space<vmem>>[vector<16xi32>], vector<16xi32>,
      %gather3A_323 = tpu.vector_load_idx %arg11[%and3A_321] : memref<16384xi32, #tpu.memory_space<vmem>>[vector<16xi32>], vector<16xi32>,
      %gather3A_324 = tpu.vector_load_idx %arg12[%and3A_321] : memref<16384xi32, #tpu.memory_space<vmem>>[vector<16xi32>], vector<16xi32>,
      %gather3A_325 = tpu.vector_load_idx %arg13[%and3A_321] : memref<16384xi32, #tpu.memory_space<vmem>>[vector<16xi32>], vector<16xi32>,
      %get3A_326 = arith.index_cast %mul3A_316 : i32 to index
      %get3A_327 = tpu.vector_load %arg20[%get3A_326] {strides = array<i32>} : memref<1536xf32, #tpu.memory_space<vmem>>, vector<16xf32>,
      %get3A_328 = arith.constant 0 : i32
      %get3A_329 = arith.index_cast %get3A_328 : i32 to index
      %get3A_330 = arith.index_cast %mul3A_316 : i32 to index
      %get3A_331 = tpu.vector_load %arg14[%get3A_329, %get3A_330] {strides = array<i32>} : memref<8x1536xf32, #tpu.memory_space<vmem>>, vector<16xf32>,
      %get3A_332 = arith.constant 1 : i32
      %get3A_333 = arith.index_cast %get3A_332 : i32 to index
      %get3A_334 = arith.index_cast %mul3A_316 : i32 to index
      %get3A_335 = tpu.vector_load %arg14[%get3A_333, %get3A_334] {strides = array<i32>} : memref<8x1536xf32, #tpu.memory_space<vmem>>, vector<16xf32>,
      %get3A_336 = arith.constant 2 : i32
      %get3A_337 = arith.index_cast %get3A_336 : i32 to index
      %get3A_338 = arith.index_cast %mul3A_316 : i32 to index
      %get3A_339 = tpu.vector_load %arg14[%get3A_337, %get3A_338] {strides = array<i32>} : memref<8x1536xf32, #tpu.memory_space<vmem>>, vector<16xf32>,
      %get3A_340 = arith.constant 3 : i32
      %get3A_341 = arith.index_cast %get3A_340 : i32 to index
      %get3A_342 = arith.index_cast %mul3A_316 : i32 to index
      %get3A_343 = tpu.vector_load %arg14[%get3A_341, %get3A_342] {strides = array<i32>} : memref<8x1536xf32, #tpu.memory_space<vmem>>, vector<16xf32>,
      %get3A_344 = arith.constant 4 : i32
      %get3A_345 = arith.index_cast %get3A_344 : i32 to index
      %get3A_346 = arith.index_cast %mul3A_316 : i32 to index
      %get3A_347 = tpu.vector_load %arg14[%get3A_345, %get3A_346] {strides = array<i32>} : memref<8x1536xf32, #tpu.memory_space<vmem>>, vector<16xf32>,
      %get3A_348 = arith.constant 5 : i32
      %get3A_349 = arith.index_cast %get3A_348 : i32 to index
      %get3A_350 = arith.index_cast %mul3A_316 : i32 to index
      %get3A_351 = tpu.vector_load %arg14[%get3A_349, %get3A_350] {strides = array<i32>} : memref<8x1536xf32, #tpu.memory_space<vmem>>, vector<16xf32>,
      %get3A_352 = arith.constant 6 : i32
      %get3A_353 = arith.index_cast %get3A_352 : i32 to index
      %get3A_354 = arith.index_cast %mul3A_316 : i32 to index
      %get3A_355 = tpu.vector_load %arg14[%get3A_353, %get3A_354] {strides = array<i32>} : memref<8x1536xf32, #tpu.memory_space<vmem>>, vector<16xf32>,
      %get3A_356 = arith.constant 7 : i32
      %get3A_357 = arith.index_cast %get3A_356 : i32 to index
      %get3A_358 = arith.index_cast %mul3A_316 : i32 to index
      %get3A_359 = tpu.vector_load %arg14[%get3A_357, %get3A_358] {strides = array<i32>} : memref<8x1536xf32, #tpu.memory_space<vmem>>, vector<16xf32>,
      %and3A_360 = arith.constant -65536 : i32
      %and3A_361 = vector.broadcast %and3A_360 : i32 to vector<16xi32>
      %and3A_362 = arith.andi %gather3A, %and3A_361 : vector<16xi32>
      %bitcast3A = vector.bitcast %and3A_362 : vector<16xi32> to vector<16xf32>
      %shift_left3A = arith.constant 16 : i32
      %shift_left3A_363 = vector.broadcast %shift_left3A : i32 to vector<16xi32>
      %shift_left3A_364 = arith.shli %gather3A, %shift_left3A_363 : vector<16xi32>
      %bitcast3A_365 = vector.bitcast %shift_left3A_364 : vector<16xi32> to vector<16xf32>
      %and3A_366 = arith.constant -65536 : i32
      %and3A_367 = vector.broadcast %and3A_366 : i32 to vector<16xi32>
      %and3A_368 = arith.andi %gather3A_225, %and3A_367 : vector<16xi32>
      %bitcast3A_369 = vector.bitcast %and3A_368 : vector<16xi32> to vector<16xf32>
      %shift_left3A_370 = arith.constant 16 : i32
      %shift_left3A_371 = vector.broadcast %shift_left3A_370 : i32 to vector<16xi32>
      %shift_left3A_372 = arith.shli %gather3A_225, %shift_left3A_371 : vector<16xi32>
      %bitcast3A_373 = vector.bitcast %shift_left3A_372 : vector<16xi32> to vector<16xf32>
      %and3A_374 = arith.constant -65536 : i32
      %and3A_375 = vector.broadcast %and3A_374 : i32 to vector<16xi32>
      %and3A_376 = arith.andi %gather3A_226, %and3A_375 : vector<16xi32>
      %bitcast3A_377 = vector.bitcast %and3A_376 : vector<16xi32> to vector<16xf32>
      %shift_left3A_378 = arith.constant 16 : i32
      %shift_left3A_379 = vector.broadcast %shift_left3A_378 : i32 to vector<16xi32>
      %shift_left3A_380 = arith.shli %gather3A_226, %shift_left3A_379 : vector<16xi32>
      %bitcast3A_381 = vector.bitcast %shift_left3A_380 : vector<16xi32> to vector<16xf32>
      %and3A_382 = arith.constant -65536 : i32
      %and3A_383 = vector.broadcast %and3A_382 : i32 to vector<16xi32>
      %and3A_384 = arith.andi %gather3A_227, %and3A_383 : vector<16xi32>
      %bitcast3A_385 = vector.bitcast %and3A_384 : vector<16xi32> to vector<16xf32>
      %mul3A_386 = arith.mulf %bitcast3A_385, %get3A_229 : vector<16xf32>
      %shift_left3A_387 = arith.constant 16 : i32
      %shift_left3A_388 = vector.broadcast %shift_left3A_387 : i32 to vector<16xi32>
      %shift_left3A_389 = arith.shli %gather3A_227, %shift_left3A_388 : vector<16xi32>
      %bitcast3A_390 = vector.bitcast %shift_left3A_389 : vector<16xi32> to vector<16xf32>
      %mul3A_391 = arith.mulf %bitcast3A_390, %get3A_229 : vector<16xf32>
      %mul3A_392 = arith.mulf %bitcast3A_365, %get3A_253 : vector<16xf32>
      %mul3A_393 = arith.mulf %bitcast3A_369, %get3A_249 : vector<16xf32>
      %sub3A = arith.subf %mul3A_392, %mul3A_393 : vector<16xf32>
      %mul3A_394 = arith.mulf %bitcast3A_369, %get3A_245 : vector<16xf32>
      %mul3A_395 = arith.mulf %bitcast3A, %get3A_253 : vector<16xf32>
      %sub3A_396 = arith.subf %mul3A_394, %mul3A_395 : vector<16xf32>
      %mul3A_397 = arith.mulf %bitcast3A, %get3A_249 : vector<16xf32>
      %mul3A_398 = arith.mulf %bitcast3A_365, %get3A_245 : vector<16xf32>
      %sub3A_399 = arith.subf %mul3A_397, %mul3A_398 : vector<16xf32>
      %mul3A_400 = arith.mulf %bitcast3A_365, %sub3A_399 : vector<16xf32>
      %mul3A_401 = arith.mulf %bitcast3A_369, %sub3A_396 : vector<16xf32>
      %sub3A_402 = arith.subf %mul3A_400, %mul3A_401 : vector<16xf32>
      %mul3A_403 = arith.mulf %bitcast3A_369, %sub3A : vector<16xf32>
      %mul3A_404 = arith.mulf %bitcast3A, %sub3A_399 : vector<16xf32>
      %sub3A_405 = arith.subf %mul3A_403, %mul3A_404 : vector<16xf32>
      %mul3A_406 = arith.mulf %bitcast3A, %sub3A_396 : vector<16xf32>
      %mul3A_407 = arith.mulf %bitcast3A_365, %sub3A : vector<16xf32>
      %sub3A_408 = arith.subf %mul3A_406, %mul3A_407 : vector<16xf32>
      %mul3A_409 = arith.mulf %bitcast3A_373, %get3A_229 : vector<16xf32>
      %add3A_410 = arith.addf %get3A_233, %mul3A_409 : vector<16xf32>
      %mul3A_411 = arith.mulf %bitcast3A_377, %get3A_229 : vector<16xf32>
      %add3A_412 = arith.addf %get3A_237, %mul3A_411 : vector<16xf32>
      %mul3A_413 = arith.mulf %bitcast3A_381, %get3A_229 : vector<16xf32>
      %add3A_414 = arith.addf %get3A_241, %mul3A_413 : vector<16xf32>
      %mul3A_415 = arith.mulf %mul3A_386, %sub3A : vector<16xf32>
      %add3A_416 = arith.addf %get3A_245, %mul3A_415 : vector<16xf32>
      %mul3A_417 = arith.mulf %mul3A_391, %sub3A_402 : vector<16xf32>
      %add3A_418 = arith.addf %add3A_416, %mul3A_417 : vector<16xf32>
      %mul3A_419 = arith.mulf %mul3A_386, %sub3A_396 : vector<16xf32>
      %add3A_420 = arith.addf %get3A_249, %mul3A_419 : vector<16xf32>
      %mul3A_421 = arith.mulf %mul3A_391, %sub3A_405 : vector<16xf32>
      %add3A_422 = arith.addf %add3A_420, %mul3A_421 : vector<16xf32>
      %mul3A_423 = arith.mulf %mul3A_386, %sub3A_399 : vector<16xf32>
      %add3A_424 = arith.addf %get3A_253, %mul3A_423 : vector<16xf32>
      %mul3A_425 = arith.mulf %mul3A_391, %sub3A_408 : vector<16xf32>
      %add3A_426 = arith.addf %add3A_424, %mul3A_425 : vector<16xf32>
      %and3A_427 = arith.constant -65536 : i32
      %and3A_428 = vector.broadcast %and3A_427 : i32 to vector<16xi32>
      %and3A_429 = arith.andi %gather3A_273, %and3A_428 : vector<16xi32>
      %bitcast3A_430 = vector.bitcast %and3A_429 : vector<16xi32> to vector<16xf32>
      %shift_left3A_431 = arith.constant 16 : i32
      %shift_left3A_432 = vector.broadcast %shift_left3A_431 : i32 to vector<16xi32>
      %shift_left3A_433 = arith.shli %gather3A_273, %shift_left3A_432 : vector<16xi32>
      %bitcast3A_434 = vector.bitcast %shift_left3A_433 : vector<16xi32> to vector<16xf32>
      %and3A_435 = arith.constant -65536 : i32
      %and3A_436 = vector.broadcast %and3A_435 : i32 to vector<16xi32>
      %and3A_437 = arith.andi %gather3A_274, %and3A_436 : vector<16xi32>
      %bitcast3A_438 = vector.bitcast %and3A_437 : vector<16xi32> to vector<16xf32>
      %shift_left3A_439 = arith.constant 16 : i32
      %shift_left3A_440 = vector.broadcast %shift_left3A_439 : i32 to vector<16xi32>
      %shift_left3A_441 = arith.shli %gather3A_274, %shift_left3A_440 : vector<16xi32>
      %bitcast3A_442 = vector.bitcast %shift_left3A_441 : vector<16xi32> to vector<16xf32>
      %and3A_443 = arith.constant -65536 : i32
      %and3A_444 = vector.broadcast %and3A_443 : i32 to vector<16xi32>
      %and3A_445 = arith.andi %gather3A_275, %and3A_444 : vector<16xi32>
      %bitcast3A_446 = vector.bitcast %and3A_445 : vector<16xi32> to vector<16xf32>
      %shift_left3A_447 = arith.constant 16 : i32
      %shift_left3A_448 = vector.broadcast %shift_left3A_447 : i32 to vector<16xi32>
      %shift_left3A_449 = arith.shli %gather3A_275, %shift_left3A_448 : vector<16xi32>
      %bitcast3A_450 = vector.bitcast %shift_left3A_449 : vector<16xi32> to vector<16xf32>
      %and3A_451 = arith.constant -65536 : i32
      %and3A_452 = vector.broadcast %and3A_451 : i32 to vector<16xi32>
      %and3A_453 = arith.andi %gather3A_276, %and3A_452 : vector<16xi32>
      %bitcast3A_454 = vector.bitcast %and3A_453 : vector<16xi32> to vector<16xf32>
      %mul3A_455 = arith.mulf %bitcast3A_454, %get3A_278 : vector<16xf32>
      %shift_left3A_456 = arith.constant 16 : i32
      %shift_left3A_457 = vector.broadcast %shift_left3A_456 : i32 to vector<16xi32>
      %shift_left3A_458 = arith.shli %gather3A_276, %shift_left3A_457 : vector<16xi32>
      %bitcast3A_459 = vector.bitcast %shift_left3A_458 : vector<16xi32> to vector<16xf32>
      %mul3A_460 = arith.mulf %bitcast3A_459, %get3A_278 : vector<16xf32>
      %mul3A_461 = arith.mulf %bitcast3A_434, %get3A_302 : vector<16xf32>
      %mul3A_462 = arith.mulf %bitcast3A_438, %get3A_298 : vector<16xf32>
      %sub3A_463 = arith.subf %mul3A_461, %mul3A_462 : vector<16xf32>
      %mul3A_464 = arith.mulf %bitcast3A_438, %get3A_294 : vector<16xf32>
      %mul3A_465 = arith.mulf %bitcast3A_430, %get3A_302 : vector<16xf32>
      %sub3A_466 = arith.subf %mul3A_464, %mul3A_465 : vector<16xf32>
      %mul3A_467 = arith.mulf %bitcast3A_430, %get3A_298 : vector<16xf32>
      %mul3A_468 = arith.mulf %bitcast3A_434, %get3A_294 : vector<16xf32>
      %sub3A_469 = arith.subf %mul3A_467, %mul3A_468 : vector<16xf32>
      %mul3A_470 = arith.mulf %bitcast3A_434, %sub3A_469 : vector<16xf32>
      %mul3A_471 = arith.mulf %bitcast3A_438, %sub3A_466 : vector<16xf32>
      %sub3A_472 = arith.subf %mul3A_470, %mul3A_471 : vector<16xf32>
      %mul3A_473 = arith.mulf %bitcast3A_438, %sub3A_463 : vector<16xf32>
      %mul3A_474 = arith.mulf %bitcast3A_430, %sub3A_469 : vector<16xf32>
      %sub3A_475 = arith.subf %mul3A_473, %mul3A_474 : vector<16xf32>
      %mul3A_476 = arith.mulf %bitcast3A_430, %sub3A_466 : vector<16xf32>
      %mul3A_477 = arith.mulf %bitcast3A_434, %sub3A_463 : vector<16xf32>
      %sub3A_478 = arith.subf %mul3A_476, %mul3A_477 : vector<16xf32>
      %mul3A_479 = arith.mulf %bitcast3A_442, %get3A_278 : vector<16xf32>
      %add3A_480 = arith.addf %get3A_282, %mul3A_479 : vector<16xf32>
      %mul3A_481 = arith.mulf %bitcast3A_446, %get3A_278 : vector<16xf32>
      %add3A_482 = arith.addf %get3A_286, %mul3A_481 : vector<16xf32>
      %mul3A_483 = arith.mulf %bitcast3A_450, %get3A_278 : vector<16xf32>
      %add3A_484 = arith.addf %get3A_290, %mul3A_483 : vector<16xf32>
      %mul3A_485 = arith.mulf %mul3A_455, %sub3A_463 : vector<16xf32>
      %add3A_486 = arith.addf %get3A_294, %mul3A_485 : vector<16xf32>
      %mul3A_487 = arith.mulf %mul3A_460, %sub3A_472 : vector<16xf32>
      %add3A_488 = arith.addf %add3A_486, %mul3A_487 : vector<16xf32>
      %mul3A_489 = arith.mulf %mul3A_455, %sub3A_466 : vector<16xf32>
      %add3A_490 = arith.addf %get3A_298, %mul3A_489 : vector<16xf32>
      %mul3A_491 = arith.mulf %mul3A_460, %sub3A_475 : vector<16xf32>
      %add3A_492 = arith.addf %add3A_490, %mul3A_491 : vector<16xf32>
      %mul3A_493 = arith.mulf %mul3A_455, %sub3A_469 : vector<16xf32>
      %add3A_494 = arith.addf %get3A_302, %mul3A_493 : vector<16xf32>
      %mul3A_495 = arith.mulf %mul3A_460, %sub3A_478 : vector<16xf32>
      %add3A_496 = arith.addf %add3A_494, %mul3A_495 : vector<16xf32>
      %and3A_497 = arith.constant -65536 : i32
      %and3A_498 = vector.broadcast %and3A_497 : i32 to vector<16xi32>
      %and3A_499 = arith.andi %gather3A_322, %and3A_498 : vector<16xi32>
      %bitcast3A_500 = vector.bitcast %and3A_499 : vector<16xi32> to vector<16xf32>
      %shift_left3A_501 = arith.constant 16 : i32
      %shift_left3A_502 = vector.broadcast %shift_left3A_501 : i32 to vector<16xi32>
      %shift_left3A_503 = arith.shli %gather3A_322, %shift_left3A_502 : vector<16xi32>
      %bitcast3A_504 = vector.bitcast %shift_left3A_503 : vector<16xi32> to vector<16xf32>
      %and3A_505 = arith.constant -65536 : i32
      %and3A_506 = vector.broadcast %and3A_505 : i32 to vector<16xi32>
      %and3A_507 = arith.andi %gather3A_323, %and3A_506 : vector<16xi32>
      %bitcast3A_508 = vector.bitcast %and3A_507 : vector<16xi32> to vector<16xf32>
      %shift_left3A_509 = arith.constant 16 : i32
      %shift_left3A_510 = vector.broadcast %shift_left3A_509 : i32 to vector<16xi32>
      %shift_left3A_511 = arith.shli %gather3A_323, %shift_left3A_510 : vector<16xi32>
      %bitcast3A_512 = vector.bitcast %shift_left3A_511 : vector<16xi32> to vector<16xf32>
      %and3A_513 = arith.constant -65536 : i32
      %and3A_514 = vector.broadcast %and3A_513 : i32 to vector<16xi32>
      %and3A_515 = arith.andi %gather3A_324, %and3A_514 : vector<16xi32>
      %bitcast3A_516 = vector.bitcast %and3A_515 : vector<16xi32> to vector<16xf32>
      %shift_left3A_517 = arith.constant 16 : i32
      %shift_left3A_518 = vector.broadcast %shift_left3A_517 : i32 to vector<16xi32>
      %shift_left3A_519 = arith.shli %gather3A_324, %shift_left3A_518 : vector<16xi32>
      %bitcast3A_520 = vector.bitcast %shift_left3A_519 : vector<16xi32> to vector<16xf32>
      %and3A_521 = arith.constant -65536 : i32
      %and3A_522 = vector.broadcast %and3A_521 : i32 to vector<16xi32>
      %and3A_523 = arith.andi %gather3A_325, %and3A_522 : vector<16xi32>
      %bitcast3A_524 = vector.bitcast %and3A_523 : vector<16xi32> to vector<16xf32>
      %mul3A_525 = arith.mulf %bitcast3A_524, %get3A_327 : vector<16xf32>
      %shift_left3A_526 = arith.constant 16 : i32
      %shift_left3A_527 = vector.broadcast %shift_left3A_526 : i32 to vector<16xi32>
      %shift_left3A_528 = arith.shli %gather3A_325, %shift_left3A_527 : vector<16xi32>
      %bitcast3A_529 = vector.bitcast %shift_left3A_528 : vector<16xi32> to vector<16xf32>
      %mul3A_530 = arith.mulf %bitcast3A_529, %get3A_327 : vector<16xf32>
      %mul3A_531 = arith.mulf %bitcast3A_504, %get3A_351 : vector<16xf32>
      %mul3A_532 = arith.mulf %bitcast3A_508, %get3A_347 : vector<16xf32>
      %sub3A_533 = arith.subf %mul3A_531, %mul3A_532 : vector<16xf32>
      %mul3A_534 = arith.mulf %bitcast3A_508, %get3A_343 : vector<16xf32>
      %mul3A_535 = arith.mulf %bitcast3A_500, %get3A_351 : vector<16xf32>
      %sub3A_536 = arith.subf %mul3A_534, %mul3A_535 : vector<16xf32>
      %mul3A_537 = arith.mulf %bitcast3A_500, %get3A_347 : vector<16xf32>
      %mul3A_538 = arith.mulf %bitcast3A_504, %get3A_343 : vector<16xf32>
      %sub3A_539 = arith.subf %mul3A_537, %mul3A_538 : vector<16xf32>
      %mul3A_540 = arith.mulf %bitcast3A_504, %sub3A_539 : vector<16xf32>
      %mul3A_541 = arith.mulf %bitcast3A_508, %sub3A_536 : vector<16xf32>
      %sub3A_542 = arith.subf %mul3A_540, %mul3A_541 : vector<16xf32>
      %mul3A_543 = arith.mulf %bitcast3A_508, %sub3A_533 : vector<16xf32>
      %mul3A_544 = arith.mulf %bitcast3A_500, %sub3A_539 : vector<16xf32>
      %sub3A_545 = arith.subf %mul3A_543, %mul3A_544 : vector<16xf32>
      %mul3A_546 = arith.mulf %bitcast3A_500, %sub3A_536 : vector<16xf32>
      %mul3A_547 = arith.mulf %bitcast3A_504, %sub3A_533 : vector<16xf32>
      %sub3A_548 = arith.subf %mul3A_546, %mul3A_547 : vector<16xf32>
      %mul3A_549 = arith.mulf %bitcast3A_512, %get3A_327 : vector<16xf32>
      %add3A_550 = arith.addf %get3A_331, %mul3A_549 : vector<16xf32>
      %mul3A_551 = arith.mulf %bitcast3A_516, %get3A_327 : vector<16xf32>
      %add3A_552 = arith.addf %get3A_335, %mul3A_551 : vector<16xf32>
      %mul3A_553 = arith.mulf %bitcast3A_520, %get3A_327 : vector<16xf32>
      %add3A_554 = arith.addf %get3A_339, %mul3A_553 : vector<16xf32>
      %mul3A_555 = arith.mulf %mul3A_525, %sub3A_533 : vector<16xf32>
      %add3A_556 = arith.addf %get3A_343, %mul3A_555 : vector<16xf32>
      %mul3A_557 = arith.mulf %mul3A_530, %sub3A_542 : vector<16xf32>
      %add3A_558 = arith.addf %add3A_556, %mul3A_557 : vector<16xf32>
      %mul3A_559 = arith.mulf %mul3A_525, %sub3A_536 : vector<16xf32>
      %add3A_560 = arith.addf %get3A_347, %mul3A_559 : vector<16xf32>
      %mul3A_561 = arith.mulf %mul3A_530, %sub3A_545 : vector<16xf32>
      %add3A_562 = arith.addf %add3A_560, %mul3A_561 : vector<16xf32>
      %mul3A_563 = arith.mulf %mul3A_525, %sub3A_539 : vector<16xf32>
      %add3A_564 = arith.addf %get3A_351, %mul3A_563 : vector<16xf32>
      %mul3A_565 = arith.mulf %mul3A_530, %sub3A_548 : vector<16xf32>
      %add3A_566 = arith.addf %add3A_564, %mul3A_565 : vector<16xf32>
      %swap3A = arith.constant 0 : i32
      %swap3A_567 = arith.index_cast %swap3A : i32 to index
      %swap3A_568 = arith.index_cast %mul3A_221 : i32 to index
      %swap3A_569 = tpu.vector_load %arg16[%swap3A_567, %swap3A_568] {strides = array<i32>} : memref<8x1536xf32, #tpu.memory_space<vmem>>, vector<16xf32>,
      tpu.vector_store %arg16[%swap3A_567, %swap3A_568], %add3A_410 {strides = array<i32>} : memref<8x1536xf32, #tpu.memory_space<vmem>>, vector<16xf32>,
      %swap3A_570 = arith.constant 1 : i32
      %swap3A_571 = arith.index_cast %swap3A_570 : i32 to index
      %swap3A_572 = arith.index_cast %mul3A_221 : i32 to index
      %swap3A_573 = tpu.vector_load %arg16[%swap3A_571, %swap3A_572] {strides = array<i32>} : memref<8x1536xf32, #tpu.memory_space<vmem>>, vector<16xf32>,
      tpu.vector_store %arg16[%swap3A_571, %swap3A_572], %add3A_412 {strides = array<i32>} : memref<8x1536xf32, #tpu.memory_space<vmem>>, vector<16xf32>,
      %swap3A_574 = arith.constant 2 : i32
      %swap3A_575 = arith.index_cast %swap3A_574 : i32 to index
      %swap3A_576 = arith.index_cast %mul3A_221 : i32 to index
      %swap3A_577 = tpu.vector_load %arg16[%swap3A_575, %swap3A_576] {strides = array<i32>} : memref<8x1536xf32, #tpu.memory_space<vmem>>, vector<16xf32>,
      tpu.vector_store %arg16[%swap3A_575, %swap3A_576], %add3A_414 {strides = array<i32>} : memref<8x1536xf32, #tpu.memory_space<vmem>>, vector<16xf32>,
      %swap3A_578 = arith.constant 3 : i32
      %swap3A_579 = arith.index_cast %swap3A_578 : i32 to index
      %swap3A_580 = arith.index_cast %mul3A_221 : i32 to index
      %swap3A_581 = tpu.vector_load %arg16[%swap3A_579, %swap3A_580] {strides = array<i32>} : memref<8x1536xf32, #tpu.memory_space<vmem>>, vector<16xf32>,
      tpu.vector_store %arg16[%swap3A_579, %swap3A_580], %add3A_418 {strides = array<i32>} : memref<8x1536xf32, #tpu.memory_space<vmem>>, vector<16xf32>,
      %swap3A_582 = arith.constant 4 : i32
      %swap3A_583 = arith.index_cast %swap3A_582 : i32 to index
      %swap3A_584 = arith.index_cast %mul3A_221 : i32 to index
      %swap3A_585 = tpu.vector_load %arg16[%swap3A_583, %swap3A_584] {strides = array<i32>} : memref<8x1536xf32, #tpu.memory_space<vmem>>, vector<16xf32>,
      tpu.vector_store %arg16[%swap3A_583, %swap3A_584], %add3A_422 {strides = array<i32>} : memref<8x1536xf32, #tpu.memory_space<vmem>>, vector<16xf32>,
      %swap3A_586 = arith.constant 5 : i32
      %swap3A_587 = arith.index_cast %swap3A_586 : i32 to index
      %swap3A_588 = arith.index_cast %mul3A_221 : i32 to index
      %swap3A_589 = tpu.vector_load %arg16[%swap3A_587, %swap3A_588] {strides = array<i32>} : memref<8x1536xf32, #tpu.memory_space<vmem>>, vector<16xf32>,
      tpu.vector_store %arg16[%swap3A_587, %swap3A_588], %add3A_426 {strides = array<i32>} : memref<8x1536xf32, #tpu.memory_space<vmem>>, vector<16xf32>,
      %swap3A_590 = arith.constant 6 : i32
      %swap3A_591 = arith.index_cast %swap3A_590 : i32 to index
      %swap3A_592 = arith.index_cast %mul3A_221 : i32 to index
      %swap3A_593 = tpu.vector_load %arg16[%swap3A_591, %swap3A_592] {strides = array<i32>} : memref<8x1536xf32, #tpu.memory_space<vmem>>, vector<16xf32>,
      tpu.vector_store %arg16[%swap3A_591, %swap3A_592], %get3A_257 {strides = array<i32>} : memref<8x1536xf32, #tpu.memory_space<vmem>>, vector<16xf32>,
      %swap3A_594 = arith.constant 7 : i32
      %swap3A_595 = arith.index_cast %swap3A_594 : i32 to index
      %swap3A_596 = arith.index_cast %mul3A_221 : i32 to index
      %swap3A_597 = tpu.vector_load %arg16[%swap3A_595, %swap3A_596] {strides = array<i32>} : memref<8x1536xf32, #tpu.memory_space<vmem>>, vector<16xf32>,
      tpu.vector_store %arg16[%swap3A_595, %swap3A_596], %get3A_261 {strides = array<i32>} : memref<8x1536xf32, #tpu.memory_space<vmem>>, vector<16xf32>,
      %swap3A_598 = arith.constant 0 : i32
      %swap3A_599 = arith.index_cast %swap3A_598 : i32 to index
      %swap3A_600 = arith.index_cast %mul3A_267 : i32 to index
      %swap3A_601 = tpu.vector_load %arg16[%swap3A_599, %swap3A_600] {strides = array<i32>} : memref<8x1536xf32, #tpu.memory_space<vmem>>, vector<16xf32>,
      tpu.vector_store %arg16[%swap3A_599, %swap3A_600], %add3A_480 {strides = array<i32>} : memref<8x1536xf32, #tpu.memory_space<vmem>>, vector<16xf32>,
      %swap3A_602 = arith.constant 1 : i32
      %swap3A_603 = arith.index_cast %swap3A_602 : i32 to index
      %swap3A_604 = arith.index_cast %mul3A_267 : i32 to index
      %swap3A_605 = tpu.vector_load %arg16[%swap3A_603, %swap3A_604] {strides = array<i32>} : memref<8x1536xf32, #tpu.memory_space<vmem>>, vector<16xf32>,
      tpu.vector_store %arg16[%swap3A_603, %swap3A_604], %add3A_482 {strides = array<i32>} : memref<8x1536xf32, #tpu.memory_space<vmem>>, vector<16xf32>,
      %swap3A_606 = arith.constant 2 : i32
      %swap3A_607 = arith.index_cast %swap3A_606 : i32 to index
      %swap3A_608 = arith.index_cast %mul3A_267 : i32 to index
      %swap3A_609 = tpu.vector_load %arg16[%swap3A_607, %swap3A_608] {strides = array<i32>} : memref<8x1536xf32, #tpu.memory_space<vmem>>, vector<16xf32>,
      tpu.vector_store %arg16[%swap3A_607, %swap3A_608], %add3A_484 {strides = array<i32>} : memref<8x1536xf32, #tpu.memory_space<vmem>>, vector<16xf32>,
      %swap3A_610 = arith.constant 3 : i32
      %swap3A_611 = arith.index_cast %swap3A_610 : i32 to index
      %swap3A_612 = arith.index_cast %mul3A_267 : i32 to index
      %swap3A_613 = tpu.vector_load %arg16[%swap3A_611, %swap3A_612] {strides = array<i32>} : memref<8x1536xf32, #tpu.memory_space<vmem>>, vector<16xf32>,
      tpu.vector_store %arg16[%swap3A_611, %swap3A_612], %add3A_488 {strides = array<i32>} : memref<8x1536xf32, #tpu.memory_space<vmem>>, vector<16xf32>,
      %swap3A_614 = arith.constant 4 : i32
      %swap3A_615 = arith.index_cast %swap3A_614 : i32 to index
      %swap3A_616 = arith.index_cast %mul3A_267 : i32 to index
      %swap3A_617 = tpu.vector_load %arg16[%swap3A_615, %swap3A_616] {strides = array<i32>} : memref<8x1536xf32, #tpu.memory_space<vmem>>, vector<16xf32>,
      tpu.vector_store %arg16[%swap3A_615, %swap3A_616], %add3A_492 {strides = array<i32>} : memref<8x1536xf32, #tpu.memory_space<vmem>>, vector<16xf32>,
      %swap3A_618 = arith.constant 5 : i32
      %swap3A_619 = arith.index_cast %swap3A_618 : i32 to index
      %swap3A_620 = arith.index_cast %mul3A_267 : i32 to index
      %swap3A_621 = tpu.vector_load %arg16[%swap3A_619, %swap3A_620] {strides = array<i32>} : memref<8x1536xf32, #tpu.memory_space<vmem>>, vector<16xf32>,
      tpu.vector_store %arg16[%swap3A_619, %swap3A_620], %add3A_496 {strides = array<i32>} : memref<8x1536xf32, #tpu.memory_space<vmem>>, vector<16xf32>,
      %swap3A_622 = arith.constant 6 : i32
      %swap3A_623 = arith.index_cast %swap3A_622 : i32 to index
      %swap3A_624 = arith.index_cast %mul3A_267 : i32 to index
      %swap3A_625 = tpu.vector_load %arg16[%swap3A_623, %swap3A_624] {strides = array<i32>} : memref<8x1536xf32, #tpu.memory_space<vmem>>, vector<16xf32>,
      tpu.vector_store %arg16[%swap3A_623, %swap3A_624], %get3A_306 {strides = array<i32>} : memref<8x1536xf32, #tpu.memory_space<vmem>>, vector<16xf32>,
      %swap3A_626 = arith.constant 7 : i32
      %swap3A_627 = arith.index_cast %swap3A_626 : i32 to index
      %swap3A_628 = arith.index_cast %mul3A_267 : i32 to index
      %swap3A_629 = tpu.vector_load %arg16[%swap3A_627, %swap3A_628] {strides = array<i32>} : memref<8x1536xf32, #tpu.memory_space<vmem>>, vector<16xf32>,
      tpu.vector_store %arg16[%swap3A_627, %swap3A_628], %get3A_310 {strides = array<i32>} : memref<8x1536xf32, #tpu.memory_space<vmem>>, vector<16xf32>,
      %swap3A_630 = arith.constant 0 : i32
      %swap3A_631 = arith.index_cast %swap3A_630 : i32 to index
      %swap3A_632 = arith.index_cast %mul3A_316 : i32 to index
      %swap3A_633 = tpu.vector_load %arg16[%swap3A_631, %swap3A_632] {strides = array<i32>} : memref<8x1536xf32, #tpu.memory_space<vmem>>, vector<16xf32>,
      tpu.vector_store %arg16[%swap3A_631, %swap3A_632], %add3A_550 {strides = array<i32>} : memref<8x1536xf32, #tpu.memory_space<vmem>>, vector<16xf32>,
      %swap3A_634 = arith.constant 1 : i32
      %swap3A_635 = arith.index_cast %swap3A_634 : i32 to index
      %swap3A_636 = arith.index_cast %mul3A_316 : i32 to index
      %swap3A_637 = tpu.vector_load %arg16[%swap3A_635, %swap3A_636] {strides = array<i32>} : memref<8x1536xf32, #tpu.memory_space<vmem>>, vector<16xf32>,
      tpu.vector_store %arg16[%swap3A_635, %swap3A_636], %add3A_552 {strides = array<i32>} : memref<8x1536xf32, #tpu.memory_space<vmem>>, vector<16xf32>,
      %swap3A_638 = arith.constant 2 : i32
      %swap3A_639 = arith.index_cast %swap3A_638 : i32 to index
      %swap3A_640 = arith.index_cast %mul3A_316 : i32 to index
      %swap3A_641 = tpu.vector_load %arg16[%swap3A_639, %swap3A_640] {strides = array<i32>} : memref<8x1536xf32, #tpu.memory_space<vmem>>, vector<16xf32>,
      tpu.vector_store %arg16[%swap3A_639, %swap3A_640], %add3A_554 {strides = array<i32>} : memref<8x1536xf32, #tpu.memory_space<vmem>>, vector<16xf32>,
      %swap3A_642 = arith.constant 3 : i32
      %swap3A_643 = arith.index_cast %swap3A_642 : i32 to index
      %swap3A_644 = arith.index_cast %mul3A_316 : i32 to index
      %swap3A_645 = tpu.vector_load %arg16[%swap3A_643, %swap3A_644] {strides = array<i32>} : memref<8x1536xf32, #tpu.memory_space<vmem>>, vector<16xf32>,
      tpu.vector_store %arg16[%swap3A_643, %swap3A_644], %add3A_558 {strides = array<i32>} : memref<8x1536xf32, #tpu.memory_space<vmem>>, vector<16xf32>,
      %swap3A_646 = arith.constant 4 : i32
      %swap3A_647 = arith.index_cast %swap3A_646 : i32 to index
      %swap3A_648 = arith.index_cast %mul3A_316 : i32 to index
      %swap3A_649 = tpu.vector_load %arg16[%swap3A_647, %swap3A_648] {strides = array<i32>} : memref<8x1536xf32, #tpu.memory_space<vmem>>, vector<16xf32>,
      tpu.vector_store %arg16[%swap3A_647, %swap3A_648], %add3A_562 {strides = array<i32>} : memref<8x1536xf32, #tpu.memory_space<vmem>>, vector<16xf32>,
      %swap3A_650 = arith.constant 5 : i32
      %swap3A_651 = arith.index_cast %swap3A_650 : i32 to index
      %swap3A_652 = arith.index_cast %mul3A_316 : i32 to index
      %swap3A_653 = tpu.vector_load %arg16[%swap3A_651, %swap3A_652] {strides = array<i32>} : memref<8x1536xf32, #tpu.memory_space<vmem>>, vector<16xf32>,
      tpu.vector_store %arg16[%swap3A_651, %swap3A_652], %add3A_566 {strides = array<i32>} : memref<8x1536xf32, #tpu.memory_space<vmem>>, vector<16xf32>,
      %swap3A_654 = arith.constant 6 : i32
      %swap3A_655 = arith.index_cast %swap3A_654 : i32 to index
      %swap3A_656 = arith.index_cast %mul3A_316 : i32 to index
      %swap3A_657 = tpu.vector_load %arg16[%swap3A_655, %swap3A_656] {strides = array<i32>} : memref<8x1536xf32, #tpu.memory_space<vmem>>, vector<16xf32>,
      tpu.vector_store %arg16[%swap3A_655, %swap3A_656], %get3A_355 {strides = array<i32>} : memref<8x1536xf32, #tpu.memory_space<vmem>>, vector<16xf32>,
      %swap3A_658 = arith.constant 7 : i32
      %swap3A_659 = arith.index_cast %swap3A_658 : i32 to index
      %swap3A_660 = arith.index_cast %mul3A_316 : i32 to index
      %swap3A_661 = tpu.vector_load %arg16[%swap3A_659, %swap3A_660] {strides = array<i32>} : memref<8x1536xf32, #tpu.memory_space<vmem>>, vector<16xf32>,
      tpu.vector_store %arg16[%swap3A_659, %swap3A_660], %get3A_359 {strides = array<i32>} : memref<8x1536xf32, #tpu.memory_space<vmem>>, vector<16xf32>,
    }
    %scan3A_56 = arith.constant 32 : i32
    %mul3A_57 = arith.constant 21 : i32
    %mul3A_58 = arith.muli %add3A, %mul3A_57 : i32
    %min3A_59 = arith.constant 0 : i32
    %min3A_60 = arith.constant 20 : i32
    %min3A_61 = arith.minsi %min3A_59, %min3A_60 : i32
    %add3A_62 = arith.addi %mul3A_58, %min3A_61 : i32
    %mul3A_63 = arith.constant 1536 : i32
    %mul3A_64 = arith.muli %add3A_62, %mul3A_63 : i32
    %min3A_65 = arith.constant 998528 : i32
    %min3A_66 = arith.minsi %mul3A_64, %min3A_65 : i32
    %dma_start3A_67 = arith.constant 0 : i32
    %dma_start3A_68 = tpu.memref_slice %arg9[%dma_start3A_67, %min3A_66] : memref<8x1000000xf32, #tpu.memory_space<hbm>> -> memref<8x1536xf32, #tpu.memory_space<hbm>>
    %dma_start3A_69 = arith.constant 0 : i32
    %dma_start3A_70 = tpu.memref_slice %arg9[%dma_start3A_69, %min3A_66] : memref<8x1000000xf32, #tpu.memory_space<hbm>> -> memref<8x1536xf32, #tpu.memory_space<hbm>>
    tpu.enqueue_dma source(%arg16 : memref<8x1536xf32, #tpu.memory_space<vmem>>) target(%dma_start3A_70 : memref<8x1536xf32, #tpu.memory_space<hbm>>) target_semaphore(%arg24 : memref<!tpu.dma_semaphore, #tpu.memory_space<semaphore_mem>>)
    %mul3A_71 = arith.constant 21 : i32
    %mul3A_72 = arith.muli %add3A, %mul3A_71 : i32
    %min3A_73 = arith.constant 2 : i32
    %min3A_74 = arith.constant 20 : i32
    %min3A_75 = arith.minsi %min3A_73, %min3A_74 : i32
    %add3A_76 = arith.addi %mul3A_72, %min3A_75 : i32
    %mul3A_77 = arith.constant 1536 : i32
    %mul3A_78 = arith.muli %add3A_76, %mul3A_77 : i32
    %min3A_79 = arith.constant 998528 : i32
    %min3A_80 = arith.minsi %mul3A_78, %min3A_79 : i32
    %dma_start3A_81 = tpu.memref_slice %arg7[%min3A_80] : memref<1000000xi32, #tpu.memory_space<hbm>> -> memref<1536xi32, #tpu.memory_space<hbm>>
    %dma_start3A_82 = tpu.memref_slice %arg7[%min3A_80] : memref<1000000xi32, #tpu.memory_space<hbm>> -> memref<1536xi32, #tpu.memory_space<hbm>>
    tpu.enqueue_dma source(%dma_start3A_82 : memref<1536xi32, #tpu.memory_space<hbm>>) target(%arg18 : memref<1536xi32, #tpu.memory_space<vmem>>) target_semaphore(%arg22 : memref<!tpu.dma_semaphore, #tpu.memory_space<semaphore_mem>>)
    %dma_start3A_83 = tpu.memref_slice %arg8[%min3A_80] : memref<1000000xf32, #tpu.memory_space<hbm>> -> memref<1536xf32, #tpu.memory_space<hbm>>
    %dma_start3A_84 = tpu.memref_slice %arg8[%min3A_80] : memref<1000000xf32, #tpu.memory_space<hbm>> -> memref<1536xf32, #tpu.memory_space<hbm>>
    tpu.enqueue_dma source(%dma_start3A_84 : memref<1536xf32, #tpu.memory_space<hbm>>) target(%arg20 : memref<1536xf32, #tpu.memory_space<vmem>>) target_semaphore(%arg22 : memref<!tpu.dma_semaphore, #tpu.memory_space<semaphore_mem>>)
    %dma_start3A_85 = arith.constant 0 : i32
    %dma_start3A_86 = tpu.memref_slice %arg6[%dma_start3A_85, %min3A_80] : memref<8x1000000xf32, #tpu.memory_space<hbm>> -> memref<8x1536xf32, #tpu.memory_space<hbm>>
    %dma_start3A_87 = arith.constant 0 : i32
    %dma_start3A_88 = tpu.memref_slice %arg6[%dma_start3A_87, %min3A_80] : memref<8x1000000xf32, #tpu.memory_space<hbm>> -> memref<8x1536xf32, #tpu.memory_space<hbm>>
    tpu.enqueue_dma source(%dma_start3A_88 : memref<8x1536xf32, #tpu.memory_space<hbm>>) target(%arg14 : memref<8x1536xf32, #tpu.memory_space<vmem>>) target_semaphore(%arg22 : memref<!tpu.dma_semaphore, #tpu.memory_space<semaphore_mem>>)
    %mul3A_89 = arith.constant 21 : i32
    %mul3A_90 = arith.muli %add3A, %mul3A_89 : i32
    %min3A_91 = arith.constant 1 : i32
    %min3A_92 = arith.constant 20 : i32
    %min3A_93 = arith.minsi %min3A_91, %min3A_92 : i32
    %add3A_94 = arith.addi %mul3A_90, %min3A_93 : i32
    %mul3A_95 = arith.constant 1536 : i32
    %mul3A_96 = arith.muli %add3A_94, %mul3A_95 : i32
    %min3A_97 = arith.constant 998528 : i32
    %min3A_98 = arith.minsi %mul3A_96, %min3A_97 : i32
    %dma_wait3A_99 = tpu.memref_slice %arg7[%min3A_98] : memref<1000000xi32, #tpu.memory_space<hbm>> -> memref<1536xi32, #tpu.memory_space<hbm>>
    %dma_wait3A_100 = tpu.memref_slice %arg7[%min3A_98] : memref<1000000xi32, #tpu.memory_space<hbm>> -> memref<1536xi32, #tpu.memory_space<hbm>>
    tpu.wait_dma2 semaphore(%arg23 : memref<!tpu.dma_semaphore, #tpu.memory_space<semaphore_mem>>) src(%dma_wait3A_100 : memref<1536xi32, #tpu.memory_space<hbm>>) dst(%arg19 : memref<1536xi32, #tpu.memory_space<vmem>>)
    %dma_wait3A_101 = tpu.memref_slice %arg8[%min3A_98] : memref<1000000xf32, #tpu.memory_space<hbm>> -> memref<1536xf32, #tpu.memory_space<hbm>>
    %dma_wait3A_102 = tpu.memref_slice %arg8[%min3A_98] : memref<1000000xf32, #tpu.memory_space<hbm>> -> memref<1536xf32, #tpu.memory_space<hbm>>
    tpu.wait_dma2 semaphore(%arg23 : memref<!tpu.dma_semaphore, #tpu.memory_space<semaphore_mem>>) src(%dma_wait3A_102 : memref<1536xf32, #tpu.memory_space<hbm>>) dst(%arg21 : memref<1536xf32, #tpu.memory_space<vmem>>)
    %dma_wait3A_103 = arith.constant 0 : i32
    %dma_wait3A_104 = tpu.memref_slice %arg6[%dma_wait3A_103, %min3A_98] : memref<8x1000000xf32, #tpu.memory_space<hbm>> -> memref<8x1536xf32, #tpu.memory_space<hbm>>
    %dma_wait3A_105 = arith.constant 0 : i32
    %dma_wait3A_106 = tpu.memref_slice %arg6[%dma_wait3A_105, %min3A_98] : memref<8x1000000xf32, #tpu.memory_space<hbm>> -> memref<8x1536xf32, #tpu.memory_space<hbm>>
    tpu.wait_dma2 semaphore(%arg23 : memref<!tpu.dma_semaphore, #tpu.memory_space<semaphore_mem>>) src(%dma_wait3A_106 : memref<8x1536xf32, #tpu.memory_space<hbm>>) dst(%arg15 : memref<8x1536xf32, #tpu.memory_space<vmem>>)
    %scan3A_107 = arith.constant 0 : i32
    %scan3A_108 = arith.constant 0 : i32
    %scan3A_109 = arith.constant 32 : i32
    %scan3A_110 = arith.addi %scan3A_108, %scan3A_109 : i32
    %scan3A_111 = arith.constant 1 : i32
    scf.for %scan3A_215 = %scan3A_108 to %scan3A_110 step %scan3A_111  : i32 {
      %mul3A_216 = arith.constant 3 : i32
      %mul3A_217 = arith.muli %scan3A_215, %mul3A_216 : i32
      %add3A_218 = arith.constant 0 : i32
      %add3A_219 = arith.addi %mul3A_217, %add3A_218 : i32
      %mul3A_220 = arith.constant 16 : i32
      %mul3A_221 = arith.muli %add3A_219, %mul3A_220 : i32
      %get3A = arith.index_cast %mul3A_221 : i32 to index
      %get3A_222 = tpu.vector_load %arg19[%get3A] {strides = array<i32>} : memref<1536xi32, #tpu.memory_space<vmem>>, vector<16xi32>,
      %and3A = arith.constant 16383 : i32
      %and3A_223 = vector.broadcast %and3A : i32 to vector<16xi32>
      %and3A_224 = arith.andi %get3A_222, %and3A_223 : vector<16xi32>
      %gather3A = tpu.vector_load_idx %arg10[%and3A_224] : memref<16384xi32, #tpu.memory_space<vmem>>[vector<16xi32>], vector<16xi32>,
      %gather3A_225 = tpu.vector_load_idx %arg11[%and3A_224] : memref<16384xi32, #tpu.memory_space<vmem>>[vector<16xi32>], vector<16xi32>,
      %gather3A_226 = tpu.vector_load_idx %arg12[%and3A_224] : memref<16384xi32, #tpu.memory_space<vmem>>[vector<16xi32>], vector<16xi32>,
      %gather3A_227 = tpu.vector_load_idx %arg13[%and3A_224] : memref<16384xi32, #tpu.memory_space<vmem>>[vector<16xi32>], vector<16xi32>,
      %get3A_228 = arith.index_cast %mul3A_221 : i32 to index
      %get3A_229 = tpu.vector_load %arg21[%get3A_228] {strides = array<i32>} : memref<1536xf32, #tpu.memory_space<vmem>>, vector<16xf32>,
      %get3A_230 = arith.constant 0 : i32
      %get3A_231 = arith.index_cast %get3A_230 : i32 to index
      %get3A_232 = arith.index_cast %mul3A_221 : i32 to index
      %get3A_233 = tpu.vector_load %arg15[%get3A_231, %get3A_232] {strides = array<i32>} : memref<8x1536xf32, #tpu.memory_space<vmem>>, vector<16xf32>,
      %get3A_234 = arith.constant 1 : i32
      %get3A_235 = arith.index_cast %get3A_234 : i32 to index
      %get3A_236 = arith.index_cast %mul3A_221 : i32 to index
      %get3A_237 = tpu.vector_load %arg15[%get3A_235, %get3A_236] {strides = array<i32>} : memref<8x1536xf32, #tpu.memory_space<vmem>>, vector<16xf32>,
      %get3A_238 = arith.constant 2 : i32
      %get3A_239 = arith.index_cast %get3A_238 : i32 to index
      %get3A_240 = arith.index_cast %mul3A_221 : i32 to index
      %get3A_241 = tpu.vector_load %arg15[%get3A_239, %get3A_240] {strides = array<i32>} : memref<8x1536xf32, #tpu.memory_space<vmem>>, vector<16xf32>,
      %get3A_242 = arith.constant 3 : i32
      %get3A_243 = arith.index_cast %get3A_242 : i32 to index
      %get3A_244 = arith.index_cast %mul3A_221 : i32 to index
      %get3A_245 = tpu.vector_load %arg15[%get3A_243, %get3A_244] {strides = array<i32>} : memref<8x1536xf32, #tpu.memory_space<vmem>>, vector<16xf32>,
      %get3A_246 = arith.constant 4 : i32
      %get3A_247 = arith.index_cast %get3A_246 : i32 to index
      %get3A_248 = arith.index_cast %mul3A_221 : i32 to index
      %get3A_249 = tpu.vector_load %arg15[%get3A_247, %get3A_248] {strides = array<i32>} : memref<8x1536xf32, #tpu.memory_space<vmem>>, vector<16xf32>,
      %get3A_250 = arith.constant 5 : i32
      %get3A_251 = arith.index_cast %get3A_250 : i32 to index
      %get3A_252 = arith.index_cast %mul3A_221 : i32 to index
      %get3A_253 = tpu.vector_load %arg15[%get3A_251, %get3A_252] {strides = array<i32>} : memref<8x1536xf32, #tpu.memory_space<vmem>>, vector<16xf32>,
      %get3A_254 = arith.constant 6 : i32
      %get3A_255 = arith.index_cast %get3A_254 : i32 to index
      %get3A_256 = arith.index_cast %mul3A_221 : i32 to index
      %get3A_257 = tpu.vector_load %arg15[%get3A_255, %get3A_256] {strides = array<i32>} : memref<8x1536xf32, #tpu.memory_space<vmem>>, vector<16xf32>,
      %get3A_258 = arith.constant 7 : i32
      %get3A_259 = arith.index_cast %get3A_258 : i32 to index
      %get3A_260 = arith.index_cast %mul3A_221 : i32 to index
      %get3A_261 = tpu.vector_load %arg15[%get3A_259, %get3A_260] {strides = array<i32>} : memref<8x1536xf32, #tpu.memory_space<vmem>>, vector<16xf32>,
      %mul3A_262 = arith.constant 3 : i32
      %mul3A_263 = arith.muli %scan3A_215, %mul3A_262 : i32
      %add3A_264 = arith.constant 1 : i32
      %add3A_265 = arith.addi %mul3A_263, %add3A_264 : i32
      %mul3A_266 = arith.constant 16 : i32
      %mul3A_267 = arith.muli %add3A_265, %mul3A_266 : i32
      %get3A_268 = arith.index_cast %mul3A_267 : i32 to index
      %get3A_269 = tpu.vector_load %arg19[%get3A_268] {strides = array<i32>} : memref<1536xi32, #tpu.memory_space<vmem>>, vector<16xi32>,
      %and3A_270 = arith.constant 16383 : i32
      %and3A_271 = vector.broadcast %and3A_270 : i32 to vector<16xi32>
      %and3A_272 = arith.andi %get3A_269, %and3A_271 : vector<16xi32>
      %gather3A_273 = tpu.vector_load_idx %arg10[%and3A_272] : memref<16384xi32, #tpu.memory_space<vmem>>[vector<16xi32>], vector<16xi32>,
      %gather3A_274 = tpu.vector_load_idx %arg11[%and3A_272] : memref<16384xi32, #tpu.memory_space<vmem>>[vector<16xi32>], vector<16xi32>,
      %gather3A_275 = tpu.vector_load_idx %arg12[%and3A_272] : memref<16384xi32, #tpu.memory_space<vmem>>[vector<16xi32>], vector<16xi32>,
      %gather3A_276 = tpu.vector_load_idx %arg13[%and3A_272] : memref<16384xi32, #tpu.memory_space<vmem>>[vector<16xi32>], vector<16xi32>,
      %get3A_277 = arith.index_cast %mul3A_267 : i32 to index
      %get3A_278 = tpu.vector_load %arg21[%get3A_277] {strides = array<i32>} : memref<1536xf32, #tpu.memory_space<vmem>>, vector<16xf32>,
      %get3A_279 = arith.constant 0 : i32
      %get3A_280 = arith.index_cast %get3A_279 : i32 to index
      %get3A_281 = arith.index_cast %mul3A_267 : i32 to index
      %get3A_282 = tpu.vector_load %arg15[%get3A_280, %get3A_281] {strides = array<i32>} : memref<8x1536xf32, #tpu.memory_space<vmem>>, vector<16xf32>,
      %get3A_283 = arith.constant 1 : i32
      %get3A_284 = arith.index_cast %get3A_283 : i32 to index
      %get3A_285 = arith.index_cast %mul3A_267 : i32 to index
      %get3A_286 = tpu.vector_load %arg15[%get3A_284, %get3A_285] {strides = array<i32>} : memref<8x1536xf32, #tpu.memory_space<vmem>>, vector<16xf32>,
      %get3A_287 = arith.constant 2 : i32
      %get3A_288 = arith.index_cast %get3A_287 : i32 to index
      %get3A_289 = arith.index_cast %mul3A_267 : i32 to index
      %get3A_290 = tpu.vector_load %arg15[%get3A_288, %get3A_289] {strides = array<i32>} : memref<8x1536xf32, #tpu.memory_space<vmem>>, vector<16xf32>,
      %get3A_291 = arith.constant 3 : i32
      %get3A_292 = arith.index_cast %get3A_291 : i32 to index
      %get3A_293 = arith.index_cast %mul3A_267 : i32 to index
      %get3A_294 = tpu.vector_load %arg15[%get3A_292, %get3A_293] {strides = array<i32>} : memref<8x1536xf32, #tpu.memory_space<vmem>>, vector<16xf32>,
      %get3A_295 = arith.constant 4 : i32
      %get3A_296 = arith.index_cast %get3A_295 : i32 to index
      %get3A_297 = arith.index_cast %mul3A_267 : i32 to index
      %get3A_298 = tpu.vector_load %arg15[%get3A_296, %get3A_297] {strides = array<i32>} : memref<8x1536xf32, #tpu.memory_space<vmem>>, vector<16xf32>,
      %get3A_299 = arith.constant 5 : i32
      %get3A_300 = arith.index_cast %get3A_299 : i32 to index
      %get3A_301 = arith.index_cast %mul3A_267 : i32 to index
      %get3A_302 = tpu.vector_load %arg15[%get3A_300, %get3A_301] {strides = array<i32>} : memref<8x1536xf32, #tpu.memory_space<vmem>>, vector<16xf32>,
      %get3A_303 = arith.constant 6 : i32
      %get3A_304 = arith.index_cast %get3A_303 : i32 to index
      %get3A_305 = arith.index_cast %mul3A_267 : i32 to index
      %get3A_306 = tpu.vector_load %arg15[%get3A_304, %get3A_305] {strides = array<i32>} : memref<8x1536xf32, #tpu.memory_space<vmem>>, vector<16xf32>,
      %get3A_307 = arith.constant 7 : i32
      %get3A_308 = arith.index_cast %get3A_307 : i32 to index
      %get3A_309 = arith.index_cast %mul3A_267 : i32 to index
      %get3A_310 = tpu.vector_load %arg15[%get3A_308, %get3A_309] {strides = array<i32>} : memref<8x1536xf32, #tpu.memory_space<vmem>>, vector<16xf32>,
      %mul3A_311 = arith.constant 3 : i32
      %mul3A_312 = arith.muli %scan3A_215, %mul3A_311 : i32
      %add3A_313 = arith.constant 2 : i32
      %add3A_314 = arith.addi %mul3A_312, %add3A_313 : i32
      %mul3A_315 = arith.constant 16 : i32
      %mul3A_316 = arith.muli %add3A_314, %mul3A_315 : i32
      %get3A_317 = arith.index_cast %mul3A_316 : i32 to index
      %get3A_318 = tpu.vector_load %arg19[%get3A_317] {strides = array<i32>} : memref<1536xi32, #tpu.memory_space<vmem>>, vector<16xi32>,
      %and3A_319 = arith.constant 16383 : i32
      %and3A_320 = vector.broadcast %and3A_319 : i32 to vector<16xi32>
      %and3A_321 = arith.andi %get3A_318, %and3A_320 : vector<16xi32>
      %gather3A_322 = tpu.vector_load_idx %arg10[%and3A_321] : memref<16384xi32, #tpu.memory_space<vmem>>[vector<16xi32>], vector<16xi32>,
      %gather3A_323 = tpu.vector_load_idx %arg11[%and3A_321] : memref<16384xi32, #tpu.memory_space<vmem>>[vector<16xi32>], vector<16xi32>,
      %gather3A_324 = tpu.vector_load_idx %arg12[%and3A_321] : memref<16384xi32, #tpu.memory_space<vmem>>[vector<16xi32>], vector<16xi32>,
      %gather3A_325 = tpu.vector_load_idx %arg13[%and3A_321] : memref<16384xi32, #tpu.memory_space<vmem>>[vector<16xi32>], vector<16xi32>,
      %get3A_326 = arith.index_cast %mul3A_316 : i32 to index
      %get3A_327 = tpu.vector_load %arg21[%get3A_326] {strides = array<i32>} : memref<1536xf32, #tpu.memory_space<vmem>>, vector<16xf32>,
      %get3A_328 = arith.constant 0 : i32
      %get3A_329 = arith.index_cast %get3A_328 : i32 to index
      %get3A_330 = arith.index_cast %mul3A_316 : i32 to index
      %get3A_331 = tpu.vector_load %arg15[%get3A_329, %get3A_330] {strides = array<i32>} : memref<8x1536xf32, #tpu.memory_space<vmem>>, vector<16xf32>,
      %get3A_332 = arith.constant 1 : i32
      %get3A_333 = arith.index_cast %get3A_332 : i32 to index
      %get3A_334 = arith.index_cast %mul3A_316 : i32 to index
      %get3A_335 = tpu.vector_load %arg15[%get3A_333, %get3A_334] {strides = array<i32>} : memref<8x1536xf32, #tpu.memory_space<vmem>>, vector<16xf32>,
      %get3A_336 = arith.constant 2 : i32
      %get3A_337 = arith.index_cast %get3A_336 : i32 to index
      %get3A_338 = arith.index_cast %mul3A_316 : i32 to index
      %get3A_339 = tpu.vector_load %arg15[%get3A_337, %get3A_338] {strides = array<i32>} : memref<8x1536xf32, #tpu.memory_space<vmem>>, vector<16xf32>,
      %get3A_340 = arith.constant 3 : i32
      %get3A_341 = arith.index_cast %get3A_340 : i32 to index
      %get3A_342 = arith.index_cast %mul3A_316 : i32 to index
      %get3A_343 = tpu.vector_load %arg15[%get3A_341, %get3A_342] {strides = array<i32>} : memref<8x1536xf32, #tpu.memory_space<vmem>>, vector<16xf32>,
      %get3A_344 = arith.constant 4 : i32
      %get3A_345 = arith.index_cast %get3A_344 : i32 to index
      %get3A_346 = arith.index_cast %mul3A_316 : i32 to index
      %get3A_347 = tpu.vector_load %arg15[%get3A_345, %get3A_346] {strides = array<i32>} : memref<8x1536xf32, #tpu.memory_space<vmem>>, vector<16xf32>,
      %get3A_348 = arith.constant 5 : i32
      %get3A_349 = arith.index_cast %get3A_348 : i32 to index
      %get3A_350 = arith.index_cast %mul3A_316 : i32 to index
      %get3A_351 = tpu.vector_load %arg15[%get3A_349, %get3A_350] {strides = array<i32>} : memref<8x1536xf32, #tpu.memory_space<vmem>>, vector<16xf32>,
      %get3A_352 = arith.constant 6 : i32
      %get3A_353 = arith.index_cast %get3A_352 : i32 to index
      %get3A_354 = arith.index_cast %mul3A_316 : i32 to index
      %get3A_355 = tpu.vector_load %arg15[%get3A_353, %get3A_354] {strides = array<i32>} : memref<8x1536xf32, #tpu.memory_space<vmem>>, vector<16xf32>,
      %get3A_356 = arith.constant 7 : i32
      %get3A_357 = arith.index_cast %get3A_356 : i32 to index
      %get3A_358 = arith.index_cast %mul3A_316 : i32 to index
      %get3A_359 = tpu.vector_load %arg15[%get3A_357, %get3A_358] {strides = array<i32>} : memref<8x1536xf32, #tpu.memory_space<vmem>>, vector<16xf32>,
      %and3A_360 = arith.constant -65536 : i32
      %and3A_361 = vector.broadcast %and3A_360 : i32 to vector<16xi32>
      %and3A_362 = arith.andi %gather3A, %and3A_361 : vector<16xi32>
      %bitcast3A = vector.bitcast %and3A_362 : vector<16xi32> to vector<16xf32>
      %shift_left3A = arith.constant 16 : i32
      %shift_left3A_363 = vector.broadcast %shift_left3A : i32 to vector<16xi32>
      %shift_left3A_364 = arith.shli %gather3A, %shift_left3A_363 : vector<16xi32>
      %bitcast3A_365 = vector.bitcast %shift_left3A_364 : vector<16xi32> to vector<16xf32>
      %and3A_366 = arith.constant -65536 : i32
      %and3A_367 = vector.broadcast %and3A_366 : i32 to vector<16xi32>
      %and3A_368 = arith.andi %gather3A_225, %and3A_367 : vector<16xi32>
      %bitcast3A_369 = vector.bitcast %and3A_368 : vector<16xi32> to vector<16xf32>
      %shift_left3A_370 = arith.constant 16 : i32
      %shift_left3A_371 = vector.broadcast %shift_left3A_370 : i32 to vector<16xi32>
      %shift_left3A_372 = arith.shli %gather3A_225, %shift_left3A_371 : vector<16xi32>
      %bitcast3A_373 = vector.bitcast %shift_left3A_372 : vector<16xi32> to vector<16xf32>
      %and3A_374 = arith.constant -65536 : i32
      %and3A_375 = vector.broadcast %and3A_374 : i32 to vector<16xi32>
      %and3A_376 = arith.andi %gather3A_226, %and3A_375 : vector<16xi32>
      %bitcast3A_377 = vector.bitcast %and3A_376 : vector<16xi32> to vector<16xf32>
      %shift_left3A_378 = arith.constant 16 : i32
      %shift_left3A_379 = vector.broadcast %shift_left3A_378 : i32 to vector<16xi32>
      %shift_left3A_380 = arith.shli %gather3A_226, %shift_left3A_379 : vector<16xi32>
      %bitcast3A_381 = vector.bitcast %shift_left3A_380 : vector<16xi32> to vector<16xf32>
      %and3A_382 = arith.constant -65536 : i32
      %and3A_383 = vector.broadcast %and3A_382 : i32 to vector<16xi32>
      %and3A_384 = arith.andi %gather3A_227, %and3A_383 : vector<16xi32>
      %bitcast3A_385 = vector.bitcast %and3A_384 : vector<16xi32> to vector<16xf32>
      %mul3A_386 = arith.mulf %bitcast3A_385, %get3A_229 : vector<16xf32>
      %shift_left3A_387 = arith.constant 16 : i32
      %shift_left3A_388 = vector.broadcast %shift_left3A_387 : i32 to vector<16xi32>
      %shift_left3A_389 = arith.shli %gather3A_227, %shift_left3A_388 : vector<16xi32>
      %bitcast3A_390 = vector.bitcast %shift_left3A_389 : vector<16xi32> to vector<16xf32>
      %mul3A_391 = arith.mulf %bitcast3A_390, %get3A_229 : vector<16xf32>
      %mul3A_392 = arith.mulf %bitcast3A_365, %get3A_253 : vector<16xf32>
      %mul3A_393 = arith.mulf %bitcast3A_369, %get3A_249 : vector<16xf32>
      %sub3A = arith.subf %mul3A_392, %mul3A_393 : vector<16xf32>
      %mul3A_394 = arith.mulf %bitcast3A_369, %get3A_245 : vector<16xf32>
      %mul3A_395 = arith.mulf %bitcast3A, %get3A_253 : vector<16xf32>
      %sub3A_396 = arith.subf %mul3A_394, %mul3A_395 : vector<16xf32>
      %mul3A_397 = arith.mulf %bitcast3A, %get3A_249 : vector<16xf32>
      %mul3A_398 = arith.mulf %bitcast3A_365, %get3A_245 : vector<16xf32>
      %sub3A_399 = arith.subf %mul3A_397, %mul3A_398 : vector<16xf32>
      %mul3A_400 = arith.mulf %bitcast3A_365, %sub3A_399 : vector<16xf32>
      %mul3A_401 = arith.mulf %bitcast3A_369, %sub3A_396 : vector<16xf32>
      %sub3A_402 = arith.subf %mul3A_400, %mul3A_401 : vector<16xf32>
      %mul3A_403 = arith.mulf %bitcast3A_369, %sub3A : vector<16xf32>
      %mul3A_404 = arith.mulf %bitcast3A, %sub3A_399 : vector<16xf32>
      %sub3A_405 = arith.subf %mul3A_403, %mul3A_404 : vector<16xf32>
      %mul3A_406 = arith.mulf %bitcast3A, %sub3A_396 : vector<16xf32>
      %mul3A_407 = arith.mulf %bitcast3A_365, %sub3A : vector<16xf32>
      %sub3A_408 = arith.subf %mul3A_406, %mul3A_407 : vector<16xf32>
      %mul3A_409 = arith.mulf %bitcast3A_373, %get3A_229 : vector<16xf32>
      %add3A_410 = arith.addf %get3A_233, %mul3A_409 : vector<16xf32>
      %mul3A_411 = arith.mulf %bitcast3A_377, %get3A_229 : vector<16xf32>
      %add3A_412 = arith.addf %get3A_237, %mul3A_411 : vector<16xf32>
      %mul3A_413 = arith.mulf %bitcast3A_381, %get3A_229 : vector<16xf32>
      %add3A_414 = arith.addf %get3A_241, %mul3A_413 : vector<16xf32>
      %mul3A_415 = arith.mulf %mul3A_386, %sub3A : vector<16xf32>
      %add3A_416 = arith.addf %get3A_245, %mul3A_415 : vector<16xf32>
      %mul3A_417 = arith.mulf %mul3A_391, %sub3A_402 : vector<16xf32>
      %add3A_418 = arith.addf %add3A_416, %mul3A_417 : vector<16xf32>
      %mul3A_419 = arith.mulf %mul3A_386, %sub3A_396 : vector<16xf32>
      %add3A_420 = arith.addf %get3A_249, %mul3A_419 : vector<16xf32>
      %mul3A_421 = arith.mulf %mul3A_391, %sub3A_405 : vector<16xf32>
      %add3A_422 = arith.addf %add3A_420, %mul3A_421 : vector<16xf32>
      %mul3A_423 = arith.mulf %mul3A_386, %sub3A_399 : vector<16xf32>
      %add3A_424 = arith.addf %get3A_253, %mul3A_423 : vector<16xf32>
      %mul3A_425 = arith.mulf %mul3A_391, %sub3A_408 : vector<16xf32>
      %add3A_426 = arith.addf %add3A_424, %mul3A_425 : vector<16xf32>
      %and3A_427 = arith.constant -65536 : i32
      %and3A_428 = vector.broadcast %and3A_427 : i32 to vector<16xi32>
      %and3A_429 = arith.andi %gather3A_273, %and3A_428 : vector<16xi32>
      %bitcast3A_430 = vector.bitcast %and3A_429 : vector<16xi32> to vector<16xf32>
      %shift_left3A_431 = arith.constant 16 : i32
      %shift_left3A_432 = vector.broadcast %shift_left3A_431 : i32 to vector<16xi32>
      %shift_left3A_433 = arith.shli %gather3A_273, %shift_left3A_432 : vector<16xi32>
      %bitcast3A_434 = vector.bitcast %shift_left3A_433 : vector<16xi32> to vector<16xf32>
      %and3A_435 = arith.constant -65536 : i32
      %and3A_436 = vector.broadcast %and3A_435 : i32 to vector<16xi32>
      %and3A_437 = arith.andi %gather3A_274, %and3A_436 : vector<16xi32>
      %bitcast3A_438 = vector.bitcast %and3A_437 : vector<16xi32> to vector<16xf32>
      %shift_left3A_439 = arith.constant 16 : i32
      %shift_left3A_440 = vector.broadcast %shift_left3A_439 : i32 to vector<16xi32>
      %shift_left3A_441 = arith.shli %gather3A_274, %shift_left3A_440 : vector<16xi32>
      %bitcast3A_442 = vector.bitcast %shift_left3A_441 : vector<16xi32> to vector<16xf32>
      %and3A_443 = arith.constant -65536 : i32
      %and3A_444 = vector.broadcast %and3A_443 : i32 to vector<16xi32>
      %and3A_445 = arith.andi %gather3A_275, %and3A_444 : vector<16xi32>
      %bitcast3A_446 = vector.bitcast %and3A_445 : vector<16xi32> to vector<16xf32>
      %shift_left3A_447 = arith.constant 16 : i32
      %shift_left3A_448 = vector.broadcast %shift_left3A_447 : i32 to vector<16xi32>
      %shift_left3A_449 = arith.shli %gather3A_275, %shift_left3A_448 : vector<16xi32>
      %bitcast3A_450 = vector.bitcast %shift_left3A_449 : vector<16xi32> to vector<16xf32>
      %and3A_451 = arith.constant -65536 : i32
      %and3A_452 = vector.broadcast %and3A_451 : i32 to vector<16xi32>
      %and3A_453 = arith.andi %gather3A_276, %and3A_452 : vector<16xi32>
      %bitcast3A_454 = vector.bitcast %and3A_453 : vector<16xi32> to vector<16xf32>
      %mul3A_455 = arith.mulf %bitcast3A_454, %get3A_278 : vector<16xf32>
      %shift_left3A_456 = arith.constant 16 : i32
      %shift_left3A_457 = vector.broadcast %shift_left3A_456 : i32 to vector<16xi32>
      %shift_left3A_458 = arith.shli %gather3A_276, %shift_left3A_457 : vector<16xi32>
      %bitcast3A_459 = vector.bitcast %shift_left3A_458 : vector<16xi32> to vector<16xf32>
      %mul3A_460 = arith.mulf %bitcast3A_459, %get3A_278 : vector<16xf32>
      %mul3A_461 = arith.mulf %bitcast3A_434, %get3A_302 : vector<16xf32>
      %mul3A_462 = arith.mulf %bitcast3A_438, %get3A_298 : vector<16xf32>
      %sub3A_463 = arith.subf %mul3A_461, %mul3A_462 : vector<16xf32>
      %mul3A_464 = arith.mulf %bitcast3A_438, %get3A_294 : vector<16xf32>
      %mul3A_465 = arith.mulf %bitcast3A_430, %get3A_302 : vector<16xf32>
      %sub3A_466 = arith.subf %mul3A_464, %mul3A_465 : vector<16xf32>
      %mul3A_467 = arith.mulf %bitcast3A_430, %get3A_298 : vector<16xf32>
      %mul3A_468 = arith.mulf %bitcast3A_434, %get3A_294 : vector<16xf32>
      %sub3A_469 = arith.subf %mul3A_467, %mul3A_468 : vector<16xf32>
      %mul3A_470 = arith.mulf %bitcast3A_434, %sub3A_469 : vector<16xf32>
      %mul3A_471 = arith.mulf %bitcast3A_438, %sub3A_466 : vector<16xf32>
      %sub3A_472 = arith.subf %mul3A_470, %mul3A_471 : vector<16xf32>
      %mul3A_473 = arith.mulf %bitcast3A_438, %sub3A_463 : vector<16xf32>
      %mul3A_474 = arith.mulf %bitcast3A_430, %sub3A_469 : vector<16xf32>
      %sub3A_475 = arith.subf %mul3A_473, %mul3A_474 : vector<16xf32>
      %mul3A_476 = arith.mulf %bitcast3A_430, %sub3A_466 : vector<16xf32>
      %mul3A_477 = arith.mulf %bitcast3A_434, %sub3A_463 : vector<16xf32>
      %sub3A_478 = arith.subf %mul3A_476, %mul3A_477 : vector<16xf32>
      %mul3A_479 = arith.mulf %bitcast3A_442, %get3A_278 : vector<16xf32>
      %add3A_480 = arith.addf %get3A_282, %mul3A_479 : vector<16xf32>
      %mul3A_481 = arith.mulf %bitcast3A_446, %get3A_278 : vector<16xf32>
      %add3A_482 = arith.addf %get3A_286, %mul3A_481 : vector<16xf32>
      %mul3A_483 = arith.mulf %bitcast3A_450, %get3A_278 : vector<16xf32>
      %add3A_484 = arith.addf %get3A_290, %mul3A_483 : vector<16xf32>
      %mul3A_485 = arith.mulf %mul3A_455, %sub3A_463 : vector<16xf32>
      %add3A_486 = arith.addf %get3A_294, %mul3A_485 : vector<16xf32>
      %mul3A_487 = arith.mulf %mul3A_460, %sub3A_472 : vector<16xf32>
      %add3A_488 = arith.addf %add3A_486, %mul3A_487 : vector<16xf32>
      %mul3A_489 = arith.mulf %mul3A_455, %sub3A_466 : vector<16xf32>
      %add3A_490 = arith.addf %get3A_298, %mul3A_489 : vector<16xf32>
      %mul3A_491 = arith.mulf %mul3A_460, %sub3A_475 : vector<16xf32>
      %add3A_492 = arith.addf %add3A_490, %mul3A_491 : vector<16xf32>
      %mul3A_493 = arith.mulf %mul3A_455, %sub3A_469 : vector<16xf32>
      %add3A_494 = arith.addf %get3A_302, %mul3A_493 : vector<16xf32>
      %mul3A_495 = arith.mulf %mul3A_460, %sub3A_478 : vector<16xf32>
      %add3A_496 = arith.addf %add3A_494, %mul3A_495 : vector<16xf32>
      %and3A_497 = arith.constant -65536 : i32
      %and3A_498 = vector.broadcast %and3A_497 : i32 to vector<16xi32>
      %and3A_499 = arith.andi %gather3A_322, %and3A_498 : vector<16xi32>
      %bitcast3A_500 = vector.bitcast %and3A_499 : vector<16xi32> to vector<16xf32>
      %shift_left3A_501 = arith.constant 16 : i32
      %shift_left3A_502 = vector.broadcast %shift_left3A_501 : i32 to vector<16xi32>
      %shift_left3A_503 = arith.shli %gather3A_322, %shift_left3A_502 : vector<16xi32>
      %bitcast3A_504 = vector.bitcast %shift_left3A_503 : vector<16xi32> to vector<16xf32>
      %and3A_505 = arith.constant -65536 : i32
      %and3A_506 = vector.broadcast %and3A_505 : i32 to vector<16xi32>
      %and3A_507 = arith.andi %gather3A_323, %and3A_506 : vector<16xi32>
      %bitcast3A_508 = vector.bitcast %and3A_507 : vector<16xi32> to vector<16xf32>
      %shift_left3A_509 = arith.constant 16 : i32
      %shift_left3A_510 = vector.broadcast %shift_left3A_509 : i32 to vector<16xi32>
      %shift_left3A_511 = arith.shli %gather3A_323, %shift_left3A_510 : vector<16xi32>
      %bitcast3A_512 = vector.bitcast %shift_left3A_511 : vector<16xi32> to vector<16xf32>
      %and3A_513 = arith.constant -65536 : i32
      %and3A_514 = vector.broadcast %and3A_513 : i32 to vector<16xi32>
      %and3A_515 = arith.andi %gather3A_324, %and3A_514 : vector<16xi32>
      %bitcast3A_516 = vector.bitcast %and3A_515 : vector<16xi32> to vector<16xf32>
      %shift_left3A_517 = arith.constant 16 : i32
      %shift_left3A_518 = vector.broadcast %shift_left3A_517 : i32 to vector<16xi32>
      %shift_left3A_519 = arith.shli %gather3A_324, %shift_left3A_518 : vector<16xi32>
      %bitcast3A_520 = vector.bitcast %shift_left3A_519 : vector<16xi32> to vector<16xf32>
      %and3A_521 = arith.constant -65536 : i32
      %and3A_522 = vector.broadcast %and3A_521 : i32 to vector<16xi32>
      %and3A_523 = arith.andi %gather3A_325, %and3A_522 : vector<16xi32>
      %bitcast3A_524 = vector.bitcast %and3A_523 : vector<16xi32> to vector<16xf32>
      %mul3A_525 = arith.mulf %bitcast3A_524, %get3A_327 : vector<16xf32>
      %shift_left3A_526 = arith.constant 16 : i32
      %shift_left3A_527 = vector.broadcast %shift_left3A_526 : i32 to vector<16xi32>
      %shift_left3A_528 = arith.shli %gather3A_325, %shift_left3A_527 : vector<16xi32>
      %bitcast3A_529 = vector.bitcast %shift_left3A_528 : vector<16xi32> to vector<16xf32>
      %mul3A_530 = arith.mulf %bitcast3A_529, %get3A_327 : vector<16xf32>
      %mul3A_531 = arith.mulf %bitcast3A_504, %get3A_351 : vector<16xf32>
      %mul3A_532 = arith.mulf %bitcast3A_508, %get3A_347 : vector<16xf32>
      %sub3A_533 = arith.subf %mul3A_531, %mul3A_532 : vector<16xf32>
      %mul3A_534 = arith.mulf %bitcast3A_508, %get3A_343 : vector<16xf32>
      %mul3A_535 = arith.mulf %bitcast3A_500, %get3A_351 : vector<16xf32>
      %sub3A_536 = arith.subf %mul3A_534, %mul3A_535 : vector<16xf32>
      %mul3A_537 = arith.mulf %bitcast3A_500, %get3A_347 : vector<16xf32>
      %mul3A_538 = arith.mulf %bitcast3A_504, %get3A_343 : vector<16xf32>
      %sub3A_539 = arith.subf %mul3A_537, %mul3A_538 : vector<16xf32>
      %mul3A_540 = arith.mulf %bitcast3A_504, %sub3A_539 : vector<16xf32>
      %mul3A_541 = arith.mulf %bitcast3A_508, %sub3A_536 : vector<16xf32>
      %sub3A_542 = arith.subf %mul3A_540, %mul3A_541 : vector<16xf32>
      %mul3A_543 = arith.mulf %bitcast3A_508, %sub3A_533 : vector<16xf32>
      %mul3A_544 = arith.mulf %bitcast3A_500, %sub3A_539 : vector<16xf32>
      %sub3A_545 = arith.subf %mul3A_543, %mul3A_544 : vector<16xf32>
      %mul3A_546 = arith.mulf %bitcast3A_500, %sub3A_536 : vector<16xf32>
      %mul3A_547 = arith.mulf %bitcast3A_504, %sub3A_533 : vector<16xf32>
      %sub3A_548 = arith.subf %mul3A_546, %mul3A_547 : vector<16xf32>
      %mul3A_549 = arith.mulf %bitcast3A_512, %get3A_327 : vector<16xf32>
      %add3A_550 = arith.addf %get3A_331, %mul3A_549 : vector<16xf32>
      %mul3A_551 = arith.mulf %bitcast3A_516, %get3A_327 : vector<16xf32>
      %add3A_552 = arith.addf %get3A_335, %mul3A_551 : vector<16xf32>
      %mul3A_553 = arith.mulf %bitcast3A_520, %get3A_327 : vector<16xf32>
      %add3A_554 = arith.addf %get3A_339, %mul3A_553 : vector<16xf32>
      %mul3A_555 = arith.mulf %mul3A_525, %sub3A_533 : vector<16xf32>
      %add3A_556 = arith.addf %get3A_343, %mul3A_555 : vector<16xf32>
      %mul3A_557 = arith.mulf %mul3A_530, %sub3A_542 : vector<16xf32>
      %add3A_558 = arith.addf %add3A_556, %mul3A_557 : vector<16xf32>
      %mul3A_559 = arith.mulf %mul3A_525, %sub3A_536 : vector<16xf32>
      %add3A_560 = arith.addf %get3A_347, %mul3A_559 : vector<16xf32>
      %mul3A_561 = arith.mulf %mul3A_530, %sub3A_545 : vector<16xf32>
      %add3A_562 = arith.addf %add3A_560, %mul3A_561 : vector<16xf32>
      %mul3A_563 = arith.mulf %mul3A_525, %sub3A_539 : vector<16xf32>
      %add3A_564 = arith.addf %get3A_351, %mul3A_563 : vector<16xf32>
      %mul3A_565 = arith.mulf %mul3A_530, %sub3A_548 : vector<16xf32>
      %add3A_566 = arith.addf %add3A_564, %mul3A_565 : vector<16xf32>
      %swap3A = arith.constant 0 : i32
      %swap3A_567 = arith.index_cast %swap3A : i32 to index
      %swap3A_568 = arith.index_cast %mul3A_221 : i32 to index
      %swap3A_569 = tpu.vector_load %arg17[%swap3A_567, %swap3A_568] {strides = array<i32>} : memref<8x1536xf32, #tpu.memory_space<vmem>>, vector<16xf32>,
      tpu.vector_store %arg17[%swap3A_567, %swap3A_568], %add3A_410 {strides = array<i32>} : memref<8x1536xf32, #tpu.memory_space<vmem>>, vector<16xf32>,
      %swap3A_570 = arith.constant 1 : i32
      %swap3A_571 = arith.index_cast %swap3A_570 : i32 to index
      %swap3A_572 = arith.index_cast %mul3A_221 : i32 to index
      %swap3A_573 = tpu.vector_load %arg17[%swap3A_571, %swap3A_572] {strides = array<i32>} : memref<8x1536xf32, #tpu.memory_space<vmem>>, vector<16xf32>,
      tpu.vector_store %arg17[%swap3A_571, %swap3A_572], %add3A_412 {strides = array<i32>} : memref<8x1536xf32, #tpu.memory_space<vmem>>, vector<16xf32>,
      %swap3A_574 = arith.constant 2 : i32
      %swap3A_575 = arith.index_cast %swap3A_574 : i32 to index
      %swap3A_576 = arith.index_cast %mul3A_221 : i32 to index
      %swap3A_577 = tpu.vector_load %arg17[%swap3A_575, %swap3A_576] {strides = array<i32>} : memref<8x1536xf32, #tpu.memory_space<vmem>>, vector<16xf32>,
      tpu.vector_store %arg17[%swap3A_575, %swap3A_576], %add3A_414 {strides = array<i32>} : memref<8x1536xf32, #tpu.memory_space<vmem>>, vector<16xf32>,
      %swap3A_578 = arith.constant 3 : i32
      %swap3A_579 = arith.index_cast %swap3A_578 : i32 to index
      %swap3A_580 = arith.index_cast %mul3A_221 : i32 to index
      %swap3A_581 = tpu.vector_load %arg17[%swap3A_579, %swap3A_580] {strides = array<i32>} : memref<8x1536xf32, #tpu.memory_space<vmem>>, vector<16xf32>,
      tpu.vector_store %arg17[%swap3A_579, %swap3A_580], %add3A_418 {strides = array<i32>} : memref<8x1536xf32, #tpu.memory_space<vmem>>, vector<16xf32>,
      %swap3A_582 = arith.constant 4 : i32
      %swap3A_583 = arith.index_cast %swap3A_582 : i32 to index
      %swap3A_584 = arith.index_cast %mul3A_221 : i32 to index
      %swap3A_585 = tpu.vector_load %arg17[%swap3A_583, %swap3A_584] {strides = array<i32>} : memref<8x1536xf32, #tpu.memory_space<vmem>>, vector<16xf32>,
      tpu.vector_store %arg17[%swap3A_583, %swap3A_584], %add3A_422 {strides = array<i32>} : memref<8x1536xf32, #tpu.memory_space<vmem>>, vector<16xf32>,
      %swap3A_586 = arith.constant 5 : i32
      %swap3A_587 = arith.index_cast %swap3A_586 : i32 to index
      %swap3A_588 = arith.index_cast %mul3A_221 : i32 to index
      %swap3A_589 = tpu.vector_load %arg17[%swap3A_587, %swap3A_588] {strides = array<i32>} : memref<8x1536xf32, #tpu.memory_space<vmem>>, vector<16xf32>,
      tpu.vector_store %arg17[%swap3A_587, %swap3A_588], %add3A_426 {strides = array<i32>} : memref<8x1536xf32, #tpu.memory_space<vmem>>, vector<16xf32>,
      %swap3A_590 = arith.constant 6 : i32
      %swap3A_591 = arith.index_cast %swap3A_590 : i32 to index
      %swap3A_592 = arith.index_cast %mul3A_221 : i32 to index
      %swap3A_593 = tpu.vector_load %arg17[%swap3A_591, %swap3A_592] {strides = array<i32>} : memref<8x1536xf32, #tpu.memory_space<vmem>>, vector<16xf32>,
      tpu.vector_store %arg17[%swap3A_591, %swap3A_592], %get3A_257 {strides = array<i32>} : memref<8x1536xf32, #tpu.memory_space<vmem>>, vector<16xf32>,
      %swap3A_594 = arith.constant 7 : i32
      %swap3A_595 = arith.index_cast %swap3A_594 : i32 to index
      %swap3A_596 = arith.index_cast %mul3A_221 : i32 to index
      %swap3A_597 = tpu.vector_load %arg17[%swap3A_595, %swap3A_596] {strides = array<i32>} : memref<8x1536xf32, #tpu.memory_space<vmem>>, vector<16xf32>,
      tpu.vector_store %arg17[%swap3A_595, %swap3A_596], %get3A_261 {strides = array<i32>} : memref<8x1536xf32, #tpu.memory_space<vmem>>, vector<16xf32>,
      %swap3A_598 = arith.constant 0 : i32
      %swap3A_599 = arith.index_cast %swap3A_598 : i32 to index
      %swap3A_600 = arith.index_cast %mul3A_267 : i32 to index
      %swap3A_601 = tpu.vector_load %arg17[%swap3A_599, %swap3A_600] {strides = array<i32>} : memref<8x1536xf32, #tpu.memory_space<vmem>>, vector<16xf32>,
      tpu.vector_store %arg17[%swap3A_599, %swap3A_600], %add3A_480 {strides = array<i32>} : memref<8x1536xf32, #tpu.memory_space<vmem>>, vector<16xf32>,
      %swap3A_602 = arith.constant 1 : i32
      %swap3A_603 = arith.index_cast %swap3A_602 : i32 to index
      %swap3A_604 = arith.index_cast %mul3A_267 : i32 to index
      %swap3A_605 = tpu.vector_load %arg17[%swap3A_603, %swap3A_604] {strides = array<i32>} : memref<8x1536xf32, #tpu.memory_space<vmem>>, vector<16xf32>,
      tpu.vector_store %arg17[%swap3A_603, %swap3A_604], %add3A_482 {strides = array<i32>} : memref<8x1536xf32, #tpu.memory_space<vmem>>, vector<16xf32>,
      %swap3A_606 = arith.constant 2 : i32
      %swap3A_607 = arith.index_cast %swap3A_606 : i32 to index
      %swap3A_608 = arith.index_cast %mul3A_267 : i32 to index
      %swap3A_609 = tpu.vector_load %arg17[%swap3A_607, %swap3A_608] {strides = array<i32>} : memref<8x1536xf32, #tpu.memory_space<vmem>>, vector<16xf32>,
      tpu.vector_store %arg17[%swap3A_607, %swap3A_608], %add3A_484 {strides = array<i32>} : memref<8x1536xf32, #tpu.memory_space<vmem>>, vector<16xf32>,
      %swap3A_610 = arith.constant 3 : i32
      %swap3A_611 = arith.index_cast %swap3A_610 : i32 to index
      %swap3A_612 = arith.index_cast %mul3A_267 : i32 to index
      %swap3A_613 = tpu.vector_load %arg17[%swap3A_611, %swap3A_612] {strides = array<i32>} : memref<8x1536xf32, #tpu.memory_space<vmem>>, vector<16xf32>,
      tpu.vector_store %arg17[%swap3A_611, %swap3A_612], %add3A_488 {strides = array<i32>} : memref<8x1536xf32, #tpu.memory_space<vmem>>, vector<16xf32>,
      %swap3A_614 = arith.constant 4 : i32
      %swap3A_615 = arith.index_cast %swap3A_614 : i32 to index
      %swap3A_616 = arith.index_cast %mul3A_267 : i32 to index
      %swap3A_617 = tpu.vector_load %arg17[%swap3A_615, %swap3A_616] {strides = array<i32>} : memref<8x1536xf32, #tpu.memory_space<vmem>>, vector<16xf32>,
      tpu.vector_store %arg17[%swap3A_615, %swap3A_616], %add3A_492 {strides = array<i32>} : memref<8x1536xf32, #tpu.memory_space<vmem>>, vector<16xf32>,
      %swap3A_618 = arith.constant 5 : i32
      %swap3A_619 = arith.index_cast %swap3A_618 : i32 to index
      %swap3A_620 = arith.index_cast %mul3A_267 : i32 to index
      %swap3A_621 = tpu.vector_load %arg17[%swap3A_619, %swap3A_620] {strides = array<i32>} : memref<8x1536xf32, #tpu.memory_space<vmem>>, vector<16xf32>,
      tpu.vector_store %arg17[%swap3A_619, %swap3A_620], %add3A_496 {strides = array<i32>} : memref<8x1536xf32, #tpu.memory_space<vmem>>, vector<16xf32>,
      %swap3A_622 = arith.constant 6 : i32
      %swap3A_623 = arith.index_cast %swap3A_622 : i32 to index
      %swap3A_624 = arith.index_cast %mul3A_267 : i32 to index
      %swap3A_625 = tpu.vector_load %arg17[%swap3A_623, %swap3A_624] {strides = array<i32>} : memref<8x1536xf32, #tpu.memory_space<vmem>>, vector<16xf32>,
      tpu.vector_store %arg17[%swap3A_623, %swap3A_624], %get3A_306 {strides = array<i32>} : memref<8x1536xf32, #tpu.memory_space<vmem>>, vector<16xf32>,
      %swap3A_626 = arith.constant 7 : i32
      %swap3A_627 = arith.index_cast %swap3A_626 : i32 to index
      %swap3A_628 = arith.index_cast %mul3A_267 : i32 to index
      %swap3A_629 = tpu.vector_load %arg17[%swap3A_627, %swap3A_628] {strides = array<i32>} : memref<8x1536xf32, #tpu.memory_space<vmem>>, vector<16xf32>,
      tpu.vector_store %arg17[%swap3A_627, %swap3A_628], %get3A_310 {strides = array<i32>} : memref<8x1536xf32, #tpu.memory_space<vmem>>, vector<16xf32>,
      %swap3A_630 = arith.constant 0 : i32
      %swap3A_631 = arith.index_cast %swap3A_630 : i32 to index
      %swap3A_632 = arith.index_cast %mul3A_316 : i32 to index
      %swap3A_633 = tpu.vector_load %arg17[%swap3A_631, %swap3A_632] {strides = array<i32>} : memref<8x1536xf32, #tpu.memory_space<vmem>>, vector<16xf32>,
      tpu.vector_store %arg17[%swap3A_631, %swap3A_632], %add3A_550 {strides = array<i32>} : memref<8x1536xf32, #tpu.memory_space<vmem>>, vector<16xf32>,
      %swap3A_634 = arith.constant 1 : i32
      %swap3A_635 = arith.index_cast %swap3A_634 : i32 to index
      %swap3A_636 = arith.index_cast %mul3A_316 : i32 to index
      %swap3A_637 = tpu.vector_load %arg17[%swap3A_635, %swap3A_636] {strides = array<i32>} : memref<8x1536xf32, #tpu.memory_space<vmem>>, vector<16xf32>,
      tpu.vector_store %arg17[%swap3A_635, %swap3A_636], %add3A_552 {strides = array<i32>} : memref<8x1536xf32, #tpu.memory_space<vmem>>, vector<16xf32>,
      %swap3A_638 = arith.constant 2 : i32
      %swap3A_639 = arith.index_cast %swap3A_638 : i32 to index
      %swap3A_640 = arith.index_cast %mul3A_316 : i32 to index
      %swap3A_641 = tpu.vector_load %arg17[%swap3A_639, %swap3A_640] {strides = array<i32>} : memref<8x1536xf32, #tpu.memory_space<vmem>>, vector<16xf32>,
      tpu.vector_store %arg17[%swap3A_639, %swap3A_640], %add3A_554 {strides = array<i32>} : memref<8x1536xf32, #tpu.memory_space<vmem>>, vector<16xf32>,
      %swap3A_642 = arith.constant 3 : i32
      %swap3A_643 = arith.index_cast %swap3A_642 : i32 to index
      %swap3A_644 = arith.index_cast %mul3A_316 : i32 to index
      %swap3A_645 = tpu.vector_load %arg17[%swap3A_643, %swap3A_644] {strides = array<i32>} : memref<8x1536xf32, #tpu.memory_space<vmem>>, vector<16xf32>,
      tpu.vector_store %arg17[%swap3A_643, %swap3A_644], %add3A_558 {strides = array<i32>} : memref<8x1536xf32, #tpu.memory_space<vmem>>, vector<16xf32>,
      %swap3A_646 = arith.constant 4 : i32
      %swap3A_647 = arith.index_cast %swap3A_646 : i32 to index
      %swap3A_648 = arith.index_cast %mul3A_316 : i32 to index
      %swap3A_649 = tpu.vector_load %arg17[%swap3A_647, %swap3A_648] {strides = array<i32>} : memref<8x1536xf32, #tpu.memory_space<vmem>>, vector<16xf32>,
      tpu.vector_store %arg17[%swap3A_647, %swap3A_648], %add3A_562 {strides = array<i32>} : memref<8x1536xf32, #tpu.memory_space<vmem>>, vector<16xf32>,
      %swap3A_650 = arith.constant 5 : i32
      %swap3A_651 = arith.index_cast %swap3A_650 : i32 to index
      %swap3A_652 = arith.index_cast %mul3A_316 : i32 to index
      %swap3A_653 = tpu.vector_load %arg17[%swap3A_651, %swap3A_652] {strides = array<i32>} : memref<8x1536xf32, #tpu.memory_space<vmem>>, vector<16xf32>,
      tpu.vector_store %arg17[%swap3A_651, %swap3A_652], %add3A_566 {strides = array<i32>} : memref<8x1536xf32, #tpu.memory_space<vmem>>, vector<16xf32>,
      %swap3A_654 = arith.constant 6 : i32
      %swap3A_655 = arith.index_cast %swap3A_654 : i32 to index
      %swap3A_656 = arith.index_cast %mul3A_316 : i32 to index
      %swap3A_657 = tpu.vector_load %arg17[%swap3A_655, %swap3A_656] {strides = array<i32>} : memref<8x1536xf32, #tpu.memory_space<vmem>>, vector<16xf32>,
      tpu.vector_store %arg17[%swap3A_655, %swap3A_656], %get3A_355 {strides = array<i32>} : memref<8x1536xf32, #tpu.memory_space<vmem>>, vector<16xf32>,
      %swap3A_658 = arith.constant 7 : i32
      %swap3A_659 = arith.index_cast %swap3A_658 : i32 to index
      %swap3A_660 = arith.index_cast %mul3A_316 : i32 to index
      %swap3A_661 = tpu.vector_load %arg17[%swap3A_659, %swap3A_660] {strides = array<i32>} : memref<8x1536xf32, #tpu.memory_space<vmem>>, vector<16xf32>,
      tpu.vector_store %arg17[%swap3A_659, %swap3A_660], %get3A_359 {strides = array<i32>} : memref<8x1536xf32, #tpu.memory_space<vmem>>, vector<16xf32>,
    }
    %scan3A_112 = arith.constant 32 : i32
    %mul3A_113 = arith.constant 21 : i32
    %mul3A_114 = arith.muli %add3A, %mul3A_113 : i32
    %min3A_115 = arith.constant 1 : i32
    %min3A_116 = arith.constant 20 : i32
    %min3A_117 = arith.minsi %min3A_115, %min3A_116 : i32
    %add3A_118 = arith.addi %mul3A_114, %min3A_117 : i32
    %mul3A_119 = arith.constant 1536 : i32
    %mul3A_120 = arith.muli %add3A_118, %mul3A_119 : i32
    %min3A_121 = arith.constant 998528 : i32
    %min3A_122 = arith.minsi %mul3A_120, %min3A_121 : i32
    %dma_start3A_123 = arith.constant 0 : i32
    %dma_start3A_124 = tpu.memref_slice %arg9[%dma_start3A_123, %min3A_122] : memref<8x1000000xf32, #tpu.memory_space<hbm>> -> memref<8x1536xf32, #tpu.memory_space<hbm>>
    %dma_start3A_125 = arith.constant 0 : i32
    %dma_start3A_126 = tpu.memref_slice %arg9[%dma_start3A_125, %min3A_122] : memref<8x1000000xf32, #tpu.memory_space<hbm>> -> memref<8x1536xf32, #tpu.memory_space<hbm>>
    tpu.enqueue_dma source(%arg17 : memref<8x1536xf32, #tpu.memory_space<vmem>>) target(%dma_start3A_126 : memref<8x1536xf32, #tpu.memory_space<hbm>>) target_semaphore(%arg25 : memref<!tpu.dma_semaphore, #tpu.memory_space<semaphore_mem>>)
    %mul3A_127 = arith.constant 21 : i32
    %mul3A_128 = arith.muli %add3A, %mul3A_127 : i32
    %min3A_129 = arith.constant 3 : i32
    %min3A_130 = arith.constant 20 : i32
    %min3A_131 = arith.minsi %min3A_129, %min3A_130 : i32
    %add3A_132 = arith.addi %mul3A_128, %min3A_131 : i32
    %mul3A_133 = arith.constant 1536 : i32
    %mul3A_134 = arith.muli %add3A_132, %mul3A_133 : i32
    %min3A_135 = arith.constant 998528 : i32
    %min3A_136 = arith.minsi %mul3A_134, %min3A_135 : i32
    %dma_start3A_137 = tpu.memref_slice %arg7[%min3A_136] : memref<1000000xi32, #tpu.memory_space<hbm>> -> memref<1536xi32, #tpu.memory_space<hbm>>
    %dma_start3A_138 = tpu.memref_slice %arg7[%min3A_136] : memref<1000000xi32, #tpu.memory_space<hbm>> -> memref<1536xi32, #tpu.memory_space<hbm>>
    tpu.enqueue_dma source(%dma_start3A_138 : memref<1536xi32, #tpu.memory_space<hbm>>) target(%arg19 : memref<1536xi32, #tpu.memory_space<vmem>>) target_semaphore(%arg23 : memref<!tpu.dma_semaphore, #tpu.memory_space<semaphore_mem>>)
    %dma_start3A_139 = tpu.memref_slice %arg8[%min3A_136] : memref<1000000xf32, #tpu.memory_space<hbm>> -> memref<1536xf32, #tpu.memory_space<hbm>>
    %dma_start3A_140 = tpu.memref_slice %arg8[%min3A_136] : memref<1000000xf32, #tpu.memory_space<hbm>> -> memref<1536xf32, #tpu.memory_space<hbm>>
    tpu.enqueue_dma source(%dma_start3A_140 : memref<1536xf32, #tpu.memory_space<hbm>>) target(%arg21 : memref<1536xf32, #tpu.memory_space<vmem>>) target_semaphore(%arg23 : memref<!tpu.dma_semaphore, #tpu.memory_space<semaphore_mem>>)
    %dma_start3A_141 = arith.constant 0 : i32
    %dma_start3A_142 = tpu.memref_slice %arg6[%dma_start3A_141, %min3A_136] : memref<8x1000000xf32, #tpu.memory_space<hbm>> -> memref<8x1536xf32, #tpu.memory_space<hbm>>
    %dma_start3A_143 = arith.constant 0 : i32
    %dma_start3A_144 = tpu.memref_slice %arg6[%dma_start3A_143, %min3A_136] : memref<8x1000000xf32, #tpu.memory_space<hbm>> -> memref<8x1536xf32, #tpu.memory_space<hbm>>
    tpu.enqueue_dma source(%dma_start3A_144 : memref<8x1536xf32, #tpu.memory_space<hbm>>) target(%arg15 : memref<8x1536xf32, #tpu.memory_space<vmem>>) target_semaphore(%arg23 : memref<!tpu.dma_semaphore, #tpu.memory_space<semaphore_mem>>)
    %scan3A_145 = arith.constant 0 : i32
    %scan3A_146 = arith.constant 1 : i32
    %scan3A_147 = arith.constant 10 : i32
    %scan3A_148 = arith.addi %scan3A_146, %scan3A_147 : i32
    %scan3A_149 = arith.constant 1 : i32
    scf.for %scan3A_215 = %scan3A_146 to %scan3A_148 step %scan3A_149  : i32 {
      %mul3A_216 = arith.constant 2 : i32
      %mul3A_217 = arith.muli %mul3A_216, %scan3A_215 : i32
      %mul3A_218 = arith.constant 21 : i32
      %mul3A_219 = arith.muli %add3A, %mul3A_218 : i32
      %min3A_220 = arith.constant 20 : i32
      %min3A_221 = arith.minsi %mul3A_217, %min3A_220 : i32
      %add3A_222 = arith.addi %mul3A_219, %min3A_221 : i32
      %mul3A_223 = arith.constant 1536 : i32
      %mul3A_224 = arith.muli %add3A_222, %mul3A_223 : i32
      %min3A_225 = arith.constant 998528 : i32
      %min3A_226 = arith.minsi %mul3A_224, %min3A_225 : i32
      %dma_wait3A_227 = tpu.memref_slice %arg7[%min3A_226] : memref<1000000xi32, #tpu.memory_space<hbm>> -> memref<1536xi32, #tpu.memory_space<hbm>>
      %dma_wait3A_228 = tpu.memref_slice %arg7[%min3A_226] : memref<1000000xi32, #tpu.memory_space<hbm>> -> memref<1536xi32, #tpu.memory_space<hbm>>
      tpu.wait_dma2 semaphore(%arg22 : memref<!tpu.dma_semaphore, #tpu.memory_space<semaphore_mem>>) src(%dma_wait3A_228 : memref<1536xi32, #tpu.memory_space<hbm>>) dst(%arg18 : memref<1536xi32, #tpu.memory_space<vmem>>)
      %dma_wait3A_229 = tpu.memref_slice %arg8[%min3A_226] : memref<1000000xf32, #tpu.memory_space<hbm>> -> memref<1536xf32, #tpu.memory_space<hbm>>
      %dma_wait3A_230 = tpu.memref_slice %arg8[%min3A_226] : memref<1000000xf32, #tpu.memory_space<hbm>> -> memref<1536xf32, #tpu.memory_space<hbm>>
      tpu.wait_dma2 semaphore(%arg22 : memref<!tpu.dma_semaphore, #tpu.memory_space<semaphore_mem>>) src(%dma_wait3A_230 : memref<1536xf32, #tpu.memory_space<hbm>>) dst(%arg20 : memref<1536xf32, #tpu.memory_space<vmem>>)
      %dma_wait3A_231 = arith.constant 0 : i32
      %dma_wait3A_232 = tpu.memref_slice %arg6[%dma_wait3A_231, %min3A_226] : memref<8x1000000xf32, #tpu.memory_space<hbm>> -> memref<8x1536xf32, #tpu.memory_space<hbm>>
      %dma_wait3A_233 = arith.constant 0 : i32
      %dma_wait3A_234 = tpu.memref_slice %arg6[%dma_wait3A_233, %min3A_226] : memref<8x1000000xf32, #tpu.memory_space<hbm>> -> memref<8x1536xf32, #tpu.memory_space<hbm>>
      tpu.wait_dma2 semaphore(%arg22 : memref<!tpu.dma_semaphore, #tpu.memory_space<semaphore_mem>>) src(%dma_wait3A_234 : memref<8x1536xf32, #tpu.memory_space<hbm>>) dst(%arg14 : memref<8x1536xf32, #tpu.memory_space<vmem>>)
      %sub3A = arith.constant 2 : i32
      %sub3A_235 = arith.subi %mul3A_217, %sub3A : i32
      %mul3A_236 = arith.constant 21 : i32
      %mul3A_237 = arith.muli %add3A, %mul3A_236 : i32
      %min3A_238 = arith.constant 20 : i32
      %min3A_239 = arith.minsi %sub3A_235, %min3A_238 : i32
      %add3A_240 = arith.addi %mul3A_237, %min3A_239 : i32
      %mul3A_241 = arith.constant 1536 : i32
      %mul3A_242 = arith.muli %add3A_240, %mul3A_241 : i32
      %min3A_243 = arith.constant 998528 : i32
      %min3A_244 = arith.minsi %mul3A_242, %min3A_243 : i32
      %dma_wait3A_245 = arith.constant 0 : i32
      %dma_wait3A_246 = tpu.memref_slice %arg9[%dma_wait3A_245, %min3A_244] : memref<8x1000000xf32, #tpu.memory_space<hbm>> -> memref<8x1536xf32, #tpu.memory_space<hbm>>
      %dma_wait3A_247 = arith.constant 0 : i32
      %dma_wait3A_248 = tpu.memref_slice %arg9[%dma_wait3A_247, %min3A_244] : memref<8x1000000xf32, #tpu.memory_space<hbm>> -> memref<8x1536xf32, #tpu.memory_space<hbm>>
      tpu.wait_dma2 semaphore(%arg24 : memref<!tpu.dma_semaphore, #tpu.memory_space<semaphore_mem>>) src(%arg16 : memref<8x1536xf32, #tpu.memory_space<vmem>>) dst(%dma_wait3A_248 : memref<8x1536xf32, #tpu.memory_space<hbm>>)
      %scan3A_249 = arith.constant 0 : i32
      %scan3A_250 = arith.constant 0 : i32
      %scan3A_251 = arith.constant 32 : i32
      %scan3A_252 = arith.addi %scan3A_250, %scan3A_251 : i32
      %scan3A_253 = arith.constant 1 : i32
      scf.for %scan3A_361 = %scan3A_250 to %scan3A_252 step %scan3A_253  : i32 {
        %mul3A_362 = arith.constant 3 : i32
        %mul3A_363 = arith.muli %scan3A_361, %mul3A_362 : i32
        %add3A_364 = arith.constant 0 : i32
        %add3A_365 = arith.addi %mul3A_363, %add3A_364 : i32
        %mul3A_366 = arith.constant 16 : i32
        %mul3A_367 = arith.muli %add3A_365, %mul3A_366 : i32
        %get3A = arith.index_cast %mul3A_367 : i32 to index
        %get3A_368 = tpu.vector_load %arg18[%get3A] {strides = array<i32>} : memref<1536xi32, #tpu.memory_space<vmem>>, vector<16xi32>,
        %and3A = arith.constant 16383 : i32
        %and3A_369 = vector.broadcast %and3A : i32 to vector<16xi32>
        %and3A_370 = arith.andi %get3A_368, %and3A_369 : vector<16xi32>
        %gather3A = tpu.vector_load_idx %arg10[%and3A_370] : memref<16384xi32, #tpu.memory_space<vmem>>[vector<16xi32>], vector<16xi32>,
        %gather3A_371 = tpu.vector_load_idx %arg11[%and3A_370] : memref<16384xi32, #tpu.memory_space<vmem>>[vector<16xi32>], vector<16xi32>,
        %gather3A_372 = tpu.vector_load_idx %arg12[%and3A_370] : memref<16384xi32, #tpu.memory_space<vmem>>[vector<16xi32>], vector<16xi32>,
        %gather3A_373 = tpu.vector_load_idx %arg13[%and3A_370] : memref<16384xi32, #tpu.memory_space<vmem>>[vector<16xi32>], vector<16xi32>,
        %get3A_374 = arith.index_cast %mul3A_367 : i32 to index
        %get3A_375 = tpu.vector_load %arg20[%get3A_374] {strides = array<i32>} : memref<1536xf32, #tpu.memory_space<vmem>>, vector<16xf32>,
        %get3A_376 = arith.constant 0 : i32
        %get3A_377 = arith.index_cast %get3A_376 : i32 to index
        %get3A_378 = arith.index_cast %mul3A_367 : i32 to index
        %get3A_379 = tpu.vector_load %arg14[%get3A_377, %get3A_378] {strides = array<i32>} : memref<8x1536xf32, #tpu.memory_space<vmem>>, vector<16xf32>,
        %get3A_380 = arith.constant 1 : i32
        %get3A_381 = arith.index_cast %get3A_380 : i32 to index
        %get3A_382 = arith.index_cast %mul3A_367 : i32 to index
        %get3A_383 = tpu.vector_load %arg14[%get3A_381, %get3A_382] {strides = array<i32>} : memref<8x1536xf32, #tpu.memory_space<vmem>>, vector<16xf32>,
        %get3A_384 = arith.constant 2 : i32
        %get3A_385 = arith.index_cast %get3A_384 : i32 to index
        %get3A_386 = arith.index_cast %mul3A_367 : i32 to index
        %get3A_387 = tpu.vector_load %arg14[%get3A_385, %get3A_386] {strides = array<i32>} : memref<8x1536xf32, #tpu.memory_space<vmem>>, vector<16xf32>,
        %get3A_388 = arith.constant 3 : i32
        %get3A_389 = arith.index_cast %get3A_388 : i32 to index
        %get3A_390 = arith.index_cast %mul3A_367 : i32 to index
        %get3A_391 = tpu.vector_load %arg14[%get3A_389, %get3A_390] {strides = array<i32>} : memref<8x1536xf32, #tpu.memory_space<vmem>>, vector<16xf32>,
        %get3A_392 = arith.constant 4 : i32
        %get3A_393 = arith.index_cast %get3A_392 : i32 to index
        %get3A_394 = arith.index_cast %mul3A_367 : i32 to index
        %get3A_395 = tpu.vector_load %arg14[%get3A_393, %get3A_394] {strides = array<i32>} : memref<8x1536xf32, #tpu.memory_space<vmem>>, vector<16xf32>,
        %get3A_396 = arith.constant 5 : i32
        %get3A_397 = arith.index_cast %get3A_396 : i32 to index
        %get3A_398 = arith.index_cast %mul3A_367 : i32 to index
        %get3A_399 = tpu.vector_load %arg14[%get3A_397, %get3A_398] {strides = array<i32>} : memref<8x1536xf32, #tpu.memory_space<vmem>>, vector<16xf32>,
        %get3A_400 = arith.constant 6 : i32
        %get3A_401 = arith.index_cast %get3A_400 : i32 to index
        %get3A_402 = arith.index_cast %mul3A_367 : i32 to index
        %get3A_403 = tpu.vector_load %arg14[%get3A_401, %get3A_402] {strides = array<i32>} : memref<8x1536xf32, #tpu.memory_space<vmem>>, vector<16xf32>,
        %get3A_404 = arith.constant 7 : i32
        %get3A_405 = arith.index_cast %get3A_404 : i32 to index
        %get3A_406 = arith.index_cast %mul3A_367 : i32 to index
        %get3A_407 = tpu.vector_load %arg14[%get3A_405, %get3A_406] {strides = array<i32>} : memref<8x1536xf32, #tpu.memory_space<vmem>>, vector<16xf32>,
        %mul3A_408 = arith.constant 3 : i32
        %mul3A_409 = arith.muli %scan3A_361, %mul3A_408 : i32
        %add3A_410 = arith.constant 1 : i32
        %add3A_411 = arith.addi %mul3A_409, %add3A_410 : i32
        %mul3A_412 = arith.constant 16 : i32
        %mul3A_413 = arith.muli %add3A_411, %mul3A_412 : i32
        %get3A_414 = arith.index_cast %mul3A_413 : i32 to index
        %get3A_415 = tpu.vector_load %arg18[%get3A_414] {strides = array<i32>} : memref<1536xi32, #tpu.memory_space<vmem>>, vector<16xi32>,
        %and3A_416 = arith.constant 16383 : i32
        %and3A_417 = vector.broadcast %and3A_416 : i32 to vector<16xi32>
        %and3A_418 = arith.andi %get3A_415, %and3A_417 : vector<16xi32>
        %gather3A_419 = tpu.vector_load_idx %arg10[%and3A_418] : memref<16384xi32, #tpu.memory_space<vmem>>[vector<16xi32>], vector<16xi32>,
        %gather3A_420 = tpu.vector_load_idx %arg11[%and3A_418] : memref<16384xi32, #tpu.memory_space<vmem>>[vector<16xi32>], vector<16xi32>,
        %gather3A_421 = tpu.vector_load_idx %arg12[%and3A_418] : memref<16384xi32, #tpu.memory_space<vmem>>[vector<16xi32>], vector<16xi32>,
        %gather3A_422 = tpu.vector_load_idx %arg13[%and3A_418] : memref<16384xi32, #tpu.memory_space<vmem>>[vector<16xi32>], vector<16xi32>,
        %get3A_423 = arith.index_cast %mul3A_413 : i32 to index
        %get3A_424 = tpu.vector_load %arg20[%get3A_423] {strides = array<i32>} : memref<1536xf32, #tpu.memory_space<vmem>>, vector<16xf32>,
        %get3A_425 = arith.constant 0 : i32
        %get3A_426 = arith.index_cast %get3A_425 : i32 to index
        %get3A_427 = arith.index_cast %mul3A_413 : i32 to index
        %get3A_428 = tpu.vector_load %arg14[%get3A_426, %get3A_427] {strides = array<i32>} : memref<8x1536xf32, #tpu.memory_space<vmem>>, vector<16xf32>,
        %get3A_429 = arith.constant 1 : i32
        %get3A_430 = arith.index_cast %get3A_429 : i32 to index
        %get3A_431 = arith.index_cast %mul3A_413 : i32 to index
        %get3A_432 = tpu.vector_load %arg14[%get3A_430, %get3A_431] {strides = array<i32>} : memref<8x1536xf32, #tpu.memory_space<vmem>>, vector<16xf32>,
        %get3A_433 = arith.constant 2 : i32
        %get3A_434 = arith.index_cast %get3A_433 : i32 to index
        %get3A_435 = arith.index_cast %mul3A_413 : i32 to index
        %get3A_436 = tpu.vector_load %arg14[%get3A_434, %get3A_435] {strides = array<i32>} : memref<8x1536xf32, #tpu.memory_space<vmem>>, vector<16xf32>,
        %get3A_437 = arith.constant 3 : i32
        %get3A_438 = arith.index_cast %get3A_437 : i32 to index
        %get3A_439 = arith.index_cast %mul3A_413 : i32 to index
        %get3A_440 = tpu.vector_load %arg14[%get3A_438, %get3A_439] {strides = array<i32>} : memref<8x1536xf32, #tpu.memory_space<vmem>>, vector<16xf32>,
        %get3A_441 = arith.constant 4 : i32
        %get3A_442 = arith.index_cast %get3A_441 : i32 to index
        %get3A_443 = arith.index_cast %mul3A_413 : i32 to index
        %get3A_444 = tpu.vector_load %arg14[%get3A_442, %get3A_443] {strides = array<i32>} : memref<8x1536xf32, #tpu.memory_space<vmem>>, vector<16xf32>,
        %get3A_445 = arith.constant 5 : i32
        %get3A_446 = arith.index_cast %get3A_445 : i32 to index
        %get3A_447 = arith.index_cast %mul3A_413 : i32 to index
        %get3A_448 = tpu.vector_load %arg14[%get3A_446, %get3A_447] {strides = array<i32>} : memref<8x1536xf32, #tpu.memory_space<vmem>>, vector<16xf32>,
        %get3A_449 = arith.constant 6 : i32
        %get3A_450 = arith.index_cast %get3A_449 : i32 to index
        %get3A_451 = arith.index_cast %mul3A_413 : i32 to index
        %get3A_452 = tpu.vector_load %arg14[%get3A_450, %get3A_451] {strides = array<i32>} : memref<8x1536xf32, #tpu.memory_space<vmem>>, vector<16xf32>,
        %get3A_453 = arith.constant 7 : i32
        %get3A_454 = arith.index_cast %get3A_453 : i32 to index
        %get3A_455 = arith.index_cast %mul3A_413 : i32 to index
        %get3A_456 = tpu.vector_load %arg14[%get3A_454, %get3A_455] {strides = array<i32>} : memref<8x1536xf32, #tpu.memory_space<vmem>>, vector<16xf32>,
        %mul3A_457 = arith.constant 3 : i32
        %mul3A_458 = arith.muli %scan3A_361, %mul3A_457 : i32
        %add3A_459 = arith.constant 2 : i32
        %add3A_460 = arith.addi %mul3A_458, %add3A_459 : i32
        %mul3A_461 = arith.constant 16 : i32
        %mul3A_462 = arith.muli %add3A_460, %mul3A_461 : i32
        %get3A_463 = arith.index_cast %mul3A_462 : i32 to index
        %get3A_464 = tpu.vector_load %arg18[%get3A_463] {strides = array<i32>} : memref<1536xi32, #tpu.memory_space<vmem>>, vector<16xi32>,
        %and3A_465 = arith.constant 16383 : i32
        %and3A_466 = vector.broadcast %and3A_465 : i32 to vector<16xi32>
        %and3A_467 = arith.andi %get3A_464, %and3A_466 : vector<16xi32>
        %gather3A_468 = tpu.vector_load_idx %arg10[%and3A_467] : memref<16384xi32, #tpu.memory_space<vmem>>[vector<16xi32>], vector<16xi32>,
        %gather3A_469 = tpu.vector_load_idx %arg11[%and3A_467] : memref<16384xi32, #tpu.memory_space<vmem>>[vector<16xi32>], vector<16xi32>,
        %gather3A_470 = tpu.vector_load_idx %arg12[%and3A_467] : memref<16384xi32, #tpu.memory_space<vmem>>[vector<16xi32>], vector<16xi32>,
        %gather3A_471 = tpu.vector_load_idx %arg13[%and3A_467] : memref<16384xi32, #tpu.memory_space<vmem>>[vector<16xi32>], vector<16xi32>,
        %get3A_472 = arith.index_cast %mul3A_462 : i32 to index
        %get3A_473 = tpu.vector_load %arg20[%get3A_472] {strides = array<i32>} : memref<1536xf32, #tpu.memory_space<vmem>>, vector<16xf32>,
        %get3A_474 = arith.constant 0 : i32
        %get3A_475 = arith.index_cast %get3A_474 : i32 to index
        %get3A_476 = arith.index_cast %mul3A_462 : i32 to index
        %get3A_477 = tpu.vector_load %arg14[%get3A_475, %get3A_476] {strides = array<i32>} : memref<8x1536xf32, #tpu.memory_space<vmem>>, vector<16xf32>,
        %get3A_478 = arith.constant 1 : i32
        %get3A_479 = arith.index_cast %get3A_478 : i32 to index
        %get3A_480 = arith.index_cast %mul3A_462 : i32 to index
        %get3A_481 = tpu.vector_load %arg14[%get3A_479, %get3A_480] {strides = array<i32>} : memref<8x1536xf32, #tpu.memory_space<vmem>>, vector<16xf32>,
        %get3A_482 = arith.constant 2 : i32
        %get3A_483 = arith.index_cast %get3A_482 : i32 to index
        %get3A_484 = arith.index_cast %mul3A_462 : i32 to index
        %get3A_485 = tpu.vector_load %arg14[%get3A_483, %get3A_484] {strides = array<i32>} : memref<8x1536xf32, #tpu.memory_space<vmem>>, vector<16xf32>,
        %get3A_486 = arith.constant 3 : i32
        %get3A_487 = arith.index_cast %get3A_486 : i32 to index
        %get3A_488 = arith.index_cast %mul3A_462 : i32 to index
        %get3A_489 = tpu.vector_load %arg14[%get3A_487, %get3A_488] {strides = array<i32>} : memref<8x1536xf32, #tpu.memory_space<vmem>>, vector<16xf32>,
        %get3A_490 = arith.constant 4 : i32
        %get3A_491 = arith.index_cast %get3A_490 : i32 to index
        %get3A_492 = arith.index_cast %mul3A_462 : i32 to index
        %get3A_493 = tpu.vector_load %arg14[%get3A_491, %get3A_492] {strides = array<i32>} : memref<8x1536xf32, #tpu.memory_space<vmem>>, vector<16xf32>,
        %get3A_494 = arith.constant 5 : i32
        %get3A_495 = arith.index_cast %get3A_494 : i32 to index
        %get3A_496 = arith.index_cast %mul3A_462 : i32 to index
        %get3A_497 = tpu.vector_load %arg14[%get3A_495, %get3A_496] {strides = array<i32>} : memref<8x1536xf32, #tpu.memory_space<vmem>>, vector<16xf32>,
        %get3A_498 = arith.constant 6 : i32
        %get3A_499 = arith.index_cast %get3A_498 : i32 to index
        %get3A_500 = arith.index_cast %mul3A_462 : i32 to index
        %get3A_501 = tpu.vector_load %arg14[%get3A_499, %get3A_500] {strides = array<i32>} : memref<8x1536xf32, #tpu.memory_space<vmem>>, vector<16xf32>,
        %get3A_502 = arith.constant 7 : i32
        %get3A_503 = arith.index_cast %get3A_502 : i32 to index
        %get3A_504 = arith.index_cast %mul3A_462 : i32 to index
        %get3A_505 = tpu.vector_load %arg14[%get3A_503, %get3A_504] {strides = array<i32>} : memref<8x1536xf32, #tpu.memory_space<vmem>>, vector<16xf32>,
        %and3A_506 = arith.constant -65536 : i32
        %and3A_507 = vector.broadcast %and3A_506 : i32 to vector<16xi32>
        %and3A_508 = arith.andi %gather3A, %and3A_507 : vector<16xi32>
        %bitcast3A = vector.bitcast %and3A_508 : vector<16xi32> to vector<16xf32>
        %shift_left3A = arith.constant 16 : i32
        %shift_left3A_509 = vector.broadcast %shift_left3A : i32 to vector<16xi32>
        %shift_left3A_510 = arith.shli %gather3A, %shift_left3A_509 : vector<16xi32>
        %bitcast3A_511 = vector.bitcast %shift_left3A_510 : vector<16xi32> to vector<16xf32>
        %and3A_512 = arith.constant -65536 : i32
        %and3A_513 = vector.broadcast %and3A_512 : i32 to vector<16xi32>
        %and3A_514 = arith.andi %gather3A_371, %and3A_513 : vector<16xi32>
        %bitcast3A_515 = vector.bitcast %and3A_514 : vector<16xi32> to vector<16xf32>
        %shift_left3A_516 = arith.constant 16 : i32
        %shift_left3A_517 = vector.broadcast %shift_left3A_516 : i32 to vector<16xi32>
        %shift_left3A_518 = arith.shli %gather3A_371, %shift_left3A_517 : vector<16xi32>
        %bitcast3A_519 = vector.bitcast %shift_left3A_518 : vector<16xi32> to vector<16xf32>
        %and3A_520 = arith.constant -65536 : i32
        %and3A_521 = vector.broadcast %and3A_520 : i32 to vector<16xi32>
        %and3A_522 = arith.andi %gather3A_372, %and3A_521 : vector<16xi32>
        %bitcast3A_523 = vector.bitcast %and3A_522 : vector<16xi32> to vector<16xf32>
        %shift_left3A_524 = arith.constant 16 : i32
        %shift_left3A_525 = vector.broadcast %shift_left3A_524 : i32 to vector<16xi32>
        %shift_left3A_526 = arith.shli %gather3A_372, %shift_left3A_525 : vector<16xi32>
        %bitcast3A_527 = vector.bitcast %shift_left3A_526 : vector<16xi32> to vector<16xf32>
        %and3A_528 = arith.constant -65536 : i32
        %and3A_529 = vector.broadcast %and3A_528 : i32 to vector<16xi32>
        %and3A_530 = arith.andi %gather3A_373, %and3A_529 : vector<16xi32>
        %bitcast3A_531 = vector.bitcast %and3A_530 : vector<16xi32> to vector<16xf32>
        %mul3A_532 = arith.mulf %bitcast3A_531, %get3A_375 : vector<16xf32>
        %shift_left3A_533 = arith.constant 16 : i32
        %shift_left3A_534 = vector.broadcast %shift_left3A_533 : i32 to vector<16xi32>
        %shift_left3A_535 = arith.shli %gather3A_373, %shift_left3A_534 : vector<16xi32>
        %bitcast3A_536 = vector.bitcast %shift_left3A_535 : vector<16xi32> to vector<16xf32>
        %mul3A_537 = arith.mulf %bitcast3A_536, %get3A_375 : vector<16xf32>
        %mul3A_538 = arith.mulf %bitcast3A_511, %get3A_399 : vector<16xf32>
        %mul3A_539 = arith.mulf %bitcast3A_515, %get3A_395 : vector<16xf32>
        %sub3A_540 = arith.subf %mul3A_538, %mul3A_539 : vector<16xf32>
        %mul3A_541 = arith.mulf %bitcast3A_515, %get3A_391 : vector<16xf32>
        %mul3A_542 = arith.mulf %bitcast3A, %get3A_399 : vector<16xf32>
        %sub3A_543 = arith.subf %mul3A_541, %mul3A_542 : vector<16xf32>
        %mul3A_544 = arith.mulf %bitcast3A, %get3A_395 : vector<16xf32>
        %mul3A_545 = arith.mulf %bitcast3A_511, %get3A_391 : vector<16xf32>
        %sub3A_546 = arith.subf %mul3A_544, %mul3A_545 : vector<16xf32>
        %mul3A_547 = arith.mulf %bitcast3A_511, %sub3A_546 : vector<16xf32>
        %mul3A_548 = arith.mulf %bitcast3A_515, %sub3A_543 : vector<16xf32>
        %sub3A_549 = arith.subf %mul3A_547, %mul3A_548 : vector<16xf32>
        %mul3A_550 = arith.mulf %bitcast3A_515, %sub3A_540 : vector<16xf32>
        %mul3A_551 = arith.mulf %bitcast3A, %sub3A_546 : vector<16xf32>
        %sub3A_552 = arith.subf %mul3A_550, %mul3A_551 : vector<16xf32>
        %mul3A_553 = arith.mulf %bitcast3A, %sub3A_543 : vector<16xf32>
        %mul3A_554 = arith.mulf %bitcast3A_511, %sub3A_540 : vector<16xf32>
        %sub3A_555 = arith.subf %mul3A_553, %mul3A_554 : vector<16xf32>
        %mul3A_556 = arith.mulf %bitcast3A_519, %get3A_375 : vector<16xf32>
        %add3A_557 = arith.addf %get3A_379, %mul3A_556 : vector<16xf32>
        %mul3A_558 = arith.mulf %bitcast3A_523, %get3A_375 : vector<16xf32>
        %add3A_559 = arith.addf %get3A_383, %mul3A_558 : vector<16xf32>
        %mul3A_560 = arith.mulf %bitcast3A_527, %get3A_375 : vector<16xf32>
        %add3A_561 = arith.addf %get3A_387, %mul3A_560 : vector<16xf32>
        %mul3A_562 = arith.mulf %mul3A_532, %sub3A_540 : vector<16xf32>
        %add3A_563 = arith.addf %get3A_391, %mul3A_562 : vector<16xf32>
        %mul3A_564 = arith.mulf %mul3A_537, %sub3A_549 : vector<16xf32>
        %add3A_565 = arith.addf %add3A_563, %mul3A_564 : vector<16xf32>
        %mul3A_566 = arith.mulf %mul3A_532, %sub3A_543 : vector<16xf32>
        %add3A_567 = arith.addf %get3A_395, %mul3A_566 : vector<16xf32>
        %mul3A_568 = arith.mulf %mul3A_537, %sub3A_552 : vector<16xf32>
        %add3A_569 = arith.addf %add3A_567, %mul3A_568 : vector<16xf32>
        %mul3A_570 = arith.mulf %mul3A_532, %sub3A_546 : vector<16xf32>
        %add3A_571 = arith.addf %get3A_399, %mul3A_570 : vector<16xf32>
        %mul3A_572 = arith.mulf %mul3A_537, %sub3A_555 : vector<16xf32>
        %add3A_573 = arith.addf %add3A_571, %mul3A_572 : vector<16xf32>
        %and3A_574 = arith.constant -65536 : i32
        %and3A_575 = vector.broadcast %and3A_574 : i32 to vector<16xi32>
        %and3A_576 = arith.andi %gather3A_419, %and3A_575 : vector<16xi32>
        %bitcast3A_577 = vector.bitcast %and3A_576 : vector<16xi32> to vector<16xf32>
        %shift_left3A_578 = arith.constant 16 : i32
        %shift_left3A_579 = vector.broadcast %shift_left3A_578 : i32 to vector<16xi32>
        %shift_left3A_580 = arith.shli %gather3A_419, %shift_left3A_579 : vector<16xi32>
        %bitcast3A_581 = vector.bitcast %shift_left3A_580 : vector<16xi32> to vector<16xf32>
        %and3A_582 = arith.constant -65536 : i32
        %and3A_583 = vector.broadcast %and3A_582 : i32 to vector<16xi32>
        %and3A_584 = arith.andi %gather3A_420, %and3A_583 : vector<16xi32>
        %bitcast3A_585 = vector.bitcast %and3A_584 : vector<16xi32> to vector<16xf32>
        %shift_left3A_586 = arith.constant 16 : i32
        %shift_left3A_587 = vector.broadcast %shift_left3A_586 : i32 to vector<16xi32>
        %shift_left3A_588 = arith.shli %gather3A_420, %shift_left3A_587 : vector<16xi32>
        %bitcast3A_589 = vector.bitcast %shift_left3A_588 : vector<16xi32> to vector<16xf32>
        %and3A_590 = arith.constant -65536 : i32
        %and3A_591 = vector.broadcast %and3A_590 : i32 to vector<16xi32>
        %and3A_592 = arith.andi %gather3A_421, %and3A_591 : vector<16xi32>
        %bitcast3A_593 = vector.bitcast %and3A_592 : vector<16xi32> to vector<16xf32>
        %shift_left3A_594 = arith.constant 16 : i32
        %shift_left3A_595 = vector.broadcast %shift_left3A_594 : i32 to vector<16xi32>
        %shift_left3A_596 = arith.shli %gather3A_421, %shift_left3A_595 : vector<16xi32>
        %bitcast3A_597 = vector.bitcast %shift_left3A_596 : vector<16xi32> to vector<16xf32>
        %and3A_598 = arith.constant -65536 : i32
        %and3A_599 = vector.broadcast %and3A_598 : i32 to vector<16xi32>
        %and3A_600 = arith.andi %gather3A_422, %and3A_599 : vector<16xi32>
        %bitcast3A_601 = vector.bitcast %and3A_600 : vector<16xi32> to vector<16xf32>
        %mul3A_602 = arith.mulf %bitcast3A_601, %get3A_424 : vector<16xf32>
        %shift_left3A_603 = arith.constant 16 : i32
        %shift_left3A_604 = vector.broadcast %shift_left3A_603 : i32 to vector<16xi32>
        %shift_left3A_605 = arith.shli %gather3A_422, %shift_left3A_604 : vector<16xi32>
        %bitcast3A_606 = vector.bitcast %shift_left3A_605 : vector<16xi32> to vector<16xf32>
        %mul3A_607 = arith.mulf %bitcast3A_606, %get3A_424 : vector<16xf32>
        %mul3A_608 = arith.mulf %bitcast3A_581, %get3A_448 : vector<16xf32>
        %mul3A_609 = arith.mulf %bitcast3A_585, %get3A_444 : vector<16xf32>
        %sub3A_610 = arith.subf %mul3A_608, %mul3A_609 : vector<16xf32>
        %mul3A_611 = arith.mulf %bitcast3A_585, %get3A_440 : vector<16xf32>
        %mul3A_612 = arith.mulf %bitcast3A_577, %get3A_448 : vector<16xf32>
        %sub3A_613 = arith.subf %mul3A_611, %mul3A_612 : vector<16xf32>
        %mul3A_614 = arith.mulf %bitcast3A_577, %get3A_444 : vector<16xf32>
        %mul3A_615 = arith.mulf %bitcast3A_581, %get3A_440 : vector<16xf32>
        %sub3A_616 = arith.subf %mul3A_614, %mul3A_615 : vector<16xf32>
        %mul3A_617 = arith.mulf %bitcast3A_581, %sub3A_616 : vector<16xf32>
        %mul3A_618 = arith.mulf %bitcast3A_585, %sub3A_613 : vector<16xf32>
        %sub3A_619 = arith.subf %mul3A_617, %mul3A_618 : vector<16xf32>
        %mul3A_620 = arith.mulf %bitcast3A_585, %sub3A_610 : vector<16xf32>
        %mul3A_621 = arith.mulf %bitcast3A_577, %sub3A_616 : vector<16xf32>
        %sub3A_622 = arith.subf %mul3A_620, %mul3A_621 : vector<16xf32>
        %mul3A_623 = arith.mulf %bitcast3A_577, %sub3A_613 : vector<16xf32>
        %mul3A_624 = arith.mulf %bitcast3A_581, %sub3A_610 : vector<16xf32>
        %sub3A_625 = arith.subf %mul3A_623, %mul3A_624 : vector<16xf32>
        %mul3A_626 = arith.mulf %bitcast3A_589, %get3A_424 : vector<16xf32>
        %add3A_627 = arith.addf %get3A_428, %mul3A_626 : vector<16xf32>
        %mul3A_628 = arith.mulf %bitcast3A_593, %get3A_424 : vector<16xf32>
        %add3A_629 = arith.addf %get3A_432, %mul3A_628 : vector<16xf32>
        %mul3A_630 = arith.mulf %bitcast3A_597, %get3A_424 : vector<16xf32>
        %add3A_631 = arith.addf %get3A_436, %mul3A_630 : vector<16xf32>
        %mul3A_632 = arith.mulf %mul3A_602, %sub3A_610 : vector<16xf32>
        %add3A_633 = arith.addf %get3A_440, %mul3A_632 : vector<16xf32>
        %mul3A_634 = arith.mulf %mul3A_607, %sub3A_619 : vector<16xf32>
        %add3A_635 = arith.addf %add3A_633, %mul3A_634 : vector<16xf32>
        %mul3A_636 = arith.mulf %mul3A_602, %sub3A_613 : vector<16xf32>
        %add3A_637 = arith.addf %get3A_444, %mul3A_636 : vector<16xf32>
        %mul3A_638 = arith.mulf %mul3A_607, %sub3A_622 : vector<16xf32>
        %add3A_639 = arith.addf %add3A_637, %mul3A_638 : vector<16xf32>
        %mul3A_640 = arith.mulf %mul3A_602, %sub3A_616 : vector<16xf32>
        %add3A_641 = arith.addf %get3A_448, %mul3A_640 : vector<16xf32>
        %mul3A_642 = arith.mulf %mul3A_607, %sub3A_625 : vector<16xf32>
        %add3A_643 = arith.addf %add3A_641, %mul3A_642 : vector<16xf32>
        %and3A_644 = arith.constant -65536 : i32
        %and3A_645 = vector.broadcast %and3A_644 : i32 to vector<16xi32>
        %and3A_646 = arith.andi %gather3A_468, %and3A_645 : vector<16xi32>
        %bitcast3A_647 = vector.bitcast %and3A_646 : vector<16xi32> to vector<16xf32>
        %shift_left3A_648 = arith.constant 16 : i32
        %shift_left3A_649 = vector.broadcast %shift_left3A_648 : i32 to vector<16xi32>
        %shift_left3A_650 = arith.shli %gather3A_468, %shift_left3A_649 : vector<16xi32>
        %bitcast3A_651 = vector.bitcast %shift_left3A_650 : vector<16xi32> to vector<16xf32>
        %and3A_652 = arith.constant -65536 : i32
        %and3A_653 = vector.broadcast %and3A_652 : i32 to vector<16xi32>
        %and3A_654 = arith.andi %gather3A_469, %and3A_653 : vector<16xi32>
        %bitcast3A_655 = vector.bitcast %and3A_654 : vector<16xi32> to vector<16xf32>
        %shift_left3A_656 = arith.constant 16 : i32
        %shift_left3A_657 = vector.broadcast %shift_left3A_656 : i32 to vector<16xi32>
        %shift_left3A_658 = arith.shli %gather3A_469, %shift_left3A_657 : vector<16xi32>
        %bitcast3A_659 = vector.bitcast %shift_left3A_658 : vector<16xi32> to vector<16xf32>
        %and3A_660 = arith.constant -65536 : i32
        %and3A_661 = vector.broadcast %and3A_660 : i32 to vector<16xi32>
        %and3A_662 = arith.andi %gather3A_470, %and3A_661 : vector<16xi32>
        %bitcast3A_663 = vector.bitcast %and3A_662 : vector<16xi32> to vector<16xf32>
        %shift_left3A_664 = arith.constant 16 : i32
        %shift_left3A_665 = vector.broadcast %shift_left3A_664 : i32 to vector<16xi32>
        %shift_left3A_666 = arith.shli %gather3A_470, %shift_left3A_665 : vector<16xi32>
        %bitcast3A_667 = vector.bitcast %shift_left3A_666 : vector<16xi32> to vector<16xf32>
        %and3A_668 = arith.constant -65536 : i32
        %and3A_669 = vector.broadcast %and3A_668 : i32 to vector<16xi32>
        %and3A_670 = arith.andi %gather3A_471, %and3A_669 : vector<16xi32>
        %bitcast3A_671 = vector.bitcast %and3A_670 : vector<16xi32> to vector<16xf32>
        %mul3A_672 = arith.mulf %bitcast3A_671, %get3A_473 : vector<16xf32>
        %shift_left3A_673 = arith.constant 16 : i32
        %shift_left3A_674 = vector.broadcast %shift_left3A_673 : i32 to vector<16xi32>
        %shift_left3A_675 = arith.shli %gather3A_471, %shift_left3A_674 : vector<16xi32>
        %bitcast3A_676 = vector.bitcast %shift_left3A_675 : vector<16xi32> to vector<16xf32>
        %mul3A_677 = arith.mulf %bitcast3A_676, %get3A_473 : vector<16xf32>
        %mul3A_678 = arith.mulf %bitcast3A_651, %get3A_497 : vector<16xf32>
        %mul3A_679 = arith.mulf %bitcast3A_655, %get3A_493 : vector<16xf32>
        %sub3A_680 = arith.subf %mul3A_678, %mul3A_679 : vector<16xf32>
        %mul3A_681 = arith.mulf %bitcast3A_655, %get3A_489 : vector<16xf32>
        %mul3A_682 = arith.mulf %bitcast3A_647, %get3A_497 : vector<16xf32>
        %sub3A_683 = arith.subf %mul3A_681, %mul3A_682 : vector<16xf32>
        %mul3A_684 = arith.mulf %bitcast3A_647, %get3A_493 : vector<16xf32>
        %mul3A_685 = arith.mulf %bitcast3A_651, %get3A_489 : vector<16xf32>
        %sub3A_686 = arith.subf %mul3A_684, %mul3A_685 : vector<16xf32>
        %mul3A_687 = arith.mulf %bitcast3A_651, %sub3A_686 : vector<16xf32>
        %mul3A_688 = arith.mulf %bitcast3A_655, %sub3A_683 : vector<16xf32>
        %sub3A_689 = arith.subf %mul3A_687, %mul3A_688 : vector<16xf32>
        %mul3A_690 = arith.mulf %bitcast3A_655, %sub3A_680 : vector<16xf32>
        %mul3A_691 = arith.mulf %bitcast3A_647, %sub3A_686 : vector<16xf32>
        %sub3A_692 = arith.subf %mul3A_690, %mul3A_691 : vector<16xf32>
        %mul3A_693 = arith.mulf %bitcast3A_647, %sub3A_683 : vector<16xf32>
        %mul3A_694 = arith.mulf %bitcast3A_651, %sub3A_680 : vector<16xf32>
        %sub3A_695 = arith.subf %mul3A_693, %mul3A_694 : vector<16xf32>
        %mul3A_696 = arith.mulf %bitcast3A_659, %get3A_473 : vector<16xf32>
        %add3A_697 = arith.addf %get3A_477, %mul3A_696 : vector<16xf32>
        %mul3A_698 = arith.mulf %bitcast3A_663, %get3A_473 : vector<16xf32>
        %add3A_699 = arith.addf %get3A_481, %mul3A_698 : vector<16xf32>
        %mul3A_700 = arith.mulf %bitcast3A_667, %get3A_473 : vector<16xf32>
        %add3A_701 = arith.addf %get3A_485, %mul3A_700 : vector<16xf32>
        %mul3A_702 = arith.mulf %mul3A_672, %sub3A_680 : vector<16xf32>
        %add3A_703 = arith.addf %get3A_489, %mul3A_702 : vector<16xf32>
        %mul3A_704 = arith.mulf %mul3A_677, %sub3A_689 : vector<16xf32>
        %add3A_705 = arith.addf %add3A_703, %mul3A_704 : vector<16xf32>
        %mul3A_706 = arith.mulf %mul3A_672, %sub3A_683 : vector<16xf32>
        %add3A_707 = arith.addf %get3A_493, %mul3A_706 : vector<16xf32>
        %mul3A_708 = arith.mulf %mul3A_677, %sub3A_692 : vector<16xf32>
        %add3A_709 = arith.addf %add3A_707, %mul3A_708 : vector<16xf32>
        %mul3A_710 = arith.mulf %mul3A_672, %sub3A_686 : vector<16xf32>
        %add3A_711 = arith.addf %get3A_497, %mul3A_710 : vector<16xf32>
        %mul3A_712 = arith.mulf %mul3A_677, %sub3A_695 : vector<16xf32>
        %add3A_713 = arith.addf %add3A_711, %mul3A_712 : vector<16xf32>
        %swap3A = arith.constant 0 : i32
        %swap3A_714 = arith.index_cast %swap3A : i32 to index
        %swap3A_715 = arith.index_cast %mul3A_367 : i32 to index
        %swap3A_716 = tpu.vector_load %arg16[%swap3A_714, %swap3A_715] {strides = array<i32>} : memref<8x1536xf32, #tpu.memory_space<vmem>>, vector<16xf32>,
        tpu.vector_store %arg16[%swap3A_714, %swap3A_715], %add3A_557 {strides = array<i32>} : memref<8x1536xf32, #tpu.memory_space<vmem>>, vector<16xf32>,
        %swap3A_717 = arith.constant 1 : i32
        %swap3A_718 = arith.index_cast %swap3A_717 : i32 to index
        %swap3A_719 = arith.index_cast %mul3A_367 : i32 to index
        %swap3A_720 = tpu.vector_load %arg16[%swap3A_718, %swap3A_719] {strides = array<i32>} : memref<8x1536xf32, #tpu.memory_space<vmem>>, vector<16xf32>,
        tpu.vector_store %arg16[%swap3A_718, %swap3A_719], %add3A_559 {strides = array<i32>} : memref<8x1536xf32, #tpu.memory_space<vmem>>, vector<16xf32>,
        %swap3A_721 = arith.constant 2 : i32
        %swap3A_722 = arith.index_cast %swap3A_721 : i32 to index
        %swap3A_723 = arith.index_cast %mul3A_367 : i32 to index
        %swap3A_724 = tpu.vector_load %arg16[%swap3A_722, %swap3A_723] {strides = array<i32>} : memref<8x1536xf32, #tpu.memory_space<vmem>>, vector<16xf32>,
        tpu.vector_store %arg16[%swap3A_722, %swap3A_723], %add3A_561 {strides = array<i32>} : memref<8x1536xf32, #tpu.memory_space<vmem>>, vector<16xf32>,
        %swap3A_725 = arith.constant 3 : i32
        %swap3A_726 = arith.index_cast %swap3A_725 : i32 to index
        %swap3A_727 = arith.index_cast %mul3A_367 : i32 to index
        %swap3A_728 = tpu.vector_load %arg16[%swap3A_726, %swap3A_727] {strides = array<i32>} : memref<8x1536xf32, #tpu.memory_space<vmem>>, vector<16xf32>,
        tpu.vector_store %arg16[%swap3A_726, %swap3A_727], %add3A_565 {strides = array<i32>} : memref<8x1536xf32, #tpu.memory_space<vmem>>, vector<16xf32>,
        %swap3A_729 = arith.constant 4 : i32
        %swap3A_730 = arith.index_cast %swap3A_729 : i32 to index
        %swap3A_731 = arith.index_cast %mul3A_367 : i32 to index
        %swap3A_732 = tpu.vector_load %arg16[%swap3A_730, %swap3A_731] {strides = array<i32>} : memref<8x1536xf32, #tpu.memory_space<vmem>>, vector<16xf32>,
        tpu.vector_store %arg16[%swap3A_730, %swap3A_731], %add3A_569 {strides = array<i32>} : memref<8x1536xf32, #tpu.memory_space<vmem>>, vector<16xf32>,
        %swap3A_733 = arith.constant 5 : i32
        %swap3A_734 = arith.index_cast %swap3A_733 : i32 to index
        %swap3A_735 = arith.index_cast %mul3A_367 : i32 to index
        %swap3A_736 = tpu.vector_load %arg16[%swap3A_734, %swap3A_735] {strides = array<i32>} : memref<8x1536xf32, #tpu.memory_space<vmem>>, vector<16xf32>,
        tpu.vector_store %arg16[%swap3A_734, %swap3A_735], %add3A_573 {strides = array<i32>} : memref<8x1536xf32, #tpu.memory_space<vmem>>, vector<16xf32>,
        %swap3A_737 = arith.constant 6 : i32
        %swap3A_738 = arith.index_cast %swap3A_737 : i32 to index
        %swap3A_739 = arith.index_cast %mul3A_367 : i32 to index
        %swap3A_740 = tpu.vector_load %arg16[%swap3A_738, %swap3A_739] {strides = array<i32>} : memref<8x1536xf32, #tpu.memory_space<vmem>>, vector<16xf32>,
        tpu.vector_store %arg16[%swap3A_738, %swap3A_739], %get3A_403 {strides = array<i32>} : memref<8x1536xf32, #tpu.memory_space<vmem>>, vector<16xf32>,
        %swap3A_741 = arith.constant 7 : i32
        %swap3A_742 = arith.index_cast %swap3A_741 : i32 to index
        %swap3A_743 = arith.index_cast %mul3A_367 : i32 to index
        %swap3A_744 = tpu.vector_load %arg16[%swap3A_742, %swap3A_743] {strides = array<i32>} : memref<8x1536xf32, #tpu.memory_space<vmem>>, vector<16xf32>,
        tpu.vector_store %arg16[%swap3A_742, %swap3A_743], %get3A_407 {strides = array<i32>} : memref<8x1536xf32, #tpu.memory_space<vmem>>, vector<16xf32>,
        %swap3A_745 = arith.constant 0 : i32
        %swap3A_746 = arith.index_cast %swap3A_745 : i32 to index
        %swap3A_747 = arith.index_cast %mul3A_413 : i32 to index
        %swap3A_748 = tpu.vector_load %arg16[%swap3A_746, %swap3A_747] {strides = array<i32>} : memref<8x1536xf32, #tpu.memory_space<vmem>>, vector<16xf32>,
        tpu.vector_store %arg16[%swap3A_746, %swap3A_747], %add3A_627 {strides = array<i32>} : memref<8x1536xf32, #tpu.memory_space<vmem>>, vector<16xf32>,
        %swap3A_749 = arith.constant 1 : i32
        %swap3A_750 = arith.index_cast %swap3A_749 : i32 to index
        %swap3A_751 = arith.index_cast %mul3A_413 : i32 to index
        %swap3A_752 = tpu.vector_load %arg16[%swap3A_750, %swap3A_751] {strides = array<i32>} : memref<8x1536xf32, #tpu.memory_space<vmem>>, vector<16xf32>,
        tpu.vector_store %arg16[%swap3A_750, %swap3A_751], %add3A_629 {strides = array<i32>} : memref<8x1536xf32, #tpu.memory_space<vmem>>, vector<16xf32>,
        %swap3A_753 = arith.constant 2 : i32
        %swap3A_754 = arith.index_cast %swap3A_753 : i32 to index
        %swap3A_755 = arith.index_cast %mul3A_413 : i32 to index
        %swap3A_756 = tpu.vector_load %arg16[%swap3A_754, %swap3A_755] {strides = array<i32>} : memref<8x1536xf32, #tpu.memory_space<vmem>>, vector<16xf32>,
        tpu.vector_store %arg16[%swap3A_754, %swap3A_755], %add3A_631 {strides = array<i32>} : memref<8x1536xf32, #tpu.memory_space<vmem>>, vector<16xf32>,
        %swap3A_757 = arith.constant 3 : i32
        %swap3A_758 = arith.index_cast %swap3A_757 : i32 to index
        %swap3A_759 = arith.index_cast %mul3A_413 : i32 to index
        %swap3A_760 = tpu.vector_load %arg16[%swap3A_758, %swap3A_759] {strides = array<i32>} : memref<8x1536xf32, #tpu.memory_space<vmem>>, vector<16xf32>,
        tpu.vector_store %arg16[%swap3A_758, %swap3A_759], %add3A_635 {strides = array<i32>} : memref<8x1536xf32, #tpu.memory_space<vmem>>, vector<16xf32>,
        %swap3A_761 = arith.constant 4 : i32
        %swap3A_762 = arith.index_cast %swap3A_761 : i32 to index
        %swap3A_763 = arith.index_cast %mul3A_413 : i32 to index
        %swap3A_764 = tpu.vector_load %arg16[%swap3A_762, %swap3A_763] {strides = array<i32>} : memref<8x1536xf32, #tpu.memory_space<vmem>>, vector<16xf32>,
        tpu.vector_store %arg16[%swap3A_762, %swap3A_763], %add3A_639 {strides = array<i32>} : memref<8x1536xf32, #tpu.memory_space<vmem>>, vector<16xf32>,
        %swap3A_765 = arith.constant 5 : i32
        %swap3A_766 = arith.index_cast %swap3A_765 : i32 to index
        %swap3A_767 = arith.index_cast %mul3A_413 : i32 to index
        %swap3A_768 = tpu.vector_load %arg16[%swap3A_766, %swap3A_767] {strides = array<i32>} : memref<8x1536xf32, #tpu.memory_space<vmem>>, vector<16xf32>,
        tpu.vector_store %arg16[%swap3A_766, %swap3A_767], %add3A_643 {strides = array<i32>} : memref<8x1536xf32, #tpu.memory_space<vmem>>, vector<16xf32>,
        %swap3A_769 = arith.constant 6 : i32
        %swap3A_770 = arith.index_cast %swap3A_769 : i32 to index
        %swap3A_771 = arith.index_cast %mul3A_413 : i32 to index
        %swap3A_772 = tpu.vector_load %arg16[%swap3A_770, %swap3A_771] {strides = array<i32>} : memref<8x1536xf32, #tpu.memory_space<vmem>>, vector<16xf32>,
        tpu.vector_store %arg16[%swap3A_770, %swap3A_771], %get3A_452 {strides = array<i32>} : memref<8x1536xf32, #tpu.memory_space<vmem>>, vector<16xf32>,
        %swap3A_773 = arith.constant 7 : i32
        %swap3A_774 = arith.index_cast %swap3A_773 : i32 to index
        %swap3A_775 = arith.index_cast %mul3A_413 : i32 to index
        %swap3A_776 = tpu.vector_load %arg16[%swap3A_774, %swap3A_775] {strides = array<i32>} : memref<8x1536xf32, #tpu.memory_space<vmem>>, vector<16xf32>,
        tpu.vector_store %arg16[%swap3A_774, %swap3A_775], %get3A_456 {strides = array<i32>} : memref<8x1536xf32, #tpu.memory_space<vmem>>, vector<16xf32>,
        %swap3A_777 = arith.constant 0 : i32
        %swap3A_778 = arith.index_cast %swap3A_777 : i32 to index
        %swap3A_779 = arith.index_cast %mul3A_462 : i32 to index
        %swap3A_780 = tpu.vector_load %arg16[%swap3A_778, %swap3A_779] {strides = array<i32>} : memref<8x1536xf32, #tpu.memory_space<vmem>>, vector<16xf32>,
        tpu.vector_store %arg16[%swap3A_778, %swap3A_779], %add3A_697 {strides = array<i32>} : memref<8x1536xf32, #tpu.memory_space<vmem>>, vector<16xf32>,
        %swap3A_781 = arith.constant 1 : i32
        %swap3A_782 = arith.index_cast %swap3A_781 : i32 to index
        %swap3A_783 = arith.index_cast %mul3A_462 : i32 to index
        %swap3A_784 = tpu.vector_load %arg16[%swap3A_782, %swap3A_783] {strides = array<i32>} : memref<8x1536xf32, #tpu.memory_space<vmem>>, vector<16xf32>,
        tpu.vector_store %arg16[%swap3A_782, %swap3A_783], %add3A_699 {strides = array<i32>} : memref<8x1536xf32, #tpu.memory_space<vmem>>, vector<16xf32>,
        %swap3A_785 = arith.constant 2 : i32
        %swap3A_786 = arith.index_cast %swap3A_785 : i32 to index
        %swap3A_787 = arith.index_cast %mul3A_462 : i32 to index
        %swap3A_788 = tpu.vector_load %arg16[%swap3A_786, %swap3A_787] {strides = array<i32>} : memref<8x1536xf32, #tpu.memory_space<vmem>>, vector<16xf32>,
        tpu.vector_store %arg16[%swap3A_786, %swap3A_787], %add3A_701 {strides = array<i32>} : memref<8x1536xf32, #tpu.memory_space<vmem>>, vector<16xf32>,
        %swap3A_789 = arith.constant 3 : i32
        %swap3A_790 = arith.index_cast %swap3A_789 : i32 to index
        %swap3A_791 = arith.index_cast %mul3A_462 : i32 to index
        %swap3A_792 = tpu.vector_load %arg16[%swap3A_790, %swap3A_791] {strides = array<i32>} : memref<8x1536xf32, #tpu.memory_space<vmem>>, vector<16xf32>,
        tpu.vector_store %arg16[%swap3A_790, %swap3A_791], %add3A_705 {strides = array<i32>} : memref<8x1536xf32, #tpu.memory_space<vmem>>, vector<16xf32>,
        %swap3A_793 = arith.constant 4 : i32
        %swap3A_794 = arith.index_cast %swap3A_793 : i32 to index
        %swap3A_795 = arith.index_cast %mul3A_462 : i32 to index
        %swap3A_796 = tpu.vector_load %arg16[%swap3A_794, %swap3A_795] {strides = array<i32>} : memref<8x1536xf32, #tpu.memory_space<vmem>>, vector<16xf32>,
        tpu.vector_store %arg16[%swap3A_794, %swap3A_795], %add3A_709 {strides = array<i32>} : memref<8x1536xf32, #tpu.memory_space<vmem>>, vector<16xf32>,
        %swap3A_797 = arith.constant 5 : i32
        %swap3A_798 = arith.index_cast %swap3A_797 : i32 to index
        %swap3A_799 = arith.index_cast %mul3A_462 : i32 to index
        %swap3A_800 = tpu.vector_load %arg16[%swap3A_798, %swap3A_799] {strides = array<i32>} : memref<8x1536xf32, #tpu.memory_space<vmem>>, vector<16xf32>,
        tpu.vector_store %arg16[%swap3A_798, %swap3A_799], %add3A_713 {strides = array<i32>} : memref<8x1536xf32, #tpu.memory_space<vmem>>, vector<16xf32>,
        %swap3A_801 = arith.constant 6 : i32
        %swap3A_802 = arith.index_cast %swap3A_801 : i32 to index
        %swap3A_803 = arith.index_cast %mul3A_462 : i32 to index
        %swap3A_804 = tpu.vector_load %arg16[%swap3A_802, %swap3A_803] {strides = array<i32>} : memref<8x1536xf32, #tpu.memory_space<vmem>>, vector<16xf32>,
        tpu.vector_store %arg16[%swap3A_802, %swap3A_803], %get3A_501 {strides = array<i32>} : memref<8x1536xf32, #tpu.memory_space<vmem>>, vector<16xf32>,
        %swap3A_805 = arith.constant 7 : i32
        %swap3A_806 = arith.index_cast %swap3A_805 : i32 to index
        %swap3A_807 = arith.index_cast %mul3A_462 : i32 to index
        %swap3A_808 = tpu.vector_load %arg16[%swap3A_806, %swap3A_807] {strides = array<i32>} : memref<8x1536xf32, #tpu.memory_space<vmem>>, vector<16xf32>,
        tpu.vector_store %arg16[%swap3A_806, %swap3A_807], %get3A_505 {strides = array<i32>} : memref<8x1536xf32, #tpu.memory_space<vmem>>, vector<16xf32>,
      }
      %scan3A_254 = arith.constant 32 : i32
      %mul3A_255 = arith.constant 21 : i32
      %mul3A_256 = arith.muli %add3A, %mul3A_255 : i32
      %min3A_257 = arith.constant 20 : i32
      %min3A_258 = arith.minsi %mul3A_217, %min3A_257 : i32
      %add3A_259 = arith.addi %mul3A_256, %min3A_258 : i32
      %mul3A_260 = arith.constant 1536 : i32
      %mul3A_261 = arith.muli %add3A_259, %mul3A_260 : i32
      %min3A_262 = arith.constant 998528 : i32
      %min3A_263 = arith.minsi %mul3A_261, %min3A_262 : i32
      %dma_start3A_264 = arith.constant 0 : i32
      %dma_start3A_265 = tpu.memref_slice %arg9[%dma_start3A_264, %min3A_263] : memref<8x1000000xf32, #tpu.memory_space<hbm>> -> memref<8x1536xf32, #tpu.memory_space<hbm>>
      %dma_start3A_266 = arith.constant 0 : i32
      %dma_start3A_267 = tpu.memref_slice %arg9[%dma_start3A_266, %min3A_263] : memref<8x1000000xf32, #tpu.memory_space<hbm>> -> memref<8x1536xf32, #tpu.memory_space<hbm>>
      tpu.enqueue_dma source(%arg16 : memref<8x1536xf32, #tpu.memory_space<vmem>>) target(%dma_start3A_267 : memref<8x1536xf32, #tpu.memory_space<hbm>>) target_semaphore(%arg24 : memref<!tpu.dma_semaphore, #tpu.memory_space<semaphore_mem>>)
      %add3A_268 = arith.constant 2 : i32
      %add3A_269 = arith.addi %mul3A_217, %add3A_268 : i32
      %mul3A_270 = arith.constant 21 : i32
      %mul3A_271 = arith.muli %add3A, %mul3A_270 : i32
      %min3A_272 = arith.constant 20 : i32
      %min3A_273 = arith.minsi %add3A_269, %min3A_272 : i32
      %add3A_274 = arith.addi %mul3A_271, %min3A_273 : i32
      %mul3A_275 = arith.constant 1536 : i32
      %mul3A_276 = arith.muli %add3A_274, %mul3A_275 : i32
      %min3A_277 = arith.constant 998528 : i32
      %min3A_278 = arith.minsi %mul3A_276, %min3A_277 : i32
      %dma_start3A_279 = tpu.memref_slice %arg7[%min3A_278] : memref<1000000xi32, #tpu.memory_space<hbm>> -> memref<1536xi32, #tpu.memory_space<hbm>>
      %dma_start3A_280 = tpu.memref_slice %arg7[%min3A_278] : memref<1000000xi32, #tpu.memory_space<hbm>> -> memref<1536xi32, #tpu.memory_space<hbm>>
      tpu.enqueue_dma source(%dma_start3A_280 : memref<1536xi32, #tpu.memory_space<hbm>>) target(%arg18 : memref<1536xi32, #tpu.memory_space<vmem>>) target_semaphore(%arg22 : memref<!tpu.dma_semaphore, #tpu.memory_space<semaphore_mem>>)
      %dma_start3A_281 = tpu.memref_slice %arg8[%min3A_278] : memref<1000000xf32, #tpu.memory_space<hbm>> -> memref<1536xf32, #tpu.memory_space<hbm>>
      %dma_start3A_282 = tpu.memref_slice %arg8[%min3A_278] : memref<1000000xf32, #tpu.memory_space<hbm>> -> memref<1536xf32, #tpu.memory_space<hbm>>
      tpu.enqueue_dma source(%dma_start3A_282 : memref<1536xf32, #tpu.memory_space<hbm>>) target(%arg20 : memref<1536xf32, #tpu.memory_space<vmem>>) target_semaphore(%arg22 : memref<!tpu.dma_semaphore, #tpu.memory_space<semaphore_mem>>)
      %dma_start3A_283 = arith.constant 0 : i32
      %dma_start3A_284 = tpu.memref_slice %arg6[%dma_start3A_283, %min3A_278] : memref<8x1000000xf32, #tpu.memory_space<hbm>> -> memref<8x1536xf32, #tpu.memory_space<hbm>>
      %dma_start3A_285 = arith.constant 0 : i32
      %dma_start3A_286 = tpu.memref_slice %arg6[%dma_start3A_285, %min3A_278] : memref<8x1000000xf32, #tpu.memory_space<hbm>> -> memref<8x1536xf32, #tpu.memory_space<hbm>>
      tpu.enqueue_dma source(%dma_start3A_286 : memref<8x1536xf32, #tpu.memory_space<hbm>>) target(%arg14 : memref<8x1536xf32, #tpu.memory_space<vmem>>) target_semaphore(%arg22 : memref<!tpu.dma_semaphore, #tpu.memory_space<semaphore_mem>>)
      %add3A_287 = arith.constant 1 : i32
      %add3A_288 = arith.addi %mul3A_217, %add3A_287 : i32
      %mul3A_289 = arith.constant 21 : i32
      %mul3A_290 = arith.muli %add3A, %mul3A_289 : i32
      %min3A_291 = arith.constant 20 : i32
      %min3A_292 = arith.minsi %add3A_288, %min3A_291 : i32
      %add3A_293 = arith.addi %mul3A_290, %min3A_292 : i32
      %mul3A_294 = arith.constant 1536 : i32
      %mul3A_295 = arith.muli %add3A_293, %mul3A_294 : i32
      %min3A_296 = arith.constant 998528 : i32
      %min3A_297 = arith.minsi %mul3A_295, %min3A_296 : i32
      %dma_wait3A_298 = tpu.memref_slice %arg7[%min3A_297] : memref<1000000xi32, #tpu.memory_space<hbm>> -> memref<1536xi32, #tpu.memory_space<hbm>>
      %dma_wait3A_299 = tpu.memref_slice %arg7[%min3A_297] : memref<1000000xi32, #tpu.memory_space<hbm>> -> memref<1536xi32, #tpu.memory_space<hbm>>
      tpu.wait_dma2 semaphore(%arg23 : memref<!tpu.dma_semaphore, #tpu.memory_space<semaphore_mem>>) src(%dma_wait3A_299 : memref<1536xi32, #tpu.memory_space<hbm>>) dst(%arg19 : memref<1536xi32, #tpu.memory_space<vmem>>)
      %dma_wait3A_300 = tpu.memref_slice %arg8[%min3A_297] : memref<1000000xf32, #tpu.memory_space<hbm>> -> memref<1536xf32, #tpu.memory_space<hbm>>
      %dma_wait3A_301 = tpu.memref_slice %arg8[%min3A_297] : memref<1000000xf32, #tpu.memory_space<hbm>> -> memref<1536xf32, #tpu.memory_space<hbm>>
      tpu.wait_dma2 semaphore(%arg23 : memref<!tpu.dma_semaphore, #tpu.memory_space<semaphore_mem>>) src(%dma_wait3A_301 : memref<1536xf32, #tpu.memory_space<hbm>>) dst(%arg21 : memref<1536xf32, #tpu.memory_space<vmem>>)
      %dma_wait3A_302 = arith.constant 0 : i32
      %dma_wait3A_303 = tpu.memref_slice %arg6[%dma_wait3A_302, %min3A_297] : memref<8x1000000xf32, #tpu.memory_space<hbm>> -> memref<8x1536xf32, #tpu.memory_space<hbm>>
      %dma_wait3A_304 = arith.constant 0 : i32
      %dma_wait3A_305 = tpu.memref_slice %arg6[%dma_wait3A_304, %min3A_297] : memref<8x1000000xf32, #tpu.memory_space<hbm>> -> memref<8x1536xf32, #tpu.memory_space<hbm>>
      tpu.wait_dma2 semaphore(%arg23 : memref<!tpu.dma_semaphore, #tpu.memory_space<semaphore_mem>>) src(%dma_wait3A_305 : memref<8x1536xf32, #tpu.memory_space<hbm>>) dst(%arg15 : memref<8x1536xf32, #tpu.memory_space<vmem>>)
      %sub3A_306 = arith.constant 1 : i32
      %sub3A_307 = arith.subi %mul3A_217, %sub3A_306 : i32
      %mul3A_308 = arith.constant 21 : i32
      %mul3A_309 = arith.muli %add3A, %mul3A_308 : i32
      %min3A_310 = arith.constant 20 : i32
      %min3A_311 = arith.minsi %sub3A_307, %min3A_310 : i32
      %add3A_312 = arith.addi %mul3A_309, %min3A_311 : i32
      %mul3A_313 = arith.constant 1536 : i32
      %mul3A_314 = arith.muli %add3A_312, %mul3A_313 : i32
      %min3A_315 = arith.constant 998528 : i32
      %min3A_316 = arith.minsi %mul3A_314, %min3A_315 : i32
      %dma_wait3A_317 = arith.constant 0 : i32
      %dma_wait3A_318 = tpu.memref_slice %arg9[%dma_wait3A_317, %min3A_316] : memref<8x1000000xf32, #tpu.memory_space<hbm>> -> memref<8x1536xf32, #tpu.memory_space<hbm>>
      %dma_wait3A_319 = arith.constant 0 : i32
      %dma_wait3A_320 = tpu.memref_slice %arg9[%dma_wait3A_319, %min3A_316] : memref<8x1000000xf32, #tpu.memory_space<hbm>> -> memref<8x1536xf32, #tpu.memory_space<hbm>>
      tpu.wait_dma2 semaphore(%arg25 : memref<!tpu.dma_semaphore, #tpu.memory_space<semaphore_mem>>) src(%arg17 : memref<8x1536xf32, #tpu.memory_space<vmem>>) dst(%dma_wait3A_320 : memref<8x1536xf32, #tpu.memory_space<hbm>>)
      %scan3A_321 = arith.constant 0 : i32
      %scan3A_322 = arith.constant 0 : i32
      %scan3A_323 = arith.constant 32 : i32
      %scan3A_324 = arith.addi %scan3A_322, %scan3A_323 : i32
      %scan3A_325 = arith.constant 1 : i32
      scf.for %scan3A_361 = %scan3A_322 to %scan3A_324 step %scan3A_325  : i32 {
        %mul3A_362 = arith.constant 3 : i32
        %mul3A_363 = arith.muli %scan3A_361, %mul3A_362 : i32
        %add3A_364 = arith.constant 0 : i32
        %add3A_365 = arith.addi %mul3A_363, %add3A_364 : i32
        %mul3A_366 = arith.constant 16 : i32
        %mul3A_367 = arith.muli %add3A_365, %mul3A_366 : i32
        %get3A = arith.index_cast %mul3A_367 : i32 to index
        %get3A_368 = tpu.vector_load %arg19[%get3A] {strides = array<i32>} : memref<1536xi32, #tpu.memory_space<vmem>>, vector<16xi32>,
        %and3A = arith.constant 16383 : i32
        %and3A_369 = vector.broadcast %and3A : i32 to vector<16xi32>
        %and3A_370 = arith.andi %get3A_368, %and3A_369 : vector<16xi32>
        %gather3A = tpu.vector_load_idx %arg10[%and3A_370] : memref<16384xi32, #tpu.memory_space<vmem>>[vector<16xi32>], vector<16xi32>,
        %gather3A_371 = tpu.vector_load_idx %arg11[%and3A_370] : memref<16384xi32, #tpu.memory_space<vmem>>[vector<16xi32>], vector<16xi32>,
        %gather3A_372 = tpu.vector_load_idx %arg12[%and3A_370] : memref<16384xi32, #tpu.memory_space<vmem>>[vector<16xi32>], vector<16xi32>,
        %gather3A_373 = tpu.vector_load_idx %arg13[%and3A_370] : memref<16384xi32, #tpu.memory_space<vmem>>[vector<16xi32>], vector<16xi32>,
        %get3A_374 = arith.index_cast %mul3A_367 : i32 to index
        %get3A_375 = tpu.vector_load %arg21[%get3A_374] {strides = array<i32>} : memref<1536xf32, #tpu.memory_space<vmem>>, vector<16xf32>,
        %get3A_376 = arith.constant 0 : i32
        %get3A_377 = arith.index_cast %get3A_376 : i32 to index
        %get3A_378 = arith.index_cast %mul3A_367 : i32 to index
        %get3A_379 = tpu.vector_load %arg15[%get3A_377, %get3A_378] {strides = array<i32>} : memref<8x1536xf32, #tpu.memory_space<vmem>>, vector<16xf32>,
        %get3A_380 = arith.constant 1 : i32
        %get3A_381 = arith.index_cast %get3A_380 : i32 to index
        %get3A_382 = arith.index_cast %mul3A_367 : i32 to index
        %get3A_383 = tpu.vector_load %arg15[%get3A_381, %get3A_382] {strides = array<i32>} : memref<8x1536xf32, #tpu.memory_space<vmem>>, vector<16xf32>,
        %get3A_384 = arith.constant 2 : i32
        %get3A_385 = arith.index_cast %get3A_384 : i32 to index
        %get3A_386 = arith.index_cast %mul3A_367 : i32 to index
        %get3A_387 = tpu.vector_load %arg15[%get3A_385, %get3A_386] {strides = array<i32>} : memref<8x1536xf32, #tpu.memory_space<vmem>>, vector<16xf32>,
        %get3A_388 = arith.constant 3 : i32
        %get3A_389 = arith.index_cast %get3A_388 : i32 to index
        %get3A_390 = arith.index_cast %mul3A_367 : i32 to index
        %get3A_391 = tpu.vector_load %arg15[%get3A_389, %get3A_390] {strides = array<i32>} : memref<8x1536xf32, #tpu.memory_space<vmem>>, vector<16xf32>,
        %get3A_392 = arith.constant 4 : i32
        %get3A_393 = arith.index_cast %get3A_392 : i32 to index
        %get3A_394 = arith.index_cast %mul3A_367 : i32 to index
        %get3A_395 = tpu.vector_load %arg15[%get3A_393, %get3A_394] {strides = array<i32>} : memref<8x1536xf32, #tpu.memory_space<vmem>>, vector<16xf32>,
        %get3A_396 = arith.constant 5 : i32
        %get3A_397 = arith.index_cast %get3A_396 : i32 to index
        %get3A_398 = arith.index_cast %mul3A_367 : i32 to index
        %get3A_399 = tpu.vector_load %arg15[%get3A_397, %get3A_398] {strides = array<i32>} : memref<8x1536xf32, #tpu.memory_space<vmem>>, vector<16xf32>,
        %get3A_400 = arith.constant 6 : i32
        %get3A_401 = arith.index_cast %get3A_400 : i32 to index
        %get3A_402 = arith.index_cast %mul3A_367 : i32 to index
        %get3A_403 = tpu.vector_load %arg15[%get3A_401, %get3A_402] {strides = array<i32>} : memref<8x1536xf32, #tpu.memory_space<vmem>>, vector<16xf32>,
        %get3A_404 = arith.constant 7 : i32
        %get3A_405 = arith.index_cast %get3A_404 : i32 to index
        %get3A_406 = arith.index_cast %mul3A_367 : i32 to index
        %get3A_407 = tpu.vector_load %arg15[%get3A_405, %get3A_406] {strides = array<i32>} : memref<8x1536xf32, #tpu.memory_space<vmem>>, vector<16xf32>,
        %mul3A_408 = arith.constant 3 : i32
        %mul3A_409 = arith.muli %scan3A_361, %mul3A_408 : i32
        %add3A_410 = arith.constant 1 : i32
        %add3A_411 = arith.addi %mul3A_409, %add3A_410 : i32
        %mul3A_412 = arith.constant 16 : i32
        %mul3A_413 = arith.muli %add3A_411, %mul3A_412 : i32
        %get3A_414 = arith.index_cast %mul3A_413 : i32 to index
        %get3A_415 = tpu.vector_load %arg19[%get3A_414] {strides = array<i32>} : memref<1536xi32, #tpu.memory_space<vmem>>, vector<16xi32>,
        %and3A_416 = arith.constant 16383 : i32
        %and3A_417 = vector.broadcast %and3A_416 : i32 to vector<16xi32>
        %and3A_418 = arith.andi %get3A_415, %and3A_417 : vector<16xi32>
        %gather3A_419 = tpu.vector_load_idx %arg10[%and3A_418] : memref<16384xi32, #tpu.memory_space<vmem>>[vector<16xi32>], vector<16xi32>,
        %gather3A_420 = tpu.vector_load_idx %arg11[%and3A_418] : memref<16384xi32, #tpu.memory_space<vmem>>[vector<16xi32>], vector<16xi32>,
        %gather3A_421 = tpu.vector_load_idx %arg12[%and3A_418] : memref<16384xi32, #tpu.memory_space<vmem>>[vector<16xi32>], vector<16xi32>,
        %gather3A_422 = tpu.vector_load_idx %arg13[%and3A_418] : memref<16384xi32, #tpu.memory_space<vmem>>[vector<16xi32>], vector<16xi32>,
        %get3A_423 = arith.index_cast %mul3A_413 : i32 to index
        %get3A_424 = tpu.vector_load %arg21[%get3A_423] {strides = array<i32>} : memref<1536xf32, #tpu.memory_space<vmem>>, vector<16xf32>,
        %get3A_425 = arith.constant 0 : i32
        %get3A_426 = arith.index_cast %get3A_425 : i32 to index
        %get3A_427 = arith.index_cast %mul3A_413 : i32 to index
        %get3A_428 = tpu.vector_load %arg15[%get3A_426, %get3A_427] {strides = array<i32>} : memref<8x1536xf32, #tpu.memory_space<vmem>>, vector<16xf32>,
        %get3A_429 = arith.constant 1 : i32
        %get3A_430 = arith.index_cast %get3A_429 : i32 to index
        %get3A_431 = arith.index_cast %mul3A_413 : i32 to index
        %get3A_432 = tpu.vector_load %arg15[%get3A_430, %get3A_431] {strides = array<i32>} : memref<8x1536xf32, #tpu.memory_space<vmem>>, vector<16xf32>,
        %get3A_433 = arith.constant 2 : i32
        %get3A_434 = arith.index_cast %get3A_433 : i32 to index
        %get3A_435 = arith.index_cast %mul3A_413 : i32 to index
        %get3A_436 = tpu.vector_load %arg15[%get3A_434, %get3A_435] {strides = array<i32>} : memref<8x1536xf32, #tpu.memory_space<vmem>>, vector<16xf32>,
        %get3A_437 = arith.constant 3 : i32
        %get3A_438 = arith.index_cast %get3A_437 : i32 to index
        %get3A_439 = arith.index_cast %mul3A_413 : i32 to index
        %get3A_440 = tpu.vector_load %arg15[%get3A_438, %get3A_439] {strides = array<i32>} : memref<8x1536xf32, #tpu.memory_space<vmem>>, vector<16xf32>,
        %get3A_441 = arith.constant 4 : i32
        %get3A_442 = arith.index_cast %get3A_441 : i32 to index
        %get3A_443 = arith.index_cast %mul3A_413 : i32 to index
        %get3A_444 = tpu.vector_load %arg15[%get3A_442, %get3A_443] {strides = array<i32>} : memref<8x1536xf32, #tpu.memory_space<vmem>>, vector<16xf32>,
        %get3A_445 = arith.constant 5 : i32
        %get3A_446 = arith.index_cast %get3A_445 : i32 to index
        %get3A_447 = arith.index_cast %mul3A_413 : i32 to index
        %get3A_448 = tpu.vector_load %arg15[%get3A_446, %get3A_447] {strides = array<i32>} : memref<8x1536xf32, #tpu.memory_space<vmem>>, vector<16xf32>,
        %get3A_449 = arith.constant 6 : i32
        %get3A_450 = arith.index_cast %get3A_449 : i32 to index
        %get3A_451 = arith.index_cast %mul3A_413 : i32 to index
        %get3A_452 = tpu.vector_load %arg15[%get3A_450, %get3A_451] {strides = array<i32>} : memref<8x1536xf32, #tpu.memory_space<vmem>>, vector<16xf32>,
        %get3A_453 = arith.constant 7 : i32
        %get3A_454 = arith.index_cast %get3A_453 : i32 to index
        %get3A_455 = arith.index_cast %mul3A_413 : i32 to index
        %get3A_456 = tpu.vector_load %arg15[%get3A_454, %get3A_455] {strides = array<i32>} : memref<8x1536xf32, #tpu.memory_space<vmem>>, vector<16xf32>,
        %mul3A_457 = arith.constant 3 : i32
        %mul3A_458 = arith.muli %scan3A_361, %mul3A_457 : i32
        %add3A_459 = arith.constant 2 : i32
        %add3A_460 = arith.addi %mul3A_458, %add3A_459 : i32
        %mul3A_461 = arith.constant 16 : i32
        %mul3A_462 = arith.muli %add3A_460, %mul3A_461 : i32
        %get3A_463 = arith.index_cast %mul3A_462 : i32 to index
        %get3A_464 = tpu.vector_load %arg19[%get3A_463] {strides = array<i32>} : memref<1536xi32, #tpu.memory_space<vmem>>, vector<16xi32>,
        %and3A_465 = arith.constant 16383 : i32
        %and3A_466 = vector.broadcast %and3A_465 : i32 to vector<16xi32>
        %and3A_467 = arith.andi %get3A_464, %and3A_466 : vector<16xi32>
        %gather3A_468 = tpu.vector_load_idx %arg10[%and3A_467] : memref<16384xi32, #tpu.memory_space<vmem>>[vector<16xi32>], vector<16xi32>,
        %gather3A_469 = tpu.vector_load_idx %arg11[%and3A_467] : memref<16384xi32, #tpu.memory_space<vmem>>[vector<16xi32>], vector<16xi32>,
        %gather3A_470 = tpu.vector_load_idx %arg12[%and3A_467] : memref<16384xi32, #tpu.memory_space<vmem>>[vector<16xi32>], vector<16xi32>,
        %gather3A_471 = tpu.vector_load_idx %arg13[%and3A_467] : memref<16384xi32, #tpu.memory_space<vmem>>[vector<16xi32>], vector<16xi32>,
        %get3A_472 = arith.index_cast %mul3A_462 : i32 to index
        %get3A_473 = tpu.vector_load %arg21[%get3A_472] {strides = array<i32>} : memref<1536xf32, #tpu.memory_space<vmem>>, vector<16xf32>,
        %get3A_474 = arith.constant 0 : i32
        %get3A_475 = arith.index_cast %get3A_474 : i32 to index
        %get3A_476 = arith.index_cast %mul3A_462 : i32 to index
        %get3A_477 = tpu.vector_load %arg15[%get3A_475, %get3A_476] {strides = array<i32>} : memref<8x1536xf32, #tpu.memory_space<vmem>>, vector<16xf32>,
        %get3A_478 = arith.constant 1 : i32
        %get3A_479 = arith.index_cast %get3A_478 : i32 to index
        %get3A_480 = arith.index_cast %mul3A_462 : i32 to index
        %get3A_481 = tpu.vector_load %arg15[%get3A_479, %get3A_480] {strides = array<i32>} : memref<8x1536xf32, #tpu.memory_space<vmem>>, vector<16xf32>,
        %get3A_482 = arith.constant 2 : i32
        %get3A_483 = arith.index_cast %get3A_482 : i32 to index
        %get3A_484 = arith.index_cast %mul3A_462 : i32 to index
        %get3A_485 = tpu.vector_load %arg15[%get3A_483, %get3A_484] {strides = array<i32>} : memref<8x1536xf32, #tpu.memory_space<vmem>>, vector<16xf32>,
        %get3A_486 = arith.constant 3 : i32
        %get3A_487 = arith.index_cast %get3A_486 : i32 to index
        %get3A_488 = arith.index_cast %mul3A_462 : i32 to index
        %get3A_489 = tpu.vector_load %arg15[%get3A_487, %get3A_488] {strides = array<i32>} : memref<8x1536xf32, #tpu.memory_space<vmem>>, vector<16xf32>,
        %get3A_490 = arith.constant 4 : i32
        %get3A_491 = arith.index_cast %get3A_490 : i32 to index
        %get3A_492 = arith.index_cast %mul3A_462 : i32 to index
        %get3A_493 = tpu.vector_load %arg15[%get3A_491, %get3A_492] {strides = array<i32>} : memref<8x1536xf32, #tpu.memory_space<vmem>>, vector<16xf32>,
        %get3A_494 = arith.constant 5 : i32
        %get3A_495 = arith.index_cast %get3A_494 : i32 to index
        %get3A_496 = arith.index_cast %mul3A_462 : i32 to index
        %get3A_497 = tpu.vector_load %arg15[%get3A_495, %get3A_496] {strides = array<i32>} : memref<8x1536xf32, #tpu.memory_space<vmem>>, vector<16xf32>,
        %get3A_498 = arith.constant 6 : i32
        %get3A_499 = arith.index_cast %get3A_498 : i32 to index
        %get3A_500 = arith.index_cast %mul3A_462 : i32 to index
        %get3A_501 = tpu.vector_load %arg15[%get3A_499, %get3A_500] {strides = array<i32>} : memref<8x1536xf32, #tpu.memory_space<vmem>>, vector<16xf32>,
        %get3A_502 = arith.constant 7 : i32
        %get3A_503 = arith.index_cast %get3A_502 : i32 to index
        %get3A_504 = arith.index_cast %mul3A_462 : i32 to index
        %get3A_505 = tpu.vector_load %arg15[%get3A_503, %get3A_504] {strides = array<i32>} : memref<8x1536xf32, #tpu.memory_space<vmem>>, vector<16xf32>,
        %and3A_506 = arith.constant -65536 : i32
        %and3A_507 = vector.broadcast %and3A_506 : i32 to vector<16xi32>
        %and3A_508 = arith.andi %gather3A, %and3A_507 : vector<16xi32>
        %bitcast3A = vector.bitcast %and3A_508 : vector<16xi32> to vector<16xf32>
        %shift_left3A = arith.constant 16 : i32
        %shift_left3A_509 = vector.broadcast %shift_left3A : i32 to vector<16xi32>
        %shift_left3A_510 = arith.shli %gather3A, %shift_left3A_509 : vector<16xi32>
        %bitcast3A_511 = vector.bitcast %shift_left3A_510 : vector<16xi32> to vector<16xf32>
        %and3A_512 = arith.constant -65536 : i32
        %and3A_513 = vector.broadcast %and3A_512 : i32 to vector<16xi32>
        %and3A_514 = arith.andi %gather3A_371, %and3A_513 : vector<16xi32>
        %bitcast3A_515 = vector.bitcast %and3A_514 : vector<16xi32> to vector<16xf32>
        %shift_left3A_516 = arith.constant 16 : i32
        %shift_left3A_517 = vector.broadcast %shift_left3A_516 : i32 to vector<16xi32>
        %shift_left3A_518 = arith.shli %gather3A_371, %shift_left3A_517 : vector<16xi32>
        %bitcast3A_519 = vector.bitcast %shift_left3A_518 : vector<16xi32> to vector<16xf32>
        %and3A_520 = arith.constant -65536 : i32
        %and3A_521 = vector.broadcast %and3A_520 : i32 to vector<16xi32>
        %and3A_522 = arith.andi %gather3A_372, %and3A_521 : vector<16xi32>
        %bitcast3A_523 = vector.bitcast %and3A_522 : vector<16xi32> to vector<16xf32>
        %shift_left3A_524 = arith.constant 16 : i32
        %shift_left3A_525 = vector.broadcast %shift_left3A_524 : i32 to vector<16xi32>
        %shift_left3A_526 = arith.shli %gather3A_372, %shift_left3A_525 : vector<16xi32>
        %bitcast3A_527 = vector.bitcast %shift_left3A_526 : vector<16xi32> to vector<16xf32>
        %and3A_528 = arith.constant -65536 : i32
        %and3A_529 = vector.broadcast %and3A_528 : i32 to vector<16xi32>
        %and3A_530 = arith.andi %gather3A_373, %and3A_529 : vector<16xi32>
        %bitcast3A_531 = vector.bitcast %and3A_530 : vector<16xi32> to vector<16xf32>
        %mul3A_532 = arith.mulf %bitcast3A_531, %get3A_375 : vector<16xf32>
        %shift_left3A_533 = arith.constant 16 : i32
        %shift_left3A_534 = vector.broadcast %shift_left3A_533 : i32 to vector<16xi32>
        %shift_left3A_535 = arith.shli %gather3A_373, %shift_left3A_534 : vector<16xi32>
        %bitcast3A_536 = vector.bitcast %shift_left3A_535 : vector<16xi32> to vector<16xf32>
        %mul3A_537 = arith.mulf %bitcast3A_536, %get3A_375 : vector<16xf32>
        %mul3A_538 = arith.mulf %bitcast3A_511, %get3A_399 : vector<16xf32>
        %mul3A_539 = arith.mulf %bitcast3A_515, %get3A_395 : vector<16xf32>
        %sub3A_540 = arith.subf %mul3A_538, %mul3A_539 : vector<16xf32>
        %mul3A_541 = arith.mulf %bitcast3A_515, %get3A_391 : vector<16xf32>
        %mul3A_542 = arith.mulf %bitcast3A, %get3A_399 : vector<16xf32>
        %sub3A_543 = arith.subf %mul3A_541, %mul3A_542 : vector<16xf32>
        %mul3A_544 = arith.mulf %bitcast3A, %get3A_395 : vector<16xf32>
        %mul3A_545 = arith.mulf %bitcast3A_511, %get3A_391 : vector<16xf32>
        %sub3A_546 = arith.subf %mul3A_544, %mul3A_545 : vector<16xf32>
        %mul3A_547 = arith.mulf %bitcast3A_511, %sub3A_546 : vector<16xf32>
        %mul3A_548 = arith.mulf %bitcast3A_515, %sub3A_543 : vector<16xf32>
        %sub3A_549 = arith.subf %mul3A_547, %mul3A_548 : vector<16xf32>
        %mul3A_550 = arith.mulf %bitcast3A_515, %sub3A_540 : vector<16xf32>
        %mul3A_551 = arith.mulf %bitcast3A, %sub3A_546 : vector<16xf32>
        %sub3A_552 = arith.subf %mul3A_550, %mul3A_551 : vector<16xf32>
        %mul3A_553 = arith.mulf %bitcast3A, %sub3A_543 : vector<16xf32>
        %mul3A_554 = arith.mulf %bitcast3A_511, %sub3A_540 : vector<16xf32>
        %sub3A_555 = arith.subf %mul3A_553, %mul3A_554 : vector<16xf32>
        %mul3A_556 = arith.mulf %bitcast3A_519, %get3A_375 : vector<16xf32>
        %add3A_557 = arith.addf %get3A_379, %mul3A_556 : vector<16xf32>
        %mul3A_558 = arith.mulf %bitcast3A_523, %get3A_375 : vector<16xf32>
        %add3A_559 = arith.addf %get3A_383, %mul3A_558 : vector<16xf32>
        %mul3A_560 = arith.mulf %bitcast3A_527, %get3A_375 : vector<16xf32>
        %add3A_561 = arith.addf %get3A_387, %mul3A_560 : vector<16xf32>
        %mul3A_562 = arith.mulf %mul3A_532, %sub3A_540 : vector<16xf32>
        %add3A_563 = arith.addf %get3A_391, %mul3A_562 : vector<16xf32>
        %mul3A_564 = arith.mulf %mul3A_537, %sub3A_549 : vector<16xf32>
        %add3A_565 = arith.addf %add3A_563, %mul3A_564 : vector<16xf32>
        %mul3A_566 = arith.mulf %mul3A_532, %sub3A_543 : vector<16xf32>
        %add3A_567 = arith.addf %get3A_395, %mul3A_566 : vector<16xf32>
        %mul3A_568 = arith.mulf %mul3A_537, %sub3A_552 : vector<16xf32>
        %add3A_569 = arith.addf %add3A_567, %mul3A_568 : vector<16xf32>
        %mul3A_570 = arith.mulf %mul3A_532, %sub3A_546 : vector<16xf32>
        %add3A_571 = arith.addf %get3A_399, %mul3A_570 : vector<16xf32>
        %mul3A_572 = arith.mulf %mul3A_537, %sub3A_555 : vector<16xf32>
        %add3A_573 = arith.addf %add3A_571, %mul3A_572 : vector<16xf32>
        %and3A_574 = arith.constant -65536 : i32
        %and3A_575 = vector.broadcast %and3A_574 : i32 to vector<16xi32>
        %and3A_576 = arith.andi %gather3A_419, %and3A_575 : vector<16xi32>
        %bitcast3A_577 = vector.bitcast %and3A_576 : vector<16xi32> to vector<16xf32>
        %shift_left3A_578 = arith.constant 16 : i32
        %shift_left3A_579 = vector.broadcast %shift_left3A_578 : i32 to vector<16xi32>
        %shift_left3A_580 = arith.shli %gather3A_419, %shift_left3A_579 : vector<16xi32>
        %bitcast3A_581 = vector.bitcast %shift_left3A_580 : vector<16xi32> to vector<16xf32>
        %and3A_582 = arith.constant -65536 : i32
        %and3A_583 = vector.broadcast %and3A_582 : i32 to vector<16xi32>
        %and3A_584 = arith.andi %gather3A_420, %and3A_583 : vector<16xi32>
        %bitcast3A_585 = vector.bitcast %and3A_584 : vector<16xi32> to vector<16xf32>
        %shift_left3A_586 = arith.constant 16 : i32
        %shift_left3A_587 = vector.broadcast %shift_left3A_586 : i32 to vector<16xi32>
        %shift_left3A_588 = arith.shli %gather3A_420, %shift_left3A_587 : vector<16xi32>
        %bitcast3A_589 = vector.bitcast %shift_left3A_588 : vector<16xi32> to vector<16xf32>
        %and3A_590 = arith.constant -65536 : i32
        %and3A_591 = vector.broadcast %and3A_590 : i32 to vector<16xi32>
        %and3A_592 = arith.andi %gather3A_421, %and3A_591 : vector<16xi32>
        %bitcast3A_593 = vector.bitcast %and3A_592 : vector<16xi32> to vector<16xf32>
        %shift_left3A_594 = arith.constant 16 : i32
        %shift_left3A_595 = vector.broadcast %shift_left3A_594 : i32 to vector<16xi32>
        %shift_left3A_596 = arith.shli %gather3A_421, %shift_left3A_595 : vector<16xi32>
        %bitcast3A_597 = vector.bitcast %shift_left3A_596 : vector<16xi32> to vector<16xf32>
        %and3A_598 = arith.constant -65536 : i32
        %and3A_599 = vector.broadcast %and3A_598 : i32 to vector<16xi32>
        %and3A_600 = arith.andi %gather3A_422, %and3A_599 : vector<16xi32>
        %bitcast3A_601 = vector.bitcast %and3A_600 : vector<16xi32> to vector<16xf32>
        %mul3A_602 = arith.mulf %bitcast3A_601, %get3A_424 : vector<16xf32>
        %shift_left3A_603 = arith.constant 16 : i32
        %shift_left3A_604 = vector.broadcast %shift_left3A_603 : i32 to vector<16xi32>
        %shift_left3A_605 = arith.shli %gather3A_422, %shift_left3A_604 : vector<16xi32>
        %bitcast3A_606 = vector.bitcast %shift_left3A_605 : vector<16xi32> to vector<16xf32>
        %mul3A_607 = arith.mulf %bitcast3A_606, %get3A_424 : vector<16xf32>
        %mul3A_608 = arith.mulf %bitcast3A_581, %get3A_448 : vector<16xf32>
        %mul3A_609 = arith.mulf %bitcast3A_585, %get3A_444 : vector<16xf32>
        %sub3A_610 = arith.subf %mul3A_608, %mul3A_609 : vector<16xf32>
        %mul3A_611 = arith.mulf %bitcast3A_585, %get3A_440 : vector<16xf32>
        %mul3A_612 = arith.mulf %bitcast3A_577, %get3A_448 : vector<16xf32>
        %sub3A_613 = arith.subf %mul3A_611, %mul3A_612 : vector<16xf32>
        %mul3A_614 = arith.mulf %bitcast3A_577, %get3A_444 : vector<16xf32>
        %mul3A_615 = arith.mulf %bitcast3A_581, %get3A_440 : vector<16xf32>
        %sub3A_616 = arith.subf %mul3A_614, %mul3A_615 : vector<16xf32>
        %mul3A_617 = arith.mulf %bitcast3A_581, %sub3A_616 : vector<16xf32>
        %mul3A_618 = arith.mulf %bitcast3A_585, %sub3A_613 : vector<16xf32>
        %sub3A_619 = arith.subf %mul3A_617, %mul3A_618 : vector<16xf32>
        %mul3A_620 = arith.mulf %bitcast3A_585, %sub3A_610 : vector<16xf32>
        %mul3A_621 = arith.mulf %bitcast3A_577, %sub3A_616 : vector<16xf32>
        %sub3A_622 = arith.subf %mul3A_620, %mul3A_621 : vector<16xf32>
        %mul3A_623 = arith.mulf %bitcast3A_577, %sub3A_613 : vector<16xf32>
        %mul3A_624 = arith.mulf %bitcast3A_581, %sub3A_610 : vector<16xf32>
        %sub3A_625 = arith.subf %mul3A_623, %mul3A_624 : vector<16xf32>
        %mul3A_626 = arith.mulf %bitcast3A_589, %get3A_424 : vector<16xf32>
        %add3A_627 = arith.addf %get3A_428, %mul3A_626 : vector<16xf32>
        %mul3A_628 = arith.mulf %bitcast3A_593, %get3A_424 : vector<16xf32>
        %add3A_629 = arith.addf %get3A_432, %mul3A_628 : vector<16xf32>
        %mul3A_630 = arith.mulf %bitcast3A_597, %get3A_424 : vector<16xf32>
        %add3A_631 = arith.addf %get3A_436, %mul3A_630 : vector<16xf32>
        %mul3A_632 = arith.mulf %mul3A_602, %sub3A_610 : vector<16xf32>
        %add3A_633 = arith.addf %get3A_440, %mul3A_632 : vector<16xf32>
        %mul3A_634 = arith.mulf %mul3A_607, %sub3A_619 : vector<16xf32>
        %add3A_635 = arith.addf %add3A_633, %mul3A_634 : vector<16xf32>
        %mul3A_636 = arith.mulf %mul3A_602, %sub3A_613 : vector<16xf32>
        %add3A_637 = arith.addf %get3A_444, %mul3A_636 : vector<16xf32>
        %mul3A_638 = arith.mulf %mul3A_607, %sub3A_622 : vector<16xf32>
        %add3A_639 = arith.addf %add3A_637, %mul3A_638 : vector<16xf32>
        %mul3A_640 = arith.mulf %mul3A_602, %sub3A_616 : vector<16xf32>
        %add3A_641 = arith.addf %get3A_448, %mul3A_640 : vector<16xf32>
        %mul3A_642 = arith.mulf %mul3A_607, %sub3A_625 : vector<16xf32>
        %add3A_643 = arith.addf %add3A_641, %mul3A_642 : vector<16xf32>
        %and3A_644 = arith.constant -65536 : i32
        %and3A_645 = vector.broadcast %and3A_644 : i32 to vector<16xi32>
        %and3A_646 = arith.andi %gather3A_468, %and3A_645 : vector<16xi32>
        %bitcast3A_647 = vector.bitcast %and3A_646 : vector<16xi32> to vector<16xf32>
        %shift_left3A_648 = arith.constant 16 : i32
        %shift_left3A_649 = vector.broadcast %shift_left3A_648 : i32 to vector<16xi32>
        %shift_left3A_650 = arith.shli %gather3A_468, %shift_left3A_649 : vector<16xi32>
        %bitcast3A_651 = vector.bitcast %shift_left3A_650 : vector<16xi32> to vector<16xf32>
        %and3A_652 = arith.constant -65536 : i32
        %and3A_653 = vector.broadcast %and3A_652 : i32 to vector<16xi32>
        %and3A_654 = arith.andi %gather3A_469, %and3A_653 : vector<16xi32>
        %bitcast3A_655 = vector.bitcast %and3A_654 : vector<16xi32> to vector<16xf32>
        %shift_left3A_656 = arith.constant 16 : i32
        %shift_left3A_657 = vector.broadcast %shift_left3A_656 : i32 to vector<16xi32>
        %shift_left3A_658 = arith.shli %gather3A_469, %shift_left3A_657 : vector<16xi32>
        %bitcast3A_659 = vector.bitcast %shift_left3A_658 : vector<16xi32> to vector<16xf32>
        %and3A_660 = arith.constant -65536 : i32
        %and3A_661 = vector.broadcast %and3A_660 : i32 to vector<16xi32>
        %and3A_662 = arith.andi %gather3A_470, %and3A_661 : vector<16xi32>
        %bitcast3A_663 = vector.bitcast %and3A_662 : vector<16xi32> to vector<16xf32>
        %shift_left3A_664 = arith.constant 16 : i32
        %shift_left3A_665 = vector.broadcast %shift_left3A_664 : i32 to vector<16xi32>
        %shift_left3A_666 = arith.shli %gather3A_470, %shift_left3A_665 : vector<16xi32>
        %bitcast3A_667 = vector.bitcast %shift_left3A_666 : vector<16xi32> to vector<16xf32>
        %and3A_668 = arith.constant -65536 : i32
        %and3A_669 = vector.broadcast %and3A_668 : i32 to vector<16xi32>
        %and3A_670 = arith.andi %gather3A_471, %and3A_669 : vector<16xi32>
        %bitcast3A_671 = vector.bitcast %and3A_670 : vector<16xi32> to vector<16xf32>
        %mul3A_672 = arith.mulf %bitcast3A_671, %get3A_473 : vector<16xf32>
        %shift_left3A_673 = arith.constant 16 : i32
        %shift_left3A_674 = vector.broadcast %shift_left3A_673 : i32 to vector<16xi32>
        %shift_left3A_675 = arith.shli %gather3A_471, %shift_left3A_674 : vector<16xi32>
        %bitcast3A_676 = vector.bitcast %shift_left3A_675 : vector<16xi32> to vector<16xf32>
        %mul3A_677 = arith.mulf %bitcast3A_676, %get3A_473 : vector<16xf32>
        %mul3A_678 = arith.mulf %bitcast3A_651, %get3A_497 : vector<16xf32>
        %mul3A_679 = arith.mulf %bitcast3A_655, %get3A_493 : vector<16xf32>
        %sub3A_680 = arith.subf %mul3A_678, %mul3A_679 : vector<16xf32>
        %mul3A_681 = arith.mulf %bitcast3A_655, %get3A_489 : vector<16xf32>
        %mul3A_682 = arith.mulf %bitcast3A_647, %get3A_497 : vector<16xf32>
        %sub3A_683 = arith.subf %mul3A_681, %mul3A_682 : vector<16xf32>
        %mul3A_684 = arith.mulf %bitcast3A_647, %get3A_493 : vector<16xf32>
        %mul3A_685 = arith.mulf %bitcast3A_651, %get3A_489 : vector<16xf32>
        %sub3A_686 = arith.subf %mul3A_684, %mul3A_685 : vector<16xf32>
        %mul3A_687 = arith.mulf %bitcast3A_651, %sub3A_686 : vector<16xf32>
        %mul3A_688 = arith.mulf %bitcast3A_655, %sub3A_683 : vector<16xf32>
        %sub3A_689 = arith.subf %mul3A_687, %mul3A_688 : vector<16xf32>
        %mul3A_690 = arith.mulf %bitcast3A_655, %sub3A_680 : vector<16xf32>
        %mul3A_691 = arith.mulf %bitcast3A_647, %sub3A_686 : vector<16xf32>
        %sub3A_692 = arith.subf %mul3A_690, %mul3A_691 : vector<16xf32>
        %mul3A_693 = arith.mulf %bitcast3A_647, %sub3A_683 : vector<16xf32>
        %mul3A_694 = arith.mulf %bitcast3A_651, %sub3A_680 : vector<16xf32>
        %sub3A_695 = arith.subf %mul3A_693, %mul3A_694 : vector<16xf32>
        %mul3A_696 = arith.mulf %bitcast3A_659, %get3A_473 : vector<16xf32>
        %add3A_697 = arith.addf %get3A_477, %mul3A_696 : vector<16xf32>
        %mul3A_698 = arith.mulf %bitcast3A_663, %get3A_473 : vector<16xf32>
        %add3A_699 = arith.addf %get3A_481, %mul3A_698 : vector<16xf32>
        %mul3A_700 = arith.mulf %bitcast3A_667, %get3A_473 : vector<16xf32>
        %add3A_701 = arith.addf %get3A_485, %mul3A_700 : vector<16xf32>
        %mul3A_702 = arith.mulf %mul3A_672, %sub3A_680 : vector<16xf32>
        %add3A_703 = arith.addf %get3A_489, %mul3A_702 : vector<16xf32>
        %mul3A_704 = arith.mulf %mul3A_677, %sub3A_689 : vector<16xf32>
        %add3A_705 = arith.addf %add3A_703, %mul3A_704 : vector<16xf32>
        %mul3A_706 = arith.mulf %mul3A_672, %sub3A_683 : vector<16xf32>
        %add3A_707 = arith.addf %get3A_493, %mul3A_706 : vector<16xf32>
        %mul3A_708 = arith.mulf %mul3A_677, %sub3A_692 : vector<16xf32>
        %add3A_709 = arith.addf %add3A_707, %mul3A_708 : vector<16xf32>
        %mul3A_710 = arith.mulf %mul3A_672, %sub3A_686 : vector<16xf32>
        %add3A_711 = arith.addf %get3A_497, %mul3A_710 : vector<16xf32>
        %mul3A_712 = arith.mulf %mul3A_677, %sub3A_695 : vector<16xf32>
        %add3A_713 = arith.addf %add3A_711, %mul3A_712 : vector<16xf32>
        %swap3A = arith.constant 0 : i32
        %swap3A_714 = arith.index_cast %swap3A : i32 to index
        %swap3A_715 = arith.index_cast %mul3A_367 : i32 to index
        %swap3A_716 = tpu.vector_load %arg17[%swap3A_714, %swap3A_715] {strides = array<i32>} : memref<8x1536xf32, #tpu.memory_space<vmem>>, vector<16xf32>,
        tpu.vector_store %arg17[%swap3A_714, %swap3A_715], %add3A_557 {strides = array<i32>} : memref<8x1536xf32, #tpu.memory_space<vmem>>, vector<16xf32>,
        %swap3A_717 = arith.constant 1 : i32
        %swap3A_718 = arith.index_cast %swap3A_717 : i32 to index
        %swap3A_719 = arith.index_cast %mul3A_367 : i32 to index
        %swap3A_720 = tpu.vector_load %arg17[%swap3A_718, %swap3A_719] {strides = array<i32>} : memref<8x1536xf32, #tpu.memory_space<vmem>>, vector<16xf32>,
        tpu.vector_store %arg17[%swap3A_718, %swap3A_719], %add3A_559 {strides = array<i32>} : memref<8x1536xf32, #tpu.memory_space<vmem>>, vector<16xf32>,
        %swap3A_721 = arith.constant 2 : i32
        %swap3A_722 = arith.index_cast %swap3A_721 : i32 to index
        %swap3A_723 = arith.index_cast %mul3A_367 : i32 to index
        %swap3A_724 = tpu.vector_load %arg17[%swap3A_722, %swap3A_723] {strides = array<i32>} : memref<8x1536xf32, #tpu.memory_space<vmem>>, vector<16xf32>,
        tpu.vector_store %arg17[%swap3A_722, %swap3A_723], %add3A_561 {strides = array<i32>} : memref<8x1536xf32, #tpu.memory_space<vmem>>, vector<16xf32>,
        %swap3A_725 = arith.constant 3 : i32
        %swap3A_726 = arith.index_cast %swap3A_725 : i32 to index
        %swap3A_727 = arith.index_cast %mul3A_367 : i32 to index
        %swap3A_728 = tpu.vector_load %arg17[%swap3A_726, %swap3A_727] {strides = array<i32>} : memref<8x1536xf32, #tpu.memory_space<vmem>>, vector<16xf32>,
        tpu.vector_store %arg17[%swap3A_726, %swap3A_727], %add3A_565 {strides = array<i32>} : memref<8x1536xf32, #tpu.memory_space<vmem>>, vector<16xf32>,
        %swap3A_729 = arith.constant 4 : i32
        %swap3A_730 = arith.index_cast %swap3A_729 : i32 to index
        %swap3A_731 = arith.index_cast %mul3A_367 : i32 to index
        %swap3A_732 = tpu.vector_load %arg17[%swap3A_730, %swap3A_731] {strides = array<i32>} : memref<8x1536xf32, #tpu.memory_space<vmem>>, vector<16xf32>,
        tpu.vector_store %arg17[%swap3A_730, %swap3A_731], %add3A_569 {strides = array<i32>} : memref<8x1536xf32, #tpu.memory_space<vmem>>, vector<16xf32>,
        %swap3A_733 = arith.constant 5 : i32
        %swap3A_734 = arith.index_cast %swap3A_733 : i32 to index
        %swap3A_735 = arith.index_cast %mul3A_367 : i32 to index
        %swap3A_736 = tpu.vector_load %arg17[%swap3A_734, %swap3A_735] {strides = array<i32>} : memref<8x1536xf32, #tpu.memory_space<vmem>>, vector<16xf32>,
        tpu.vector_store %arg17[%swap3A_734, %swap3A_735], %add3A_573 {strides = array<i32>} : memref<8x1536xf32, #tpu.memory_space<vmem>>, vector<16xf32>,
        %swap3A_737 = arith.constant 6 : i32
        %swap3A_738 = arith.index_cast %swap3A_737 : i32 to index
        %swap3A_739 = arith.index_cast %mul3A_367 : i32 to index
        %swap3A_740 = tpu.vector_load %arg17[%swap3A_738, %swap3A_739] {strides = array<i32>} : memref<8x1536xf32, #tpu.memory_space<vmem>>, vector<16xf32>,
        tpu.vector_store %arg17[%swap3A_738, %swap3A_739], %get3A_403 {strides = array<i32>} : memref<8x1536xf32, #tpu.memory_space<vmem>>, vector<16xf32>,
        %swap3A_741 = arith.constant 7 : i32
        %swap3A_742 = arith.index_cast %swap3A_741 : i32 to index
        %swap3A_743 = arith.index_cast %mul3A_367 : i32 to index
        %swap3A_744 = tpu.vector_load %arg17[%swap3A_742, %swap3A_743] {strides = array<i32>} : memref<8x1536xf32, #tpu.memory_space<vmem>>, vector<16xf32>,
        tpu.vector_store %arg17[%swap3A_742, %swap3A_743], %get3A_407 {strides = array<i32>} : memref<8x1536xf32, #tpu.memory_space<vmem>>, vector<16xf32>,
        %swap3A_745 = arith.constant 0 : i32
        %swap3A_746 = arith.index_cast %swap3A_745 : i32 to index
        %swap3A_747 = arith.index_cast %mul3A_413 : i32 to index
        %swap3A_748 = tpu.vector_load %arg17[%swap3A_746, %swap3A_747] {strides = array<i32>} : memref<8x1536xf32, #tpu.memory_space<vmem>>, vector<16xf32>,
        tpu.vector_store %arg17[%swap3A_746, %swap3A_747], %add3A_627 {strides = array<i32>} : memref<8x1536xf32, #tpu.memory_space<vmem>>, vector<16xf32>,
        %swap3A_749 = arith.constant 1 : i32
        %swap3A_750 = arith.index_cast %swap3A_749 : i32 to index
        %swap3A_751 = arith.index_cast %mul3A_413 : i32 to index
        %swap3A_752 = tpu.vector_load %arg17[%swap3A_750, %swap3A_751] {strides = array<i32>} : memref<8x1536xf32, #tpu.memory_space<vmem>>, vector<16xf32>,
        tpu.vector_store %arg17[%swap3A_750, %swap3A_751], %add3A_629 {strides = array<i32>} : memref<8x1536xf32, #tpu.memory_space<vmem>>, vector<16xf32>,
        %swap3A_753 = arith.constant 2 : i32
        %swap3A_754 = arith.index_cast %swap3A_753 : i32 to index
        %swap3A_755 = arith.index_cast %mul3A_413 : i32 to index
        %swap3A_756 = tpu.vector_load %arg17[%swap3A_754, %swap3A_755] {strides = array<i32>} : memref<8x1536xf32, #tpu.memory_space<vmem>>, vector<16xf32>,
        tpu.vector_store %arg17[%swap3A_754, %swap3A_755], %add3A_631 {strides = array<i32>} : memref<8x1536xf32, #tpu.memory_space<vmem>>, vector<16xf32>,
        %swap3A_757 = arith.constant 3 : i32
        %swap3A_758 = arith.index_cast %swap3A_757 : i32 to index
        %swap3A_759 = arith.index_cast %mul3A_413 : i32 to index
        %swap3A_760 = tpu.vector_load %arg17[%swap3A_758, %swap3A_759] {strides = array<i32>} : memref<8x1536xf32, #tpu.memory_space<vmem>>, vector<16xf32>,
        tpu.vector_store %arg17[%swap3A_758, %swap3A_759], %add3A_635 {strides = array<i32>} : memref<8x1536xf32, #tpu.memory_space<vmem>>, vector<16xf32>,
        %swap3A_761 = arith.constant 4 : i32
        %swap3A_762 = arith.index_cast %swap3A_761 : i32 to index
        %swap3A_763 = arith.index_cast %mul3A_413 : i32 to index
        %swap3A_764 = tpu.vector_load %arg17[%swap3A_762, %swap3A_763] {strides = array<i32>} : memref<8x1536xf32, #tpu.memory_space<vmem>>, vector<16xf32>,
        tpu.vector_store %arg17[%swap3A_762, %swap3A_763], %add3A_639 {strides = array<i32>} : memref<8x1536xf32, #tpu.memory_space<vmem>>, vector<16xf32>,
        %swap3A_765 = arith.constant 5 : i32
        %swap3A_766 = arith.index_cast %swap3A_765 : i32 to index
        %swap3A_767 = arith.index_cast %mul3A_413 : i32 to index
        %swap3A_768 = tpu.vector_load %arg17[%swap3A_766, %swap3A_767] {strides = array<i32>} : memref<8x1536xf32, #tpu.memory_space<vmem>>, vector<16xf32>,
        tpu.vector_store %arg17[%swap3A_766, %swap3A_767], %add3A_643 {strides = array<i32>} : memref<8x1536xf32, #tpu.memory_space<vmem>>, vector<16xf32>,
        %swap3A_769 = arith.constant 6 : i32
        %swap3A_770 = arith.index_cast %swap3A_769 : i32 to index
        %swap3A_771 = arith.index_cast %mul3A_413 : i32 to index
        %swap3A_772 = tpu.vector_load %arg17[%swap3A_770, %swap3A_771] {strides = array<i32>} : memref<8x1536xf32, #tpu.memory_space<vmem>>, vector<16xf32>,
        tpu.vector_store %arg17[%swap3A_770, %swap3A_771], %get3A_452 {strides = array<i32>} : memref<8x1536xf32, #tpu.memory_space<vmem>>, vector<16xf32>,
        %swap3A_773 = arith.constant 7 : i32
        %swap3A_774 = arith.index_cast %swap3A_773 : i32 to index
        %swap3A_775 = arith.index_cast %mul3A_413 : i32 to index
        %swap3A_776 = tpu.vector_load %arg17[%swap3A_774, %swap3A_775] {strides = array<i32>} : memref<8x1536xf32, #tpu.memory_space<vmem>>, vector<16xf32>,
        tpu.vector_store %arg17[%swap3A_774, %swap3A_775], %get3A_456 {strides = array<i32>} : memref<8x1536xf32, #tpu.memory_space<vmem>>, vector<16xf32>,
        %swap3A_777 = arith.constant 0 : i32
        %swap3A_778 = arith.index_cast %swap3A_777 : i32 to index
        %swap3A_779 = arith.index_cast %mul3A_462 : i32 to index
        %swap3A_780 = tpu.vector_load %arg17[%swap3A_778, %swap3A_779] {strides = array<i32>} : memref<8x1536xf32, #tpu.memory_space<vmem>>, vector<16xf32>,
        tpu.vector_store %arg17[%swap3A_778, %swap3A_779], %add3A_697 {strides = array<i32>} : memref<8x1536xf32, #tpu.memory_space<vmem>>, vector<16xf32>,
        %swap3A_781 = arith.constant 1 : i32
        %swap3A_782 = arith.index_cast %swap3A_781 : i32 to index
        %swap3A_783 = arith.index_cast %mul3A_462 : i32 to index
        %swap3A_784 = tpu.vector_load %arg17[%swap3A_782, %swap3A_783] {strides = array<i32>} : memref<8x1536xf32, #tpu.memory_space<vmem>>, vector<16xf32>,
        tpu.vector_store %arg17[%swap3A_782, %swap3A_783], %add3A_699 {strides = array<i32>} : memref<8x1536xf32, #tpu.memory_space<vmem>>, vector<16xf32>,
        %swap3A_785 = arith.constant 2 : i32
        %swap3A_786 = arith.index_cast %swap3A_785 : i32 to index
        %swap3A_787 = arith.index_cast %mul3A_462 : i32 to index
        %swap3A_788 = tpu.vector_load %arg17[%swap3A_786, %swap3A_787] {strides = array<i32>} : memref<8x1536xf32, #tpu.memory_space<vmem>>, vector<16xf32>,
        tpu.vector_store %arg17[%swap3A_786, %swap3A_787], %add3A_701 {strides = array<i32>} : memref<8x1536xf32, #tpu.memory_space<vmem>>, vector<16xf32>,
        %swap3A_789 = arith.constant 3 : i32
        %swap3A_790 = arith.index_cast %swap3A_789 : i32 to index
        %swap3A_791 = arith.index_cast %mul3A_462 : i32 to index
        %swap3A_792 = tpu.vector_load %arg17[%swap3A_790, %swap3A_791] {strides = array<i32>} : memref<8x1536xf32, #tpu.memory_space<vmem>>, vector<16xf32>,
        tpu.vector_store %arg17[%swap3A_790, %swap3A_791], %add3A_705 {strides = array<i32>} : memref<8x1536xf32, #tpu.memory_space<vmem>>, vector<16xf32>,
        %swap3A_793 = arith.constant 4 : i32
        %swap3A_794 = arith.index_cast %swap3A_793 : i32 to index
        %swap3A_795 = arith.index_cast %mul3A_462 : i32 to index
        %swap3A_796 = tpu.vector_load %arg17[%swap3A_794, %swap3A_795] {strides = array<i32>} : memref<8x1536xf32, #tpu.memory_space<vmem>>, vector<16xf32>,
        tpu.vector_store %arg17[%swap3A_794, %swap3A_795], %add3A_709 {strides = array<i32>} : memref<8x1536xf32, #tpu.memory_space<vmem>>, vector<16xf32>,
        %swap3A_797 = arith.constant 5 : i32
        %swap3A_798 = arith.index_cast %swap3A_797 : i32 to index
        %swap3A_799 = arith.index_cast %mul3A_462 : i32 to index
        %swap3A_800 = tpu.vector_load %arg17[%swap3A_798, %swap3A_799] {strides = array<i32>} : memref<8x1536xf32, #tpu.memory_space<vmem>>, vector<16xf32>,
        tpu.vector_store %arg17[%swap3A_798, %swap3A_799], %add3A_713 {strides = array<i32>} : memref<8x1536xf32, #tpu.memory_space<vmem>>, vector<16xf32>,
        %swap3A_801 = arith.constant 6 : i32
        %swap3A_802 = arith.index_cast %swap3A_801 : i32 to index
        %swap3A_803 = arith.index_cast %mul3A_462 : i32 to index
        %swap3A_804 = tpu.vector_load %arg17[%swap3A_802, %swap3A_803] {strides = array<i32>} : memref<8x1536xf32, #tpu.memory_space<vmem>>, vector<16xf32>,
        tpu.vector_store %arg17[%swap3A_802, %swap3A_803], %get3A_501 {strides = array<i32>} : memref<8x1536xf32, #tpu.memory_space<vmem>>, vector<16xf32>,
        %swap3A_805 = arith.constant 7 : i32
        %swap3A_806 = arith.index_cast %swap3A_805 : i32 to index
        %swap3A_807 = arith.index_cast %mul3A_462 : i32 to index
        %swap3A_808 = tpu.vector_load %arg17[%swap3A_806, %swap3A_807] {strides = array<i32>} : memref<8x1536xf32, #tpu.memory_space<vmem>>, vector<16xf32>,
        tpu.vector_store %arg17[%swap3A_806, %swap3A_807], %get3A_505 {strides = array<i32>} : memref<8x1536xf32, #tpu.memory_space<vmem>>, vector<16xf32>,
      }
      %scan3A_326 = arith.constant 32 : i32
      %add3A_327 = arith.constant 1 : i32
      %add3A_328 = arith.addi %mul3A_217, %add3A_327 : i32
      %mul3A_329 = arith.constant 21 : i32
      %mul3A_330 = arith.muli %add3A, %mul3A_329 : i32
      %min3A_331 = arith.constant 20 : i32
      %min3A_332 = arith.minsi %add3A_328, %min3A_331 : i32
      %add3A_333 = arith.addi %mul3A_330, %min3A_332 : i32
      %mul3A_334 = arith.constant 1536 : i32
      %mul3A_335 = arith.muli %add3A_333, %mul3A_334 : i32
      %min3A_336 = arith.constant 998528 : i32
      %min3A_337 = arith.minsi %mul3A_335, %min3A_336 : i32
      %dma_start3A_338 = arith.constant 0 : i32
      %dma_start3A_339 = tpu.memref_slice %arg9[%dma_start3A_338, %min3A_337] : memref<8x1000000xf32, #tpu.memory_space<hbm>> -> memref<8x1536xf32, #tpu.memory_space<hbm>>
      %dma_start3A_340 = arith.constant 0 : i32
      %dma_start3A_341 = tpu.memref_slice %arg9[%dma_start3A_340, %min3A_337] : memref<8x1000000xf32, #tpu.memory_space<hbm>> -> memref<8x1536xf32, #tpu.memory_space<hbm>>
      tpu.enqueue_dma source(%arg17 : memref<8x1536xf32, #tpu.memory_space<vmem>>) target(%dma_start3A_341 : memref<8x1536xf32, #tpu.memory_space<hbm>>) target_semaphore(%arg25 : memref<!tpu.dma_semaphore, #tpu.memory_space<semaphore_mem>>)
      %add3A_342 = arith.constant 3 : i32
      %add3A_343 = arith.addi %mul3A_217, %add3A_342 : i32
      %mul3A_344 = arith.constant 21 : i32
      %mul3A_345 = arith.muli %add3A, %mul3A_344 : i32
      %min3A_346 = arith.constant 20 : i32
      %min3A_347 = arith.minsi %add3A_343, %min3A_346 : i32
      %add3A_348 = arith.addi %mul3A_345, %min3A_347 : i32
      %mul3A_349 = arith.constant 1536 : i32
      %mul3A_350 = arith.muli %add3A_348, %mul3A_349 : i32
      %min3A_351 = arith.constant 998528 : i32
      %min3A_352 = arith.minsi %mul3A_350, %min3A_351 : i32
      %dma_start3A_353 = tpu.memref_slice %arg7[%min3A_352] : memref<1000000xi32, #tpu.memory_space<hbm>> -> memref<1536xi32, #tpu.memory_space<hbm>>
      %dma_start3A_354 = tpu.memref_slice %arg7[%min3A_352] : memref<1000000xi32, #tpu.memory_space<hbm>> -> memref<1536xi32, #tpu.memory_space<hbm>>
      tpu.enqueue_dma source(%dma_start3A_354 : memref<1536xi32, #tpu.memory_space<hbm>>) target(%arg19 : memref<1536xi32, #tpu.memory_space<vmem>>) target_semaphore(%arg23 : memref<!tpu.dma_semaphore, #tpu.memory_space<semaphore_mem>>)
      %dma_start3A_355 = tpu.memref_slice %arg8[%min3A_352] : memref<1000000xf32, #tpu.memory_space<hbm>> -> memref<1536xf32, #tpu.memory_space<hbm>>
      %dma_start3A_356 = tpu.memref_slice %arg8[%min3A_352] : memref<1000000xf32, #tpu.memory_space<hbm>> -> memref<1536xf32, #tpu.memory_space<hbm>>
      tpu.enqueue_dma source(%dma_start3A_356 : memref<1536xf32, #tpu.memory_space<hbm>>) target(%arg21 : memref<1536xf32, #tpu.memory_space<vmem>>) target_semaphore(%arg23 : memref<!tpu.dma_semaphore, #tpu.memory_space<semaphore_mem>>)
      %dma_start3A_357 = arith.constant 0 : i32
      %dma_start3A_358 = tpu.memref_slice %arg6[%dma_start3A_357, %min3A_352] : memref<8x1000000xf32, #tpu.memory_space<hbm>> -> memref<8x1536xf32, #tpu.memory_space<hbm>>
      %dma_start3A_359 = arith.constant 0 : i32
      %dma_start3A_360 = tpu.memref_slice %arg6[%dma_start3A_359, %min3A_352] : memref<8x1000000xf32, #tpu.memory_space<hbm>> -> memref<8x1536xf32, #tpu.memory_space<hbm>>
      tpu.enqueue_dma source(%dma_start3A_360 : memref<8x1536xf32, #tpu.memory_space<hbm>>) target(%arg15 : memref<8x1536xf32, #tpu.memory_space<vmem>>) target_semaphore(%arg23 : memref<!tpu.dma_semaphore, #tpu.memory_space<semaphore_mem>>)
    }
    %scan3A_150 = arith.constant 10 : i32
    %mul3A_151 = arith.constant 21 : i32
    %mul3A_152 = arith.muli %add3A, %mul3A_151 : i32
    %min3A_153 = arith.constant 22 : i32
    %min3A_154 = arith.constant 20 : i32
    %min3A_155 = arith.minsi %min3A_153, %min3A_154 : i32
    %add3A_156 = arith.addi %mul3A_152, %min3A_155 : i32
    %mul3A_157 = arith.constant 1536 : i32
    %mul3A_158 = arith.muli %add3A_156, %mul3A_157 : i32
    %min3A_159 = arith.constant 998528 : i32
    %min3A_160 = arith.minsi %mul3A_158, %min3A_159 : i32
    %dma_wait3A_161 = tpu.memref_slice %arg7[%min3A_160] : memref<1000000xi32, #tpu.memory_space<hbm>> -> memref<1536xi32, #tpu.memory_space<hbm>>
    %dma_wait3A_162 = tpu.memref_slice %arg7[%min3A_160] : memref<1000000xi32, #tpu.memory_space<hbm>> -> memref<1536xi32, #tpu.memory_space<hbm>>
    tpu.wait_dma2 semaphore(%arg22 : memref<!tpu.dma_semaphore, #tpu.memory_space<semaphore_mem>>) src(%dma_wait3A_162 : memref<1536xi32, #tpu.memory_space<hbm>>) dst(%arg18 : memref<1536xi32, #tpu.memory_space<vmem>>)
    %dma_wait3A_163 = tpu.memref_slice %arg8[%min3A_160] : memref<1000000xf32, #tpu.memory_space<hbm>> -> memref<1536xf32, #tpu.memory_space<hbm>>
    %dma_wait3A_164 = tpu.memref_slice %arg8[%min3A_160] : memref<1000000xf32, #tpu.memory_space<hbm>> -> memref<1536xf32, #tpu.memory_space<hbm>>
    tpu.wait_dma2 semaphore(%arg22 : memref<!tpu.dma_semaphore, #tpu.memory_space<semaphore_mem>>) src(%dma_wait3A_164 : memref<1536xf32, #tpu.memory_space<hbm>>) dst(%arg20 : memref<1536xf32, #tpu.memory_space<vmem>>)
    %dma_wait3A_165 = arith.constant 0 : i32
    %dma_wait3A_166 = tpu.memref_slice %arg6[%dma_wait3A_165, %min3A_160] : memref<8x1000000xf32, #tpu.memory_space<hbm>> -> memref<8x1536xf32, #tpu.memory_space<hbm>>
    %dma_wait3A_167 = arith.constant 0 : i32
    %dma_wait3A_168 = tpu.memref_slice %arg6[%dma_wait3A_167, %min3A_160] : memref<8x1000000xf32, #tpu.memory_space<hbm>> -> memref<8x1536xf32, #tpu.memory_space<hbm>>
    tpu.wait_dma2 semaphore(%arg22 : memref<!tpu.dma_semaphore, #tpu.memory_space<semaphore_mem>>) src(%dma_wait3A_168 : memref<8x1536xf32, #tpu.memory_space<hbm>>) dst(%arg14 : memref<8x1536xf32, #tpu.memory_space<vmem>>)
    %mul3A_169 = arith.constant 21 : i32
    %mul3A_170 = arith.muli %add3A, %mul3A_169 : i32
    %min3A_171 = arith.constant 23 : i32
    %min3A_172 = arith.constant 20 : i32
    %min3A_173 = arith.minsi %min3A_171, %min3A_172 : i32
    %add3A_174 = arith.addi %mul3A_170, %min3A_173 : i32
    %mul3A_175 = arith.constant 1536 : i32
    %mul3A_176 = arith.muli %add3A_174, %mul3A_175 : i32
    %min3A_177 = arith.constant 998528 : i32
    %min3A_178 = arith.minsi %mul3A_176, %min3A_177 : i32
    %dma_wait3A_179 = tpu.memref_slice %arg7[%min3A_178] : memref<1000000xi32, #tpu.memory_space<hbm>> -> memref<1536xi32, #tpu.memory_space<hbm>>
    %dma_wait3A_180 = tpu.memref_slice %arg7[%min3A_178] : memref<1000000xi32, #tpu.memory_space<hbm>> -> memref<1536xi32, #tpu.memory_space<hbm>>
    tpu.wait_dma2 semaphore(%arg23 : memref<!tpu.dma_semaphore, #tpu.memory_space<semaphore_mem>>) src(%dma_wait3A_180 : memref<1536xi32, #tpu.memory_space<hbm>>) dst(%arg19 : memref<1536xi32, #tpu.memory_space<vmem>>)
    %dma_wait3A_181 = tpu.memref_slice %arg8[%min3A_178] : memref<1000000xf32, #tpu.memory_space<hbm>> -> memref<1536xf32, #tpu.memory_space<hbm>>
    %dma_wait3A_182 = tpu.memref_slice %arg8[%min3A_178] : memref<1000000xf32, #tpu.memory_space<hbm>> -> memref<1536xf32, #tpu.memory_space<hbm>>
    tpu.wait_dma2 semaphore(%arg23 : memref<!tpu.dma_semaphore, #tpu.memory_space<semaphore_mem>>) src(%dma_wait3A_182 : memref<1536xf32, #tpu.memory_space<hbm>>) dst(%arg21 : memref<1536xf32, #tpu.memory_space<vmem>>)
    %dma_wait3A_183 = arith.constant 0 : i32
    %dma_wait3A_184 = tpu.memref_slice %arg6[%dma_wait3A_183, %min3A_178] : memref<8x1000000xf32, #tpu.memory_space<hbm>> -> memref<8x1536xf32, #tpu.memory_space<hbm>>
    %dma_wait3A_185 = arith.constant 0 : i32
    %dma_wait3A_186 = tpu.memref_slice %arg6[%dma_wait3A_185, %min3A_178] : memref<8x1000000xf32, #tpu.memory_space<hbm>> -> memref<8x1536xf32, #tpu.memory_space<hbm>>
    tpu.wait_dma2 semaphore(%arg23 : memref<!tpu.dma_semaphore, #tpu.memory_space<semaphore_mem>>) src(%dma_wait3A_186 : memref<8x1536xf32, #tpu.memory_space<hbm>>) dst(%arg15 : memref<8x1536xf32, #tpu.memory_space<vmem>>)
    %mul3A_187 = arith.constant 21 : i32
    %mul3A_188 = arith.muli %add3A, %mul3A_187 : i32
    %min3A_189 = arith.constant 20 : i32
    %min3A_190 = arith.constant 20 : i32
    %min3A_191 = arith.minsi %min3A_189, %min3A_190 : i32
    %add3A_192 = arith.addi %mul3A_188, %min3A_191 : i32
    %mul3A_193 = arith.constant 1536 : i32
    %mul3A_194 = arith.muli %add3A_192, %mul3A_193 : i32
    %min3A_195 = arith.constant 998528 : i32
    %min3A_196 = arith.minsi %mul3A_194, %min3A_195 : i32
    %dma_wait3A_197 = arith.constant 0 : i32
    %dma_wait3A_198 = tpu.memref_slice %arg9[%dma_wait3A_197, %min3A_196] : memref<8x1000000xf32, #tpu.memory_space<hbm>> -> memref<8x1536xf32, #tpu.memory_space<hbm>>
    %dma_wait3A_199 = arith.constant 0 : i32
    %dma_wait3A_200 = tpu.memref_slice %arg9[%dma_wait3A_199, %min3A_196] : memref<8x1000000xf32, #tpu.memory_space<hbm>> -> memref<8x1536xf32, #tpu.memory_space<hbm>>
    tpu.wait_dma2 semaphore(%arg24 : memref<!tpu.dma_semaphore, #tpu.memory_space<semaphore_mem>>) src(%arg16 : memref<8x1536xf32, #tpu.memory_space<vmem>>) dst(%dma_wait3A_200 : memref<8x1536xf32, #tpu.memory_space<hbm>>)
    %mul3A_201 = arith.constant 21 : i32
    %mul3A_202 = arith.muli %add3A, %mul3A_201 : i32
    %min3A_203 = arith.constant 21 : i32
    %min3A_204 = arith.constant 20 : i32
    %min3A_205 = arith.minsi %min3A_203, %min3A_204 : i32
    %add3A_206 = arith.addi %mul3A_202, %min3A_205 : i32
    %mul3A_207 = arith.constant 1536 : i32
    %mul3A_208 = arith.muli %add3A_206, %mul3A_207 : i32
    %min3A_209 = arith.constant 998528 : i32
    %min3A_210 = arith.minsi %mul3A_208, %min3A_209 : i32
    %dma_wait3A_211 = arith.constant 0 : i32
    %dma_wait3A_212 = tpu.memref_slice %arg9[%dma_wait3A_211, %min3A_210] : memref<8x1000000xf32, #tpu.memory_space<hbm>> -> memref<8x1536xf32, #tpu.memory_space<hbm>>
    %dma_wait3A_213 = arith.constant 0 : i32
    %dma_wait3A_214 = tpu.memref_slice %arg9[%dma_wait3A_213, %min3A_210] : memref<8x1000000xf32, #tpu.memory_space<hbm>> -> memref<8x1536xf32, #tpu.memory_space<hbm>>
    tpu.wait_dma2 semaphore(%arg25 : memref<!tpu.dma_semaphore, #tpu.memory_space<semaphore_mem>>) src(%arg17 : memref<8x1536xf32, #tpu.memory_space<vmem>>) dst(%dma_wait3A_214 : memref<8x1536xf32, #tpu.memory_space<hbm>>)
    return
  }
}

module attributes {stable_mosaic.version = 14 : i64} {
  func.func @_table_body(%arg0: memref<3x128x128xf32, #tpu.memory_space<vmem>>, %arg1: memref<3x128x128xf32, #tpu.memory_space<vmem>>, %arg2: memref<128x128xf32, #tpu.memory_space<vmem>>, %arg3: memref<128x128xi32, #tpu.memory_space<vmem>>, %arg4: memref<128x128xi32, #tpu.memory_space<vmem>>, %arg5: memref<128x128xi32, #tpu.memory_space<vmem>>, %arg6: memref<128x128xi32, #tpu.memory_space<vmem>>) attributes {dimension_semantics = [], scalar_prefetch = 0 : i64, scratch_operands = 0 : i64, tpu.core_type = #tpu.core_type<tc>} {
    %get3A = arith.constant 0 : index
    %get3A_0 = arith.constant 0 : index
    %get3A_1 = arith.constant 0 : index
    %get3A_2 = vector.load %arg0[%get3A, %get3A_0, %get3A_1] : memref<3x128x128xf32, #tpu.memory_space<vmem>>, vector<1x128x128xf32>
    %get3A_3 = vector.shape_cast %get3A_2 : vector<1x128x128xf32> to vector<128x128xf32>
    %get3A_4 = arith.constant 1 : index
    %get3A_5 = arith.constant 0 : index
    %get3A_6 = arith.constant 0 : index
    %get3A_7 = vector.load %arg0[%get3A_4, %get3A_5, %get3A_6] : memref<3x128x128xf32, #tpu.memory_space<vmem>>, vector<1x128x128xf32>
    %get3A_8 = vector.shape_cast %get3A_7 : vector<1x128x128xf32> to vector<128x128xf32>
    %get3A_9 = arith.constant 2 : index
    %get3A_10 = arith.constant 0 : index
    %get3A_11 = arith.constant 0 : index
    %get3A_12 = vector.load %arg0[%get3A_9, %get3A_10, %get3A_11] : memref<3x128x128xf32, #tpu.memory_space<vmem>>, vector<1x128x128xf32>
    %get3A_13 = vector.shape_cast %get3A_12 : vector<1x128x128xf32> to vector<128x128xf32>
    %get3A_14 = arith.constant 0 : index
    %get3A_15 = arith.constant 0 : index
    %get3A_16 = arith.constant 0 : index
    %get3A_17 = vector.load %arg1[%get3A_14, %get3A_15, %get3A_16] : memref<3x128x128xf32, #tpu.memory_space<vmem>>, vector<1x128x128xf32>
    %get3A_18 = vector.shape_cast %get3A_17 : vector<1x128x128xf32> to vector<128x128xf32>
    %get3A_19 = arith.constant 1 : index
    %get3A_20 = arith.constant 0 : index
    %get3A_21 = arith.constant 0 : index
    %get3A_22 = vector.load %arg1[%get3A_19, %get3A_20, %get3A_21] : memref<3x128x128xf32, #tpu.memory_space<vmem>>, vector<1x128x128xf32>
    %get3A_23 = vector.shape_cast %get3A_22 : vector<1x128x128xf32> to vector<128x128xf32>
    %get3A_24 = arith.constant 2 : index
    %get3A_25 = arith.constant 0 : index
    %get3A_26 = arith.constant 0 : index
    %get3A_27 = vector.load %arg1[%get3A_24, %get3A_25, %get3A_26] : memref<3x128x128xf32, #tpu.memory_space<vmem>>, vector<1x128x128xf32>
    %get3A_28 = vector.shape_cast %get3A_27 : vector<1x128x128xf32> to vector<128x128xf32>
    %get3A_29 = arith.constant 0 : index
    %get3A_30 = arith.constant 0 : index
    %get3A_31 = vector.load %arg2[%get3A_29, %get3A_30] : memref<128x128xf32, #tpu.memory_space<vmem>>, vector<128x128xf32>
    %sin3A = math.sin %get3A_31 : vector<128x128xf32>
    %cos3A = math.cos %get3A_31 : vector<128x128xf32>
    %sub3A = arith.constant 1.000000e+00 : f32
    %sub3A_32 = vector.broadcast %sub3A : f32 to vector<128x128xf32>
    %sub3A_33 = arith.subf %sub3A_32, %cos3A : vector<128x128xf32>
    %sub3A_34 = arith.subf %get3A_31, %sin3A : vector<128x128xf32>
    %mul3A = arith.mulf %get3A_8, %get3A_28 : vector<128x128xf32>
    %mul3A_35 = arith.mulf %get3A_13, %get3A_23 : vector<128x128xf32>
    %sub3A_36 = arith.subf %mul3A, %mul3A_35 : vector<128x128xf32>
    %mul3A_37 = arith.mulf %get3A_13, %get3A_18 : vector<128x128xf32>
    %mul3A_38 = arith.mulf %get3A_3, %get3A_28 : vector<128x128xf32>
    %sub3A_39 = arith.subf %mul3A_37, %mul3A_38 : vector<128x128xf32>
    %mul3A_40 = arith.mulf %get3A_3, %get3A_23 : vector<128x128xf32>
    %mul3A_41 = arith.mulf %get3A_8, %get3A_18 : vector<128x128xf32>
    %sub3A_42 = arith.subf %mul3A_40, %mul3A_41 : vector<128x128xf32>
    %mul3A_43 = arith.mulf %get3A_8, %sub3A_42 : vector<128x128xf32>
    %mul3A_44 = arith.mulf %get3A_13, %sub3A_39 : vector<128x128xf32>
    %sub3A_45 = arith.subf %mul3A_43, %mul3A_44 : vector<128x128xf32>
    %mul3A_46 = arith.mulf %get3A_13, %sub3A_36 : vector<128x128xf32>
    %mul3A_47 = arith.mulf %get3A_3, %sub3A_42 : vector<128x128xf32>
    %sub3A_48 = arith.subf %mul3A_46, %mul3A_47 : vector<128x128xf32>
    %mul3A_49 = arith.mulf %get3A_3, %sub3A_39 : vector<128x128xf32>
    %mul3A_50 = arith.mulf %get3A_8, %sub3A_36 : vector<128x128xf32>
    %sub3A_51 = arith.subf %mul3A_49, %mul3A_50 : vector<128x128xf32>
    %mul3A_52 = arith.mulf %get3A_31, %get3A_18 : vector<128x128xf32>
    %mul3A_53 = arith.mulf %sub3A_33, %sub3A_36 : vector<128x128xf32>
    %add3A = arith.addf %mul3A_52, %mul3A_53 : vector<128x128xf32>
    %mul3A_54 = arith.mulf %sub3A_34, %sub3A_45 : vector<128x128xf32>
    %add3A_55 = arith.addf %add3A, %mul3A_54 : vector<128x128xf32>
    %mul3A_56 = arith.mulf %get3A_31, %get3A_23 : vector<128x128xf32>
    %mul3A_57 = arith.mulf %sub3A_33, %sub3A_39 : vector<128x128xf32>
    %add3A_58 = arith.addf %mul3A_56, %mul3A_57 : vector<128x128xf32>
    %mul3A_59 = arith.mulf %sub3A_34, %sub3A_48 : vector<128x128xf32>
    %add3A_60 = arith.addf %add3A_58, %mul3A_59 : vector<128x128xf32>
    %mul3A_61 = arith.mulf %get3A_31, %get3A_28 : vector<128x128xf32>
    %mul3A_62 = arith.mulf %sub3A_33, %sub3A_42 : vector<128x128xf32>
    %add3A_63 = arith.addf %mul3A_61, %mul3A_62 : vector<128x128xf32>
    %mul3A_64 = arith.mulf %sub3A_34, %sub3A_51 : vector<128x128xf32>
    %add3A_65 = arith.addf %add3A_63, %mul3A_64 : vector<128x128xf32>
    %convert_element_type3A = arith.truncf %get3A_3 : vector<128x128xf32> to vector<128x128xbf16>
    %convert_element_type3A_66 = arith.extf %convert_element_type3A : vector<128x128xbf16> to vector<128x128xf32>
    %bitcast_convert_type3A = tpu.bitcast %convert_element_type3A_66 : vector<128x128xf32> -> vector<128x128xi32>
    %convert_element_type3A_67 = arith.truncf %get3A_8 : vector<128x128xf32> to vector<128x128xbf16>
    %convert_element_type3A_68 = arith.extf %convert_element_type3A_67 : vector<128x128xbf16> to vector<128x128xf32>
    %bitcast_convert_type3A_69 = tpu.bitcast %convert_element_type3A_68 : vector<128x128xf32> -> vector<128x128xi32>
    %shift_right_logical3A = arith.constant 16 : i32
    %shift_right_logical3A_70 = vector.broadcast %shift_right_logical3A : i32 to vector<128x128xi32>
    %shift_right_logical3A_71 = arith.shrui %bitcast_convert_type3A_69, %shift_right_logical3A_70 : vector<128x128xi32>
    %or3A = arith.ori %bitcast_convert_type3A, %shift_right_logical3A_71 : vector<128x128xi32>
    %bitcast_convert_type3A_72 = tpu.bitcast %or3A : vector<128x128xi32> -> vector<128x128xi32>
    %swap3A = arith.constant 0 : index
    %swap3A_73 = arith.constant 0 : index
    %swap3A_74 = vector.load %arg3[%swap3A, %swap3A_73] : memref<128x128xi32, #tpu.memory_space<vmem>>, vector<128x128xi32>
    tpu.vector_store %arg3[%swap3A, %swap3A_73], %bitcast_convert_type3A_72 {strides = array<i32>} : memref<128x128xi32, #tpu.memory_space<vmem>>, vector<128x128xi32>,
    %convert_element_type3A_75 = arith.truncf %get3A_13 : vector<128x128xf32> to vector<128x128xbf16>
    %convert_element_type3A_76 = arith.extf %convert_element_type3A_75 : vector<128x128xbf16> to vector<128x128xf32>
    %bitcast_convert_type3A_77 = tpu.bitcast %convert_element_type3A_76 : vector<128x128xf32> -> vector<128x128xi32>
    %convert_element_type3A_78 = arith.truncf %add3A_55 : vector<128x128xf32> to vector<128x128xbf16>
    %convert_element_type3A_79 = arith.extf %convert_element_type3A_78 : vector<128x128xbf16> to vector<128x128xf32>
    %bitcast_convert_type3A_80 = tpu.bitcast %convert_element_type3A_79 : vector<128x128xf32> -> vector<128x128xi32>
    %shift_right_logical3A_81 = arith.constant 16 : i32
    %shift_right_logical3A_82 = vector.broadcast %shift_right_logical3A_81 : i32 to vector<128x128xi32>
    %shift_right_logical3A_83 = arith.shrui %bitcast_convert_type3A_80, %shift_right_logical3A_82 : vector<128x128xi32>
    %or3A_84 = arith.ori %bitcast_convert_type3A_77, %shift_right_logical3A_83 : vector<128x128xi32>
    %bitcast_convert_type3A_85 = tpu.bitcast %or3A_84 : vector<128x128xi32> -> vector<128x128xi32>
    %swap3A_86 = arith.constant 0 : index
    %swap3A_87 = arith.constant 0 : index
    %swap3A_88 = vector.load %arg4[%swap3A_86, %swap3A_87] : memref<128x128xi32, #tpu.memory_space<vmem>>, vector<128x128xi32>
    tpu.vector_store %arg4[%swap3A_86, %swap3A_87], %bitcast_convert_type3A_85 {strides = array<i32>} : memref<128x128xi32, #tpu.memory_space<vmem>>, vector<128x128xi32>,
    %convert_element_type3A_89 = arith.truncf %add3A_60 : vector<128x128xf32> to vector<128x128xbf16>
    %convert_element_type3A_90 = arith.extf %convert_element_type3A_89 : vector<128x128xbf16> to vector<128x128xf32>
    %bitcast_convert_type3A_91 = tpu.bitcast %convert_element_type3A_90 : vector<128x128xf32> -> vector<128x128xi32>
    %convert_element_type3A_92 = arith.truncf %add3A_65 : vector<128x128xf32> to vector<128x128xbf16>
    %convert_element_type3A_93 = arith.extf %convert_element_type3A_92 : vector<128x128xbf16> to vector<128x128xf32>
    %bitcast_convert_type3A_94 = tpu.bitcast %convert_element_type3A_93 : vector<128x128xf32> -> vector<128x128xi32>
    %shift_right_logical3A_95 = arith.constant 16 : i32
    %shift_right_logical3A_96 = vector.broadcast %shift_right_logical3A_95 : i32 to vector<128x128xi32>
    %shift_right_logical3A_97 = arith.shrui %bitcast_convert_type3A_94, %shift_right_logical3A_96 : vector<128x128xi32>
    %or3A_98 = arith.ori %bitcast_convert_type3A_91, %shift_right_logical3A_97 : vector<128x128xi32>
    %bitcast_convert_type3A_99 = tpu.bitcast %or3A_98 : vector<128x128xi32> -> vector<128x128xi32>
    %swap3A_100 = arith.constant 0 : index
    %swap3A_101 = arith.constant 0 : index
    %swap3A_102 = vector.load %arg5[%swap3A_100, %swap3A_101] : memref<128x128xi32, #tpu.memory_space<vmem>>, vector<128x128xi32>
    tpu.vector_store %arg5[%swap3A_100, %swap3A_101], %bitcast_convert_type3A_99 {strides = array<i32>} : memref<128x128xi32, #tpu.memory_space<vmem>>, vector<128x128xi32>,
    %convert_element_type3A_103 = arith.truncf %sin3A : vector<128x128xf32> to vector<128x128xbf16>
    %convert_element_type3A_104 = arith.extf %convert_element_type3A_103 : vector<128x128xbf16> to vector<128x128xf32>
    %bitcast_convert_type3A_105 = tpu.bitcast %convert_element_type3A_104 : vector<128x128xf32> -> vector<128x128xi32>
    %convert_element_type3A_106 = arith.truncf %sub3A_33 : vector<128x128xf32> to vector<128x128xbf16>
    %convert_element_type3A_107 = arith.extf %convert_element_type3A_106 : vector<128x128xbf16> to vector<128x128xf32>
    %bitcast_convert_type3A_108 = tpu.bitcast %convert_element_type3A_107 : vector<128x128xf32> -> vector<128x128xi32>
    %shift_right_logical3A_109 = arith.constant 16 : i32
    %shift_right_logical3A_110 = vector.broadcast %shift_right_logical3A_109 : i32 to vector<128x128xi32>
    %shift_right_logical3A_111 = arith.shrui %bitcast_convert_type3A_108, %shift_right_logical3A_110 : vector<128x128xi32>
    %or3A_112 = arith.ori %bitcast_convert_type3A_105, %shift_right_logical3A_111 : vector<128x128xi32>
    %bitcast_convert_type3A_113 = tpu.bitcast %or3A_112 : vector<128x128xi32> -> vector<128x128xi32>
    %swap3A_114 = arith.constant 0 : index
    %swap3A_115 = arith.constant 0 : index
    %swap3A_116 = vector.load %arg6[%swap3A_114, %swap3A_115] : memref<128x128xi32, #tpu.memory_space<vmem>>, vector<128x128xi32>
    tpu.vector_store %arg6[%swap3A_114, %swap3A_115], %bitcast_convert_type3A_113 {strides = array<i32>} : memref<128x128xi32, #tpu.memory_space<vmem>>, vector<128x128xi32>,
    return
  }
}

</mosaic_0001>

<sc_bundles>
// kernel: kernel.4.cloned.1.call-start
scs
__scs_entry_jumppad:
0x0: {  	(pc) =	sbr.rel $0x88, $3  }
0x1: {  	(tag) =	ssettag $0x0;
	lr =	simm.s32 $0x1  }
0x2: {  	[smem:$0x3F9B] =	sst lr;
	_ =	strace $0xD0000000  }
0x3: {  	_ = 	snop  }
0x4: {  	_ = 	snop  }
0x5: {  	_ = 	snop  }
0x6: {  	_ = 	snop  }
0x7: {  	_ = 	snop  }
__scs_overlays_trampoline_lowered:
0x8: {  	[smem:$0x3FAA] =	sst s0  }
0x9: {  	[smem:$0x3FAB] =	sst s1  }
0xa: {  	[smem:$0x3FAC] =	sst s2  }
0xb: {  	[smem:$0x3FAD] =	sst s3  }
0xc: {  	[smem:$0x3FAE] =	sst s4  }
0xd: {  	[smem:$0x3FAF] =	sst s5  }
0xe: {  	[smem:$0x3FB0] =	sst s6  }
0xf: {  	[smem:$0x3FB1] =	sst s7  }
0x10: {  	[smem:$0x3FB2] =	sst s8  }
0x11: {  	[smem:$0x3FB3] =	sst s9;
	s0 =	simm.s32 @!p0 $0x0  }
0x12: {  	s1 =	sld [smem:$0x3F99];
	s0 =	simm.s32 @p0 $0x1  }
0x13: {  	[smem:$0x3FB4] =	sst s0;
	s0 =	simm.s32 @!p1 $0x0  }
0x14: {  	s2 =	sld [smem:$0x3F98];
	s0 =	simm.s32 @p1 $0x1  }
0x15: {  	[smem:$0x3FB5] =	sst s0;
	s0 =	simm.s32 @!p2 $0x0  }
0x16: {  	s3 =	sld [smem:$0x3FDB];
	s0 =	simm.s32 @p2 $0x1  }
0x17: {  	s4 =	simm.s32 $0x1BF5;
	[smem:$0x3FB7] =	sst s0  }
0x18: {  	s0 =	sld [smem:$0x3F9A];
	_ =	swait.ge [sflag:s4], $0x0  }
0x19: {  	s7 =	sld [smem:$0x3F9B]  }
0x1a: {  	s8 =	sadd.s32 $0xFFFFE003, lr  }
0x1b: {  	s9 =	sadd.s32 $0xFFFFFEF7, lr;
	s5 =	simm.s32 $0xFFFFFFFF;
	p2 =	slt.u32 s8, $0xFFFFF086  }
0x1c: {  	p1 =	slt.u32 s9, $0xF7A;
	s5 =	simm.s32 @!p2 $0x0  }
0x1d: {  	s5 =	simm.s32 @p1 $0x1;
	p0 =	seq.s32 s7, s2  }
0x1e: {  	s7 =	smul.u32 @!p0 $0xF7A, s2;
	p2 =	seq.s32 @!p0 s5, $0x0  }
0x1f: {  	s9 =	smul.u32 $0xF7A, s1;
	s8 =	simm.s32 @!p0 $0x1BF5;
	p2 =	por !p2, p0  }
0x20: {  	[sflag:s8] =	ssyncset.s32 @!p0 $0xFFFFF086;
	s6 =	sadd.s32 @!p0 s3, s7;
	s7 =	simm.s32 @!p0 $0x108  }
0x21: {  	s3 =	sadd.s32 s3, s9;
	s6 =	sadd.s32 @!p0 $0x88, s6;
	s7 =	simm.s32 @p2 $0x1082  }
0x22: {  	[simem:s7], [sflag:s8] =	dma.local @!p0 [hbm:s6], $0xF7A  }
0x23: {  	s9 =	sor.u32 $0xD0000000, s2;
	s6 =	simm.s32 $0x108;
	_ =	swait.ge @!p0 [sflag:s8], $0x0  }
0x24: {  	s3 =	sadd.s32 $0x88, s3;
	s6 =	simm.s32 @!p1 $0x1082;
	[sflag:s4] =	ssyncset.s32 $0xFFFFF086  }
0x25: {  	[simem:s6], [sflag:s4] =	dma.local [hbm:s3], $0xF7A  }
0x26: {  	[smem:$0x3F9B] =	sst s1;
	(tag) =	ssettag s2;
	_ =	strace s9  }
0x27: {  	s1 =	sld [smem:$0x3FAB]  }
0x28: {  	s2 =	sld [smem:$0x3FAC]  }
0x29: {  	s4 =	sld [smem:$0x3FAE]  }
0x2a: {  	p0 =	seq.s32 s5, $0x0;
	s5 =	sld [smem:$0x3FAF]  }
0x2b: {  	s6 =	sld [smem:$0x3FB0]  }
0x2c: {  	s7 =	sld [smem:$0x3FB1]  }
0x2d: {  	s3 =	simm.s32 $0x108;
	s8 =	sld [smem:$0x3FB2]  }
0x2e: {  	s3 =	simm.s32 @!p0 $0x1082;
	s9 =	sld [smem:$0x3FB3]  }
0x2f: {  	lr =	sadd.s32 s0, s3;
	s0 =	sld [smem:$0x3FAA]  }
0x30: {  	s3 =	sld [smem:$0x3FAD]  }
0x31: {  	[smem:$0x3FB6] =	sst s10  }
0x32: {  	s10 =	sld [smem:$0x3FB4];
	_ =	sdelay $0x3  }
0x33: {  	p0 =	seq.s32 s10, $0x1;
	s10 =	sld [smem:$0x3FB6];
	_ =	sdelay $0x3  }
0x34: {  	[smem:$0x3FB6] =	sst s10  }
0x35: {  	s10 =	sld [smem:$0x3FB5];
	_ =	sdelay $0x3  }
0x36: {  	p1 =	seq.s32 s10, $0x1;
	s10 =	sld [smem:$0x3FB6];
	_ =	sdelay $0x3  }
0x37: {  	[smem:$0x3FB6] =	sst s10  }
0x38: {  	s10 =	sld [smem:$0x3FB7]  }
0x39: {  	_ = 	snop;
	(pc) =	sbr.ind lr, $3  }
0x3a: {  	_ = 	snop  }
0x3b: {  	_ = 	snop  }
0x3c: {  	p2 =	seq.s32 s10, $0x1;
	s10 =	sld [smem:$0x3FB6]  }
0x3d: {  	_ =	shalt  }
0x3e: {  	_ =	shalt  }
0x3f: {  	_ =	shalt  }
0x40: {  	_ =	shalt  }
0x41: {  	_ =	shalt  }
0x42: {  	_ =	shalt  }
0x43: {  	_ =	shalt  }
0x44: {  	_ =	shalt  }
0x45: {  	_ =	shalt  }
0x46: {  	_ =	shalt  }
0x47: {  	_ =	shalt  }
0x48: {  	_ =	shalt  }
0x49: {  	_ =	shalt  }
0x4a: {  	_ =	shalt  }
0x4b: {  	_ =	shalt  }
0x4c: {  	_ =	shalt  }
0x4d: {  	_ =	shalt  }
0x4e: {  	_ =	shalt  }
0x4f: {  	_ =	shalt  }
0x50: {  	_ =	shalt  }
0x51: {  	_ =	shalt  }
0x52: {  	_ =	shalt  }
0x53: {  	_ =	shalt  }
0x54: {  	_ =	shalt  }
0x55: {  	_ =	shalt  }
0x56: {  	_ =	shalt  }
0x57: {  	_ =	shalt  }
0x58: {  	_ =	shalt  }
0x59: {  	_ =	shalt  }
0x5a: {  	_ =	shalt  }
0x5b: {  	_ =	shalt  }
0x5c: {  	_ =	shalt  }
0x5d: {  	_ =	shalt  }
0x5e: {  	_ =	shalt  }
0x5f: {  	_ =	shalt  }
0x60: {  	_ =	shalt  }
0x61: {  	_ =	shalt  }
0x62: {  	_ =	shalt  }
0x63: {  	_ =	shalt  }
0x64: {  	_ =	shalt  }
0x65: {  	_ =	shalt  }
0x66: {  	_ =	shalt  }
0x67: {  	_ =	shalt  }
0x68: {  	_ =	shalt  }
0x69: {  	_ =	shalt  }
0x6a: {  	_ =	shalt  }
0x6b: {  	_ =	shalt  }
0x6c: {  	_ =	shalt  }
0x6d: {  	_ =	shalt  }
0x6e: {  	_ =	shalt  }
0x6f: {  	_ =	shalt  }
0x70: {  	_ =	shalt  }
0x71: {  	_ =	shalt  }
0x72: {  	_ =	shalt  }
0x73: {  	_ =	shalt  }
0x74: {  	_ =	shalt  }
0x75: {  	_ =	shalt  }
0x76: {  	_ =	shalt  }
0x77: {  	_ =	shalt  }
0x78: {  	_ =	shalt  }
0x79: {  	_ =	shalt  }
0x7a: {  	_ =	shalt  }
0x7b: {  	_ =	shalt  }
0x7c: {  	_ =	shalt  }
0x7d: {  	_ =	shalt  }
0x7e: {  	_ =	shalt  }
0x7f: {  	_ =	shalt  }
0x80: {  	_ =	shalt  }
0x81: {  	_ =	shalt  }
0x82: {  	_ =	shalt  }
0x83: {  	_ =	shalt  }
0x84: {  	_ =	shalt  }
0x85: {  	_ =	shalt  }
0x86: {  	_ =	shalt  }
0x87: {  	_ =	shalt  }
.Lfunc_end0:
.L_simem_size_0:
called_computation_lowered:
.L_overlay_start_0:
0x88: {  	s2 =	sld [smem:$0x3FD9]  }
0x89: {  	s3 =	sld [smem:$0x3FFE];
	_ =	sdelay $0x1  }
0x8a: {  	s1 =	srdreg.scid  }
0x8b: {  	s0 =	sand.u32 $0x1, s1  }
0x8c: {  	s17 =	sshll.u32 s0, $0xA;
	s2 =	sadd.s32 s3, s2  }
0x8d: {  	s2 =	sadd.s32 s2, s17  }
0x8e: {  	[smem:$0x3FC2] =	sst s2  }
0x8f: {  	_ = 	snop  }
0x90: {  	s2 =	sld [smem:$0x3FC6]  }
0x91: {  	s18 =	sld [smem:$0x3FC5]  }
0x92: {  	s4 =	sld [smem:$0x3FD0];
	(tm) =	ssettm $0x1  }
0x93: {  	s5 =	sld [smem:$0x3FFB];
	_ =	sdelay $0x3  }
0x94: {  	_ =	strace s5  }
0x95: {  	s5 =	sld [smem:$0x3FFC];
	_ =	sdelay $0x3  }
0x96: {  	_ =	strace s5  }
0x97: {  	s5 =	sld [smem:$0x3FFD];
	_ =	sdelay $0x3  }
0x98: {  	_ =	strace s5  }
0x99: {  	_ =	strace $0x8FFFFFFF  }
0x9a: {  	s19 =	sld [smem:$0x3FDB];
	_ =	sdelay $0x1  }
0x9b: {  	s6 =	simm.s32 $_scs_section_size  }
0x9c: {  	s7 =	simm.s32 $_size__tile_overlayer_lowered;
	s8 =	simm.s32 $_tile_overlayer_lowered  }
0x9d: {  	s22 =	simm.s32 $0x1BFF;
	s21 =	sshll.u32 s8, $0x1;
	s5 =	sadd.s32 s6, s19  }
0x9e: {  	s9 =	simm.s32 $0x0;
	s20 =	sshll.u32 s7, $0x1;
	s7 =	sadd.s32 s21, s5  }
0x9f: {  	[timem:s9], [sflag:s22] =	dma.local [hbm:s7], s20  }
0xa0: {  	_ =	swait.ge [sflag:s22], s20  }
0xa1: {  	s6 =	ssub.s32 $0x0, s20;
	[sflag:s22] =	ssyncset.done $0x0  }
0xa2: {  	[sflag:s22] =	ssyncadd.s32 s6;
	_ =	sdelay $0x1  }
0xa3: {  	s23 =	simm.s32 $0x1B8B  }
0xa4: {  	_ =	swait.ge [sflag:s23], $0x1  }
0xa5: {  	[sflag:s23] =	ssyncset.done $0x0  }
0xa6: {  	s25 =	simm.s32 $0x1B8E;
	s24 =	sld [smem:$0x3FFE];
	[sflag:s23] =	ssyncadd.s32 $0xFFFFFFFF  }
0xa7: {  	s26 =	simm.s32 $execute0_lowered;
	[smem:$0x3FD2] =	sst s25  }
0xa8: {  	s7 =	sshll.u32 s26, $0x1;
	_ =	strace $0x80000046;
	[dreg:$0x1] =	wrdreg $0xFFFFFFFF  }
0xa9: {  	s28 =	simm.s32 $_size_execute0_lowered;
	s5 =	sadd.s32 s5, s7;
	[dreg:$0x0] =	wrdreg $0x0  }
0xaa: {  	s7 =	sshll.u32 s28, $0x1;
	[dreg:$0x2] =	wrdreg s5  }
0xab: {  	[dreg:$0x3] =	wrdreg s7  }
0xac: {  	[dreg:$0x4] =	wrdreg $0xC0  }
0xad: {  	_ =	task [dreg:s9], $0x5FFFF  }
0xae: {  	[dreg:$0x1] =	wrdreg $0xFFFFFFFF  }
0xaf: {  	[dreg:$0x0] =	wrdreg $0x60  }
0xb0: {  	[dreg:$0x2] =	wrdreg s24  }
0xb1: {  	[dreg:$0x3] =	wrdreg s2  }
0xb2: {  	[dreg:$0x4] =	wrdreg s18  }
0xb3: {  	[dreg:$0x5] =	wrdreg s4  }
0xb4: {  	[dreg:$0x6] =	wrdreg $0x9  }
0xb5: {  	_ =	task.clear_ibuf [dreg:s9], $0x7FFFF;
	_ =	strace $0x90000046  }
0xb6: {  	s29 =	simm.s32 $0x9;
	_ =	strace $0x80000048  }
0xb7: {  	_ =	swait.ge [sflag:s29], $0x1  }
0xb8: {  	[sflag:s29] =	ssyncadd.s32 $0xFFFFFFFF  }
0xb9: {  	_ =	strace $0x90000048  }
0xba: {  	_ =	sfence  }
0xbb: {  	s30 =	sld [smem:$0x0];
	_ =	sdelay $0x2  }
0xbc: {  	s31 =	sshll.u32 s1, $0xD;
	s1 =	sshrl.u32 s1, $0x2  }
0xbd: {  	s3 =	sand.u32 $0x4000, s31;
	s1 =	sadd.s32 s1, s30  }
0xbe: {  	s0 =	sor.u32 s3, s0;
	s1 =	sshll.u32 s1, $0x11  }
0xbf: {  	s0 =	sor.u32 s1, s0  }
0xc0: {  	s0 =	sadd.s32 $0x8F2B, s0  }
0xc1: {  	[sflag:s0] =	ssyncadd.remote.s32 $0x1  }
0xc2: {  	_ =	sfence.sel $0xFFFF  }
0xc3: {  	[dreg:$0x0] =	wrdreg $0xFFFFFFFF;
	(pc) =	sbr.abs _section_cstart, $3  }
0xc4: {  	[dreg:$0x1] =	wrdreg $0xFFFFFFFF  }
0xc5: {  	_ =	task.clear_ibuf [dreg:s9], $0x2FFFF;
	_ =	strace $0x9FFFFFFF  }
0xc6: {  	(tm) =	ssettm $0x7FFFFFFF  }
0xc7: {  	_ =	shalt  }
tec
execute0_lowered:
.L_overlay_start_1:
0x0: {  	(tag) =	ssettag $0x1  }
0x1: {  	s0 =	rddreg [dreg:$0x0]  }
0x2: {  	s1 =	rddreg [dreg:$0x1]  }
0x3: {  	s3 =	rddreg [dreg:$0x2]  }
0x4: {  	s4 =	rddreg [dreg:$0x3];
	s2 =	srdreg.scid  }
0x5: {  	s6 =	stileid.u32;
	s5 =	simm.s32 $0x0;
	s31 =	simm.s32 $0x4000  }
0x6: {  	s2 =	sand.u32 $0x1, s2;
	s6 =	sshll.u32 s6, $0x1;
	[smem:$0x7FF] =	sst s5  }
0x7: {  	s8 =	sadd.s32 $0x1FC00, s0;
	s9 =	sadd.s32 $0x20400, s0;
	s10 =	sadd.s32 $0x20C00, s0  }
0x8: {  	s11 =	sadd.s32 $0x21400, s0;
	_ =	strace $0x80000047;
	[dreg:$0x5] =	wrdreg s8  }
0x9: {  	s6 =	sor.u32 s2, s6;
	[dreg:$0x6] =	wrdreg s9;
	s2 =	ssub.s32 $0x2, s2  }
0xa: {  	[dreg:$0x7] =	wrdreg s10;
	s7 =	smul.u32 $0x7E00, s6;
	s13 =	sshrl.u32 s2, $0x1  }
0xb: {  	[dreg:$0x8] =	wrdreg s11;
	s10 =	sadd.s32 $0x1200, s0;
	s0 =	ssub.s32 s2, s13  }
0xc: {  	s12 =	smin.u32 s7, $0xF3C80;
	s15 =	smin.u32 s7, $0xF3680;
	s18 =	smin.u32 s7, $0xF3080  }
0xd: {  	s7 =	smin.u32 s7, $0xF2A80;
	s0 =	smax.u32 s0, $0x1;
	s9 =	sshrl.u32 s12, $0x3  }
0xe: {  	s16 =	sadd.s32 s1, s12;
	s2 =	sadd.s32 $0x600, s15;
	[dreg:$0x17] =	wrdreg s0  }
0xf: {  	s19 =	sadd.s32 $0xC00, s18;
	s8 =	sadd.s32 s4, s12;
	[dreg:$0xb] =	wrdreg s16  }
0x10: {  	s7 =	sadd.s32 $0x1200, s7;
	s14 =	sadd.s32 s3, s9;
	[dreg:$0xf] =	wrdreg s8  }
0x11: {  	s0 =	simm.s32 $0x8000;
	s9 =	sadd.s32 s10, s9;
	[dreg:$0x9] =	wrdreg s14  }
0x12: {  	s12 =	simm.s32 $0x13000;
	s20 =	sadd.s32 s1, s2;
	[dreg:$0xa] =	wrdreg s9  }
0x13: {  	s17 =	sshrl.u32 s2, $0x3;
	s2 =	sadd.s32 s4, s2;
	[dreg:$0xe] =	wrdreg s20  }
0x14: {  	s21 =	sshrl.u32 s19, $0x3;
	s30 =	sadd.s32 s1, s7;
	[dreg:$0x13] =	wrdreg s2  }
0x15: {  	s24 =	sshrl.u32 s7, $0x3;
	s11 =	sadd.s32 s3, s17;
	[dreg:$0x16] =	wrdreg s30  }
0x16: {  	s14 =	smul.u32 $0x15, s6;
	s6 =	sadd.s32 s10, s17;
	[dreg:$0xc] =	wrdreg s11  }
0x17: {  	s16 =	simm.s32 $0x3;
	s22 =	sadd.s32 s3, s21;
	[dreg:$0xd] =	wrdreg s6  }
0x18: {  	s8 =	simm.s32 $0x1;
	s23 =	sadd.s32 s10, s21;
	[dreg:$0x10] =	wrdreg s22  }
0x19: {  	s7 =	simm.s32 $0x0;
	s25 =	sadd.s32 s3, s24;
	[dreg:$0x11] =	wrdreg s23  }
0x1a: {  	s26 =	sadd.s32 s10, s24;
	s2 =	simm.s32 $0xC000;
	[dreg:$0x14] =	wrdreg s25  }
0x1b: {  	s17 =	simm.s32 $0x4;
	s6 =	sadd.s32 s1, s19;
	[dreg:$0x15] =	wrdreg s26  }
0x1c: {  	[dreg:$0x12] =	wrdreg s6;
	s28 =	sadd.s32 $0x2, s14;
	s29 =	sadd.s32 $0x3, s14  }
.LBB2_1:
0x1d: {  	[dreg:$0x18] =	wrdreg s7  }
0x1e: {  	s6 =	rddreg [dreg:$0x5];
	s30 =	simm.s32 $0x5  }
0x1f: {  	[tilespmem:s5], [sflag:$0x5] =	stream.linear.gather [hbm4b:s6+s5], $0x4000, $0x38;
	[tilespmem:$0x1D800] =	vst v63  }
0x20: {  	_ =	swait.ge [sflag:s30], $0x4000  }
0x21: {  	[sflag:s30] =	ssyncset.done $0x0  }
0x22: {  	s9 =	rddreg [dreg:$0x6];
	[sflag:s30] =	ssyncadd.s32 $0xFFFFC000  }
0x23: {  	[tilespmem:s31], [sflag:$0x5] =	stream.linear.gather [hbm4b:s9+s5], $0x4000, $0x38;
	[tilespmem:$0x1D800] =	vst v63  }
0x24: {  	_ =	swait.ge [sflag:s30], $0x4000  }
0x25: {  	[sflag:s30] =	ssyncset.done $0x0  }
0x26: {  	s11 =	rddreg [dreg:$0x7];
	[sflag:s30] =	ssyncadd.s32 $0xFFFFC000  }
0x27: {  	[tilespmem:s0], [sflag:$0x5] =	stream.linear.gather [hbm4b:s11+s5], $0x4000, $0x38;
	[tilespmem:$0x1D800] =	vst v63  }
0x28: {  	_ =	swait.ge [sflag:s30], $0x4000  }
0x29: {  	[sflag:s30] =	ssyncset.done $0x0  }
0x2a: {  	s13 =	rddreg [dreg:$0x8];
	[sflag:s30] =	ssyncadd.s32 $0xFFFFC000  }
0x2b: {  	[tilespmem:s2], [sflag:$0x5] =	stream.linear.gather [hbm4b:s13+s5], $0x4000, $0x38;
	[tilespmem:$0x1D800] =	vst v63  }
0x2c: {  	_ =	swait.ge [sflag:s30], $0x4000  }
0x2d: {  	[sflag:s30] =	ssyncset.done $0x0  }
0x2e: {  	s18 =	simm.s32 $0x1C000;
	s15 =	rddreg [dreg:$0x9];
	[sflag:s30] =	ssyncadd.s32 $0xFFFFC000  }
0x2f: {  	[tilespmem:s18], [sflag:$0x1] =	stream.linear.gather [hbm4b:s15+s5], $0x600, $0x38;
	[tilespmem:$0x1D800] =	vst v63  }
0x30: {  	s20 =	simm.s32 $0x1CC00;
	s19 =	rddreg [dreg:$0xa]  }
0x31: {  	[tilespmem:s20], [sflag:$0x1] =	stream.linear.gather [hbm4b:s19+s5], $0x600, $0x38;
	[tilespmem:$0x1D800] =	vst v63  }
0x32: {  	s22 =	simm.s32 $0x10000;
	s21 =	rddreg [dreg:$0xb]  }
0x33: {  	[tilespmem:s22], [sflag:$0x1] =	stream.linear.gather [hbm4b:s21+s5], $0x3000, $0x38;
	[tilespmem:$0x1D800] =	vst v63  }
0x34: {  	s24 =	simm.s32 $0x1C600;
	s23 =	rddreg [dreg:$0xc]  }
0x35: {  	[tilespmem:s24], [sflag:$0x2] =	stream.linear.gather [hbm4b:s23+s5], $0x600, $0x38;
	[tilespmem:$0x1D800] =	vst v63  }
0x36: {  	s26 =	simm.s32 $0x1D200;
	s25 =	rddreg [dreg:$0xd]  }
0x37: {  	[tilespmem:s26], [sflag:$0x2] =	stream.linear.gather [hbm4b:s25+s5], $0x600, $0x38;
	[tilespmem:$0x1D800] =	vst v63  }
0x38: {  	s30 =	rddreg [dreg:$0xe]  }
0x39: {  	[tilespmem:s12], [sflag:$0x2] =	stream.linear.gather [hbm4b:s30+s5], $0x3000, $0x38;
	[tilespmem:$0x1D800] =	vst v63  }
0x3a: {  	_ =	swait.ge [sflag:s8], $0x600  }
0x3b: {  	[sflag:s8] =	ssyncset.done $0x0  }
0x3c: {  	[sflag:s8] =	ssyncadd.s32 $0xFFFFFA00  }
0x3d: {  	_ =	swait.ge [sflag:s8], $0x600  }
0x3e: {  	[sflag:s8] =	ssyncset.done $0x0  }
0x3f: {  	s19 =	simm.s32 $0x2;
	[sflag:s8] =	ssyncadd.s32 $0xFFFFFA00  }
0x40: {  	s20 =	simm.s32 $0x0;
	s21 =	simm.s32 $0x1C010;
	_ =	swait.ge [sflag:s8], $0x3000  }
0x41: {  	s22 =	simm.s32 $0x1CC10;
	s23 =	simm.s32 $0x1;
	[sflag:s8] =	ssyncset.done $0x0  }
0x42: {  	s24 =	simm.s32 $0x0;
	s25 =	simm.s32 $0x0;
	[sflag:s8] =	ssyncadd.s32 $0xFFFFD000  }
.LBB2_2:
0x43: {  	v0 =	vld [tilespmem:s21+$0xFFFFFFF0];
	_ =	sdelay $0x3  }
0x44: {  	v55 =	vld [tilespmem:s21+$0x0]  }
0x45: {  	v8 =	vld [tilespmem:s22+$0xFFFFFFF0];
	v0 =	vand.u32 $0x3FFF, v0  }
0x46: {  	s6 =	sand.u32 $0x70, s24;
	s7 =	sand.u32 $0x3C00, s20;
	v14 =	vld [tilespmem:s21+$0x10]  }
0x47: {  	v25 =	vld [tilespmem:s22+$0x0];
	s18 =	sor.u32 s6, s7  }
0x48: {  	v5 =	vld [tilespmem:s18+$0x10200]  }
0x49: {  	v6 =	vld [tilespmem:s18+$0x10280]  }
0x4a: {  	v10 =	vand.u32 $0x3FFF, v55;
	v1 =	vld.idx.msk [tilespmem:v0+s5+$0x0], $0xffff  }
0x4b: {  	v2 =	vld.idx.msk [tilespmem:v0+s31+$0x0], $0xffff  }
0x4c: {  	v4 =	vld.idx.msk [tilespmem:v0+s2+$0x0], $0xffff  }
0x4d: {  	v3 =	vld.idx.msk [tilespmem:v0+s0+$0x0], $0xffff  }
0x4e: {  	s15 =	sand.u32 $0x7, s25;
	v7 =	vld [tilespmem:s18+$0x10180]  }
0x4f: {  	s6 =	sshll.u32 s15, $0x4;
	v23 =	vld.idx.msk [tilespmem:v10+s5+$0x0], $0xffff  }
0x50: {  	s26 =	sadd.s32 $0x10, s24;
	s30 =	sadd.s32 $0x80, s20;
	s6 =	sadd.s32 s6, s20;
	v14 =	vand.u32 $0x3FFF, v14;
	v56 =	vld.idx.msk [tilespmem:v10+s31+$0x0], $0xffff;
	v12 =	vshll.u32 v1, $0x10;
	v13 =	vand.u32 $0xFFFF0000, v2  }
0x51: {  	s8 =	sand.u32 $0x7C00, s30;
	s15 =	sor.u32 $0x380, s6;
	s6 =	sand.u32 $0x70, s26;
	v58 =	vld.idx.msk [tilespmem:v10+s0+$0x0], $0xffff;
	v1 =	vand.u32 $0xFFFF0000, v1;
	v20 =	vand.u32 $0xFFFF0000, v4;
	v4 =	vshll.u32 v4, $0x10  }
0x52: {  	s13 =	sor.u32 s6, s8;
	v10 =	vld.idx.msk [tilespmem:v10+s2+$0x0], $0xffff;
	v2 =	vshll.u32 v2, $0x10;
	v26 =	vand.u32 $0xFFFF0000, v3;
	v15 =	vmul.f32 v12, v6  }
0x53: {  	v60 =	vld [tilespmem:s13+$0x10200];
	v3 =	vshll.u32 v3, $0x10;
	v16 =	vmul.f32 v13, v5;
	v18 =	vmul.f32 v1, v5  }
0x54: {  	v63 =	vld [tilespmem:s13+$0x10180];
	v44 =	vshll.u32 v23, $0x10;
	v19 =	vmul.f32 v12, v7;
	v21 =	vmul.f32 v13, v7  }
0x55: {  	v9 =	vld [tilespmem:s18+$0x10000];
	v45 =	vand.u32 $0xFFFF0000, v56;
	v22 =	vmul.f32 v1, v6;
	v20 =	vmul.f32 v20, v8  }
0x56: {  	v11 =	vld [tilespmem:s18+$0x10080];
	v47 =	vand.u32 $0xFFFF0000, v23;
	v4 =	vmul.f32 v4, v8;
	v2 =	vmul.f32 v2, v8  }
0x57: {  	v17 =	vld [tilespmem:s18+$0x10100];
	v32 =	vand.u32 $0xFFFF0000, v10;
	v62 =	vmul.f32 v26, v8;
	v3 =	vmul.f32 v3, v8  }
0x58: {  	v28 =	vld [tilespmem:s13+$0x10000];
	v10 =	vshll.u32 v10, $0x10;
	v49 =	vmul.f32 v45, v60;
	v51 =	vmul.f32 v47, v60  }
0x59: {  	s9 =	sand.u32 $0x7, s23;
	s11 =	sadd.s32 $0x20, s24;
	s26 =	sadd.s32 $0x100, s20;
	v29 =	vld [tilespmem:s13+$0x10080];
	v36 =	vand.u32 $0xFFFF0000, v58;
	v30 =	vmul.f32 v44, v63;
	v33 =	vmul.f32 v45, v63  }
0x5a: {  	s7 =	sand.u32 $0x70, s11;
	s6 =	sshll.u32 s9, $0x4;
	s9 =	sand.u32 $0x7C00, s26;
	v42 =	vld [tilespmem:s13+$0x10100];
	v52 =	vmul.f32 v32, v25;
	v18 =	vsub.f32 v18, v19;
	v15 =	vsub.f32 v15, v16  }
0x5b: {  	s7 =	sor.u32 s7, s9;
	v50 =	vld.idx.msk [tilespmem:v14+s31+$0x0], $0xffff;
	v54 =	vmul.f32 v10, v25;
	v57 =	vsub.f32 v21, v22;
	v2 =	vadd.f32 v2, v9  }
0x5c: {  	v35 =	vld [tilespmem:s7+$0x10100];
	v11 =	vadd.f32 v11, v62;
	v59 =	vmul.f32 v12, v18;
	v27 =	vmul.f32 v1, v18  }
0x5d: {  	v39 =	vld [tilespmem:s7+$0x10200];
	v19 =	vshll.u32 v56, $0x10;
	v1 =	vmul.f32 v1, v57;
	v12 =	vmul.f32 v12, v15  }
0x5e: {  	v46 =	vld.idx.msk [tilespmem:v14+s5+$0x0], $0xffff;
	v3 =	vadd.f32 v17, v3;
	v21 =	vshll.u32 v58, $0x10;
	v19 =	vmul.f32 v19, v25  }
0x5f: {  	v21 =	vmul.f32 v21, v25;
	v24 =	vmul.f32 v13, v57;
	v1 =	vsub.f32 v1, v12;
	v12 =	vld [tilespmem:s13+$0x10280]  }
0x60: {  	v38 =	vld [tilespmem:s7+$0x10180];
	v62 =	vand.u32 $0xFFFF0000, v50;
	v13 =	vmul.f32 v13, v15;
	v15 =	vmul.f32 v15, v20  }
0x61: {  	v0 =	vld [tilespmem:s15+$0x10000];
	v61 =	vmul.f32 v57, v20;
	v43 =	vmul.f32 v18, v20;
	v19 =	vadd.f32 v19, v28  }
0x62: {  	v31 =	vld.idx.msk [tilespmem:v14+s0+$0x0], $0xffff;
	v57 =	vmul.f32 v36, v25;
	v22 =	vsub.f32 v59, v24;
	v13 =	vsub.f32 v13, v27  }
0x63: {  	v14 =	vld.idx.msk [tilespmem:v14+s2+$0x0], $0xffff;
	v28 =	vmul.f32 v62, v39;
	v7 =	vadd.f32 v15, v7;
	v5 =	vadd.f32 v61, v5  }
0x64: {  	v32 =	vld [tilespmem:s7+$0x10000];
	v61 =	vshll.u32 v46, $0x10;
	v48 =	vmul.f32 v44, v12;
	v34 =	vmul.f32 v47, v12  }
0x65: {  	s6 =	sadd.s32 s6, s30;
	v26 =	vld [tilespmem:s7+$0x10300];
	v15 =	vsub.f32 v51, v30;
	v36 =	vmul.f32 v61, v38;
	v40 =	vmul.f32 v22, v4  }
0x66: {  	s6 =	sor.u32 $0x380, s6;
	v16 =	vld [tilespmem:s13+$0x10300];
	v41 =	vmul.f32 v13, v4;
	v23 =	vsub.f32 v48, v49;
	v53 =	vsub.f32 v33, v34  }
0x67: {  	s30 =	sand.u32 $0x7, s19;
	v9 =	vld [tilespmem:s6+$0x10000];
	v50 =	vshll.u32 v50, $0x10;
	v1 =	vmul.f32 v1, v4;
	v55 =	vmul.f32 v44, v15  }
0x68: {  	s9 =	sshll.u32 s30, $0x4;
	v6 =	vadd.f32 v43, v6;
	v30 =	vld [tilespmem:s22+$0x10];
	v34 =	vmul.f32 v45, v53;
	v18 =	vmul.f32 v45, v23  }
0x69: {  	s8 =	sadd.s32 s9, s26;
	v58 =	vadd.f32 v29, v57;
	v33 =	vld [tilespmem:s7+$0x10080];
	v17 =	vmul.f32 v44, v23;
	v23 =	vmul.f32 v23, v52  }
0x6a: {  	s8 =	sor.u32 $0x380, s8;
	v37 =	vmul.f32 v47, v15;
	v13 =	vadd.f32 v42, v21;
	v10 =	vsub.f32 v55, v34;
	v34 =	vld [tilespmem:s7+$0x10280]  }
0x6b: {  	v4 =	vmul.f32 v15, v52;
	v7 =	vadd.f32 v40, v7;
	v8 =	vadd.f32 v23, v63;
	v23 =	vld [tilespmem:s8+$0x10000];
	[tilespmem:s18+$0x16000] =	vst v2  }
0x6c: {  	v59 =	vld [tilespmem:s18+$0x10300];
	v5 =	vadd.f32 v41, v5;
	v1 =	vadd.f32 v1, v6;
	v40 =	vmul.f32 v62, v38;
	[tilespmem:s18+$0x16080] =	vst v11  }
0x6d: {  	v22 =	vmul.f32 v47, v53;
	v56 =	vmul.f32 v53, v52;
	v44 =	vshll.u32 v14, $0x10;
	[tilespmem:s18+$0x16100] =	vst v3  }
0x6e: {  	v52 =	vand.u32 $0xFFFF0000, v31;
	v48 =	vmul.f32 v44, v30;
	v18 =	vsub.f32 v18, v37;
	[tilespmem:s18+$0x16180] =	vst v7  }
0x6f: {  	v17 =	vsub.f32 v22, v17;
	v22 =	vadd.f32 v56, v60;
	v63 =	vand.u32 $0xFFFF0000, v46;
	[tilespmem:s18+$0x16200] =	vst v5  }
0x70: {  	v37 =	vand.u32 $0xFFFF0000, v14;
	[tilespmem:s18+$0x16280] =	vst v1;
	v56 =	vmul.f32 v52, v30;
	v29 =	vmul.f32 v63, v39  }
0x71: {  	v4 =	vadd.f32 v4, v12;
	[tilespmem:s18+$0x16300] =	vst v59;
	v5 =	vmul.f32 v37, v30;
	v10 =	vmul.f32 v10, v54  }
0x72: {  	[tilespmem:s15+$0x16000] =	vst v0;
	v18 =	vmul.f32 v18, v54;
	v42 =	vmul.f32 v17, v54;
	v54 =	vshll.u32 v31, $0x10  }
0x73: {  	[tilespmem:s13+$0x16000] =	vst v19;
	v57 =	vadd.f32 v33, v56;
	v43 =	vsub.f32 v29, v36;
	v41 =	vmul.f32 v63, v34  }
0x74: {  	[tilespmem:s13+$0x16080] =	vst v58;
	v58 =	vmul.f32 v54, v30;
	v8 =	vadd.f32 v10, v8;
	v25 =	vmul.f32 v61, v34  }
0x75: {  	[tilespmem:s13+$0x16100] =	vst v13;
	v47 =	vadd.f32 v42, v4;
	v4 =	vmul.f32 v50, v30;
	v46 =	vsub.f32 v40, v41  }
0x76: {  	[tilespmem:s13+$0x16300] =	vst v16;
	v60 =	vadd.f32 v18, v22;
	v49 =	vmul.f32 v61, v43;
	v45 =	vsub.f32 v25, v28  }
0x77: {  	v53 =	vmul.f32 v63, v43;
	[tilespmem:s13+$0x16180] =	vst v8;
	v4 =	vadd.f32 v4, v32;
	v51 =	vmul.f32 v62, v46  }
0x78: {  	[tilespmem:s13+$0x16200] =	vst v60;
	v60 =	vadd.f32 v35, v58;
	v15 =	vmul.f32 v62, v45;
	v3 =	vmul.f32 v63, v46  }
0x79: {  	[tilespmem:s13+$0x16280] =	vst v47;
	v11 =	vmul.f32 v61, v45;
	v7 =	vmul.f32 v45, v5;
	v2 =	vsub.f32 v49, v51  }
0x7a: {  	[tilespmem:s6+$0x16000] =	vst v9;
	v59 =	vmul.f32 v46, v5;
	v5 =	vmul.f32 v43, v5;
	v55 =	vsub.f32 v15, v53  }
0x7b: {  	[tilespmem:s7+$0x16000] =	vst v4;
	v3 =	vsub.f32 v3, v11;
	v7 =	vadd.f32 v7, v38;
	v2 =	vmul.f32 v2, v48  }
0x7c: {  	[tilespmem:s7+$0x16080] =	vst v57;
	v61 =	vadd.f32 v59, v39;
	v8 =	vmul.f32 v55, v48  }
0x7d: {  	p0 =	sne.s32 s20, $0x2E80;
	[tilespmem:s7+$0x16100] =	vst v60;
	v62 =	vadd.f32 v5, v34;
	v1 =	vmul.f32 v3, v48;
	v2 =	vadd.f32 v2, v7  }
.Ltmp0:
0x7e: {  	[tilespmem:s7+$0x16300] =	vst v26;
	v63 =	vadd.f32 v8, v61;
	(pc) =	sbr.rel @p0 .LBB2_2-.Ltmp0, $4  }
0x7f: {  	v1 =	vadd.f32 v1, v62;
	[tilespmem:s7+$0x16180] =	vst v2  }
0x80: {  	s25 =	sadd.s32 $0x3, s25;
	[tilespmem:s7+$0x16200] =	vst v63  }
0x81: {  	s24 =	sadd.s32 $0x30, s24;
	s23 =	sadd.s32 $0x3, s23;
	s21 =	sadd.s32 $0x30, s21;
	[tilespmem:s7+$0x16280] =	vst v1  }
0x82: {  	s20 =	sadd.s32 $0x180, s20;
	s19 =	sadd.s32 $0x3, s19;
	s22 =	sadd.s32 $0x30, s22;
	[tilespmem:s8+$0x16000] =	vst v23  }
0x83: {  	s21 =	simm.s32 $0x0;
	s6 =	rddreg [dreg:$0xf];
	s7 =	simm.s32 $0x16000  }
0x84: {  	[hbm4b:s6+s21] =	stream.linear.scatter [tilespmem:s7], [sflag:$0x3], $0x3000, $0x38;
	[tilespmem:$0x1D800] =	vst v63  }
0x85: {  	s22 =	rddreg [dreg:$0x10];
	s23 =	simm.s32 $0x1C000  }
0x86: {  	[tilespmem:s23], [sflag:$0x1] =	stream.linear.gather [hbm4b:s22+s21], $0x600, $0x38;
	[tilespmem:$0x1D800] =	vst v63  }
0x87: {  	s24 =	rddreg [dreg:$0x11];
	s25 =	simm.s32 $0x1CC00  }
0x88: {  	[tilespmem:s25], [sflag:$0x1] =	stream.linear.gather [hbm4b:s24+s21], $0x600, $0x38;
	[tilespmem:$0x1D800] =	vst v63  }
0x89: {  	s26 =	rddreg [dreg:$0x12];
	s30 =	simm.s32 $0x10000;
	s22 =	simm.s32 $0x2  }
0x8a: {  	[tilespmem:s30], [sflag:$0x1] =	stream.linear.gather [hbm4b:s26+s21], $0x3000, $0x38;
	[tilespmem:$0x1D800] =	vst v63  }
0x8b: {  	_ =	swait.ge [sflag:s22], $0x600  }
0x8c: {  	[sflag:s22] =	ssyncset.done $0x0  }
0x8d: {  	[sflag:s22] =	ssyncadd.s32 $0xFFFFFA00  }
0x8e: {  	_ =	swait.ge [sflag:s22], $0x600  }
0x8f: {  	[sflag:s22] =	ssyncset.done $0x0  }
0x90: {  	[sflag:s22] =	ssyncadd.s32 $0xFFFFFA00  }
0x91: {  	s19 =	simm.s32 $0x1D210;
	_ =	swait.ge [sflag:s22], $0x3000  }
0x92: {  	s20 =	simm.s32 $0x0;
	s23 =	simm.s32 $0x1;
	[sflag:s22] =	ssyncset.done $0x0  }
0x93: {  	s24 =	simm.s32 $0x1C610;
	s25 =	simm.s32 $0x0;
	[sflag:s22] =	ssyncadd.s32 $0xFFFFD000  }
.LBB2_4:
0x94: {  	v0 =	vld [tilespmem:s24+$0xFFFFFFF0];
	_ =	sdelay $0x3  }
0x95: {  	v55 =	vld [tilespmem:s24+$0x0]  }
0x96: {  	v8 =	vld [tilespmem:s19+$0xFFFFFFF0];
	v0 =	vand.u32 $0x3FFF, v0  }
0x97: {  	s6 =	sand.u32 $0x70, s21;
	s7 =	sand.u32 $0x3C00, s20;
	v14 =	vld [tilespmem:s24+$0x10]  }
0x98: {  	v25 =	vld [tilespmem:s19+$0x0];
	s18 =	sor.u32 s6, s7  }
0x99: {  	v5 =	vld [tilespmem:s18+$0x13200]  }
0x9a: {  	v6 =	vld [tilespmem:s18+$0x13280]  }
0x9b: {  	v10 =	vand.u32 $0x3FFF, v55;
	v1 =	vld.idx.msk [tilespmem:v0+s5+$0x0], $0xffff  }
0x9c: {  	v2 =	vld.idx.msk [tilespmem:v0+s31+$0x0], $0xffff  }
0x9d: {  	v4 =	vld.idx.msk [tilespmem:v0+s2+$0x0], $0xffff  }
0x9e: {  	v3 =	vld.idx.msk [tilespmem:v0+s0+$0x0], $0xffff  }
0x9f: {  	s15 =	sand.u32 $0x7, s25;
	v7 =	vld [tilespmem:s18+$0x13180]  }
0xa0: {  	s6 =	sshll.u32 s15, $0x4;
	v23 =	vld.idx.msk [tilespmem:v10+s5+$0x0], $0xffff  }
0xa1: {  	s26 =	sadd.s32 $0x10, s21;
	s30 =	sadd.s32 $0x80, s20;
	s6 =	sadd.s32 s6, s20;
	v14 =	vand.u32 $0x3FFF, v14;
	v56 =	vld.idx.msk [tilespmem:v10+s31+$0x0], $0xffff;
	v12 =	vshll.u32 v1, $0x10;
	v13 =	vand.u32 $0xFFFF0000, v2  }
0xa2: {  	s8 =	sand.u32 $0x7C00, s30;
	s15 =	sor.u32 $0x380, s6;
	s6 =	sand.u32 $0x70, s26;
	v58 =	vld.idx.msk [tilespmem:v10+s0+$0x0], $0xffff;
	v1 =	vand.u32 $0xFFFF0000, v1;
	v20 =	vand.u32 $0xFFFF0000, v4;
	v4 =	vshll.u32 v4, $0x10  }
0xa3: {  	s13 =	sor.u32 s6, s8;
	v10 =	vld.idx.msk [tilespmem:v10+s2+$0x0], $0xffff;
	v2 =	vshll.u32 v2, $0x10;
	v26 =	vand.u32 $0xFFFF0000, v3;
	v15 =	vmul.f32 v12, v6  }
0xa4: {  	v60 =	vld [tilespmem:s13+$0x13200];
	v3 =	vshll.u32 v3, $0x10;
	v16 =	vmul.f32 v13, v5;
	v18 =	vmul.f32 v1, v5  }
0xa5: {  	v63 =	vld [tilespmem:s13+$0x13180];
	v44 =	vshll.u32 v23, $0x10;
	v19 =	vmul.f32 v12, v7;
	v21 =	vmul.f32 v13, v7  }
0xa6: {  	v9 =	vld [tilespmem:s18+$0x13000];
	v45 =	vand.u32 $0xFFFF0000, v56;
	v22 =	vmul.f32 v1, v6;
	v20 =	vmul.f32 v20, v8  }
0xa7: {  	v11 =	vld [tilespmem:s18+$0x13080];
	v47 =	vand.u32 $0xFFFF0000, v23;
	v4 =	vmul.f32 v4, v8;
	v2 =	vmul.f32 v2, v8  }
0xa8: {  	v17 =	vld [tilespmem:s18+$0x13100];
	v32 =	vand.u32 $0xFFFF0000, v10;
	v62 =	vmul.f32 v26, v8;
	v3 =	vmul.f32 v3, v8  }
0xa9: {  	v28 =	vld [tilespmem:s13+$0x13000];
	v10 =	vshll.u32 v10, $0x10;
	v49 =	vmul.f32 v45, v60;
	v51 =	vmul.f32 v47, v60  }
0xaa: {  	s9 =	sand.u32 $0x7, s23;
	s11 =	sadd.s32 $0x20, s21;
	s26 =	sadd.s32 $0x100, s20;
	v29 =	vld [tilespmem:s13+$0x13080];
	v36 =	vand.u32 $0xFFFF0000, v58;
	v30 =	vmul.f32 v44, v63;
	v33 =	vmul.f32 v45, v63  }
0xab: {  	s7 =	sand.u32 $0x70, s11;
	s6 =	sshll.u32 s9, $0x4;
	s9 =	sand.u32 $0x7C00, s26;
	v42 =	vld [tilespmem:s13+$0x13100];
	v52 =	vmul.f32 v32, v25;
	v18 =	vsub.f32 v18, v19;
	v15 =	vsub.f32 v15, v16  }
0xac: {  	s7 =	sor.u32 s7, s9;
	v50 =	vld.idx.msk [tilespmem:v14+s31+$0x0], $0xffff;
	v54 =	vmul.f32 v10, v25;
	v57 =	vsub.f32 v21, v22;
	v2 =	vadd.f32 v2, v9  }
0xad: {  	v35 =	vld [tilespmem:s7+$0x13100];
	v11 =	vadd.f32 v11, v62;
	v59 =	vmul.f32 v12, v18;
	v27 =	vmul.f32 v1, v18  }
0xae: {  	v39 =	vld [tilespmem:s7+$0x13200];
	v19 =	vshll.u32 v56, $0x10;
	v1 =	vmul.f32 v1, v57;
	v12 =	vmul.f32 v12, v15  }
0xaf: {  	v46 =	vld.idx.msk [tilespmem:v14+s5+$0x0], $0xffff;
	v3 =	vadd.f32 v17, v3;
	v21 =	vshll.u32 v58, $0x10;
	v19 =	vmul.f32 v19, v25  }
0xb0: {  	v21 =	vmul.f32 v21, v25;
	v24 =	vmul.f32 v13, v57;
	v1 =	vsub.f32 v1, v12;
	v12 =	vld [tilespmem:s13+$0x13280]  }
0xb1: {  	v38 =	vld [tilespmem:s7+$0x13180];
	v62 =	vand.u32 $0xFFFF0000, v50;
	v13 =	vmul.f32 v13, v15;
	v15 =	vmul.f32 v15, v20  }
0xb2: {  	v0 =	vld [tilespmem:s15+$0x13000];
	v61 =	vmul.f32 v57, v20;
	v43 =	vmul.f32 v18, v20;
	v19 =	vadd.f32 v19, v28  }
0xb3: {  	v31 =	vld.idx.msk [tilespmem:v14+s0+$0x0], $0xffff;
	v57 =	vmul.f32 v36, v25;
	v22 =	vsub.f32 v59, v24;
	v13 =	vsub.f32 v13, v27  }
0xb4: {  	v14 =	vld.idx.msk [tilespmem:v14+s2+$0x0], $0xffff;
	v28 =	vmul.f32 v62, v39;
	v7 =	vadd.f32 v15, v7;
	v5 =	vadd.f32 v61, v5  }
0xb5: {  	v32 =	vld [tilespmem:s7+$0x13000];
	v61 =	vshll.u32 v46, $0x10;
	v48 =	vmul.f32 v44, v12;
	v34 =	vmul.f32 v47, v12  }
0xb6: {  	s6 =	sadd.s32 s6, s30;
	v26 =	vld [tilespmem:s7+$0x13300];
	v15 =	vsub.f32 v51, v30;
	v36 =	vmul.f32 v61, v38;
	v40 =	vmul.f32 v22, v4  }
0xb7: {  	s6 =	sor.u32 $0x380, s6;
	v16 =	vld [tilespmem:s13+$0x13300];
	v41 =	vmul.f32 v13, v4;
	v23 =	vsub.f32 v48, v49;
	v53 =	vsub.f32 v33, v34  }
0xb8: {  	s30 =	sand.u32 $0x7, s22;
	v9 =	vld [tilespmem:s6+$0x13000];
	v50 =	vshll.u32 v50, $0x10;
	v1 =	vmul.f32 v1, v4;
	v55 =	vmul.f32 v44, v15  }
0xb9: {  	s9 =	sshll.u32 s30, $0x4;
	v6 =	vadd.f32 v43, v6;
	v30 =	vld [tilespmem:s19+$0x10];
	v34 =	vmul.f32 v45, v53;
	v18 =	vmul.f32 v45, v23  }
0xba: {  	s8 =	sadd.s32 s9, s26;
	v58 =	vadd.f32 v29, v57;
	v33 =	vld [tilespmem:s7+$0x13080];
	v17 =	vmul.f32 v44, v23;
	v23 =	vmul.f32 v23, v52  }
0xbb: {  	s8 =	sor.u32 $0x380, s8;
	v37 =	vmul.f32 v47, v15;
	v13 =	vadd.f32 v42, v21;
	v10 =	vsub.f32 v55, v34;
	v34 =	vld [tilespmem:s7+$0x13280]  }
0xbc: {  	v4 =	vmul.f32 v15, v52;
	v7 =	vadd.f32 v40, v7;
	v8 =	vadd.f32 v23, v63;
	v23 =	vld [tilespmem:s8+$0x13000];
	[tilespmem:s18+$0x19000] =	vst v2  }
0xbd: {  	v59 =	vld [tilespmem:s18+$0x13300];
	v5 =	vadd.f32 v41, v5;
	v1 =	vadd.f32 v1, v6;
	v40 =	vmul.f32 v62, v38;
	[tilespmem:s18+$0x19080] =	vst v11  }
0xbe: {  	v22 =	vmul.f32 v47, v53;
	v56 =	vmul.f32 v53, v52;
	v44 =	vshll.u32 v14, $0x10;
	[tilespmem:s18+$0x19100] =	vst v3  }
0xbf: {  	v52 =	vand.u32 $0xFFFF0000, v31;
	v48 =	vmul.f32 v44, v30;
	v18 =	vsub.f32 v18, v37;
	[tilespmem:s18+$0x19180] =	vst v7  }
0xc0: {  	v17 =	vsub.f32 v22, v17;
	v22 =	vadd.f32 v56, v60;
	v63 =	vand.u32 $0xFFFF0000, v46;
	[tilespmem:s18+$0x19200] =	vst v5  }
0xc1: {  	v37 =	vand.u32 $0xFFFF0000, v14;
	[tilespmem:s18+$0x19280] =	vst v1;
	v56 =	vmul.f32 v52, v30;
	v29 =	vmul.f32 v63, v39  }
0xc2: {  	v4 =	vadd.f32 v4, v12;
	[tilespmem:s18+$0x19300] =	vst v59;
	v5 =	vmul.f32 v37, v30;
	v10 =	vmul.f32 v10, v54  }
0xc3: {  	[tilespmem:s15+$0x19000] =	vst v0;
	v18 =	vmul.f32 v18, v54;
	v42 =	vmul.f32 v17, v54;
	v54 =	vshll.u32 v31, $0x10  }
0xc4: {  	[tilespmem:s13+$0x19000] =	vst v19;
	v57 =	vadd.f32 v33, v56;
	v43 =	vsub.f32 v29, v36;
	v41 =	vmul.f32 v63, v34  }
0xc5: {  	[tilespmem:s13+$0x19080] =	vst v58;
	v58 =	vmul.f32 v54, v30;
	v8 =	vadd.f32 v10, v8;
	v25 =	vmul.f32 v61, v34  }
0xc6: {  	[tilespmem:s13+$0x19100] =	vst v13;
	v47 =	vadd.f32 v42, v4;
	v4 =	vmul.f32 v50, v30;
	v46 =	vsub.f32 v40, v41  }
0xc7: {  	[tilespmem:s13+$0x19300] =	vst v16;
	v60 =	vadd.f32 v18, v22;
	v49 =	vmul.f32 v61, v43;
	v45 =	vsub.f32 v25, v28  }
0xc8: {  	v53 =	vmul.f32 v63, v43;
	[tilespmem:s13+$0x19180] =	vst v8;
	v4 =	vadd.f32 v4, v32;
	v51 =	vmul.f32 v62, v46  }
0xc9: {  	[tilespmem:s13+$0x19200] =	vst v60;
	v60 =	vadd.f32 v35, v58;
	v15 =	vmul.f32 v62, v45;
	v3 =	vmul.f32 v63, v46  }
0xca: {  	[tilespmem:s13+$0x19280] =	vst v47;
	v11 =	vmul.f32 v61, v45;
	v7 =	vmul.f32 v45, v5;
	v2 =	vsub.f32 v49, v51  }
0xcb: {  	[tilespmem:s6+$0x19000] =	vst v9;
	v59 =	vmul.f32 v46, v5;
	v5 =	vmul.f32 v43, v5;
	v55 =	vsub.f32 v15, v53  }
0xcc: {  	[tilespmem:s7+$0x19000] =	vst v4;
	v3 =	vsub.f32 v3, v11;
	v7 =	vadd.f32 v7, v38;
	v2 =	vmul.f32 v2, v48  }
0xcd: {  	[tilespmem:s7+$0x19080] =	vst v57;
	v61 =	vadd.f32 v59, v39;
	v8 =	vmul.f32 v55, v48  }
0xce: {  	p0 =	sne.s32 s20, $0x2E80;
	[tilespmem:s7+$0x19100] =	vst v60;
	v62 =	vadd.f32 v5, v34;
	v1 =	vmul.f32 v3, v48;
	v2 =	vadd.f32 v2, v7  }
.Ltmp1:
0xcf: {  	[tilespmem:s7+$0x19300] =	vst v26;
	v63 =	vadd.f32 v8, v61;
	(pc) =	sbr.rel @p0 .LBB2_4-.Ltmp1, $4  }
0xd0: {  	v1 =	vadd.f32 v1, v62;
	[tilespmem:s7+$0x19180] =	vst v2  }
0xd1: {  	s25 =	sadd.s32 $0x3, s25;
	[tilespmem:s7+$0x19200] =	vst v63  }
0xd2: {  	s21 =	sadd.s32 $0x30, s21;
	s23 =	sadd.s32 $0x3, s23;
	s24 =	sadd.s32 $0x30, s24;
	[tilespmem:s7+$0x19280] =	vst v1  }
0xd3: {  	s20 =	sadd.s32 $0x180, s20;
	s22 =	sadd.s32 $0x3, s22;
	s19 =	sadd.s32 $0x30, s19;
	[tilespmem:s8+$0x19000] =	vst v23  }
0xd4: {  	s6 =	rddreg [dreg:$0x13];
	s7 =	simm.s32 $0x19000  }
0xd5: {  	[hbm4b:s6+s5] =	stream.linear.scatter [tilespmem:s7], [sflag:$0x4], $0x3000, $0x38;
	[tilespmem:$0x1D800] =	vst v63  }
0xd6: {  	s23 =	rddreg [dreg:$0x14];
	s24 =	simm.s32 $0x1C600  }
0xd7: {  	[tilespmem:s24], [sflag:$0x2] =	stream.linear.gather [hbm4b:s23+s5], $0x600, $0x38;
	[tilespmem:$0x1D800] =	vst v63  }
0xd8: {  	s25 =	rddreg [dreg:$0x15];
	s26 =	simm.s32 $0x1D200  }
0xd9: {  	[tilespmem:s26], [sflag:$0x2] =	stream.linear.gather [hbm4b:s25+s5], $0x600, $0x38;
	[tilespmem:$0x1D800] =	vst v63  }
0xda: {  	s30 =	rddreg [dreg:$0x16];
	s21 =	simm.s32 $0x1;
	s22 =	simm.s32 $0x1  }
0xdb: {  	[tilespmem:s12], [sflag:$0x2] =	stream.linear.gather [hbm4b:s30+s5], $0x3000, $0x38;
	[tilespmem:$0x1D800] =	vst v63  }
.LBB2_6:
0xdc: {  	_ =	swait.ge [sflag:s21], $0x600  }
0xdd: {  	[sflag:s21] =	ssyncset.done $0x0  }
0xde: {  	[sflag:s21] =	ssyncadd.s32 $0xFFFFFA00  }
0xdf: {  	_ =	swait.ge [sflag:s21], $0x600  }
0xe0: {  	[sflag:s21] =	ssyncset.done $0x0  }
0xe1: {  	[sflag:s21] =	ssyncadd.s32 $0xFFFFFA00  }
0xe2: {  	_ =	swait.ge [sflag:s21], $0x3000  }
0xe3: {  	[sflag:s21] =	ssyncset.done $0x0  }
0xe4: {  	s23 =	simm.s32 $0x0;
	[sflag:s21] =	ssyncadd.s32 $0xFFFFD000  }
0xe5: {  	s24 =	simm.s32 $0x2;
	s25 =	simm.s32 $0x1C010;
	_ =	swait.ge [sflag:s16], $0x3000  }
0xe6: {  	s26 =	simm.s32 $0x1CC10;
	s19 =	simm.s32 $0x1;
	[sflag:s16] =	ssyncset.done $0x0  }
0xe7: {  	s30 =	simm.s32 $0x0;
	s20 =	simm.s32 $0x0;
	[sflag:s16] =	ssyncadd.s32 $0xFFFFD000  }
.LBB2_7:
0xe8: {  	v0 =	vld [tilespmem:s25+$0xFFFFFFF0];
	_ =	sdelay $0x3  }
0xe9: {  	v55 =	vld [tilespmem:s25+$0x0]  }
0xea: {  	v8 =	vld [tilespmem:s26+$0xFFFFFFF0];
	v0 =	vand.u32 $0x3FFF, v0  }
0xeb: {  	s6 =	sand.u32 $0x70, s23;
	s7 =	sand.u32 $0x3C00, s20;
	v14 =	vld [tilespmem:s25+$0x10]  }
0xec: {  	v25 =	vld [tilespmem:s26+$0x0];
	s18 =	sor.u32 s6, s7  }
0xed: {  	v5 =	vld [tilespmem:s18+$0x10200]  }
0xee: {  	v6 =	vld [tilespmem:s18+$0x10280]  }
0xef: {  	v10 =	vand.u32 $0x3FFF, v55;
	v1 =	vld.idx.msk [tilespmem:v0+s5+$0x0], $0xffff  }
0xf0: {  	v2 =	vld.idx.msk [tilespmem:v0+s31+$0x0], $0xffff  }
0xf1: {  	v4 =	vld.idx.msk [tilespmem:v0+s2+$0x0], $0xffff  }
0xf2: {  	v3 =	vld.idx.msk [tilespmem:v0+s0+$0x0], $0xffff  }
0xf3: {  	s8 =	sand.u32 $0x7, s30;
	v7 =	vld [tilespmem:s18+$0x10180]  }
0xf4: {  	s6 =	sshll.u32 s8, $0x4;
	v23 =	vld.idx.msk [tilespmem:v10+s5+$0x0], $0xffff  }
0xf5: {  	s9 =	sadd.s32 $0x10, s23;
	s11 =	sadd.s32 $0x80, s20;
	s6 =	sadd.s32 s6, s20;
	v14 =	vand.u32 $0x3FFF, v14;
	v56 =	vld.idx.msk [tilespmem:v10+s31+$0x0], $0xffff;
	v12 =	vshll.u32 v1, $0x10;
	v13 =	vand.u32 $0xFFFF0000, v2  }
0xf6: {  	s8 =	sand.u32 $0x7C00, s11;
	s15 =	sor.u32 $0x380, s6;
	s6 =	sand.u32 $0x70, s9;
	v58 =	vld.idx.msk [tilespmem:v10+s0+$0x0], $0xffff;
	v1 =	vand.u32 $0xFFFF0000, v1;
	v20 =	vand.u32 $0xFFFF0000, v4;
	v4 =	vshll.u32 v4, $0x10  }
0xf7: {  	s13 =	sor.u32 s6, s8;
	v10 =	vld.idx.msk [tilespmem:v10+s2+$0x0], $0xffff;
	v2 =	vshll.u32 v2, $0x10;
	v26 =	vand.u32 $0xFFFF0000, v3;
	v15 =	vmul.f32 v12, v6  }
0xf8: {  	v60 =	vld [tilespmem:s13+$0x10200];
	v3 =	vshll.u32 v3, $0x10;
	v16 =	vmul.f32 v13, v5;
	v18 =	vmul.f32 v1, v5  }
0xf9: {  	v63 =	vld [tilespmem:s13+$0x10180];
	v44 =	vshll.u32 v23, $0x10;
	v19 =	vmul.f32 v12, v7;
	v21 =	vmul.f32 v13, v7  }
0xfa: {  	v9 =	vld [tilespmem:s18+$0x10000];
	v45 =	vand.u32 $0xFFFF0000, v56;
	v22 =	vmul.f32 v1, v6;
	v20 =	vmul.f32 v20, v8  }
0xfb: {  	v11 =	vld [tilespmem:s18+$0x10080];
	v47 =	vand.u32 $0xFFFF0000, v23;
	v4 =	vmul.f32 v4, v8;
	v2 =	vmul.f32 v2, v8  }
0xfc: {  	v17 =	vld [tilespmem:s18+$0x10100];
	v32 =	vand.u32 $0xFFFF0000, v10;
	v62 =	vmul.f32 v26, v8;
	v3 =	vmul.f32 v3, v8  }
0xfd: {  	s8 =	sand.u32 $0x7, s19;
	v28 =	vld [tilespmem:s13+$0x10000];
	v10 =	vshll.u32 v10, $0x10;
	v49 =	vmul.f32 v45, v60;
	v51 =	vmul.f32 v47, v60  }
0xfe: {  	s9 =	sadd.s32 $0x20, s23;
	v29 =	vld [tilespmem:s13+$0x10080];
	s6 =	sshll.u32 s8, $0x4;
	s8 =	sadd.s32 $0x100, s20;
	v36 =	vand.u32 $0xFFFF0000, v58;
	v30 =	vmul.f32 v44, v63;
	v33 =	vmul.f32 v45, v63  }
0xff: {  	s7 =	sand.u32 $0x70, s9;
	v42 =	vld [tilespmem:s13+$0x10100];
	s9 =	sand.u32 $0x7C00, s8;
	v52 =	vmul.f32 v32, v25;
	v18 =	vsub.f32 v18, v19;
	v15 =	vsub.f32 v15, v16  }
0x100: {  	s7 =	sor.u32 s7, s9;
	v50 =	vld.idx.msk [tilespmem:v14+s31+$0x0], $0xffff;
	v54 =	vmul.f32 v10, v25;
	v57 =	vsub.f32 v21, v22;
	v2 =	vadd.f32 v2, v9  }
0x101: {  	v35 =	vld [tilespmem:s7+$0x10100];
	v11 =	vadd.f32 v11, v62;
	v59 =	vmul.f32 v12, v18;
	v27 =	vmul.f32 v1, v18  }
0x102: {  	v39 =	vld [tilespmem:s7+$0x10200];
	v19 =	vshll.u32 v56, $0x10;
	v1 =	vmul.f32 v1, v57;
	v12 =	vmul.f32 v12, v15  }
0x103: {  	v46 =	vld.idx.msk [tilespmem:v14+s5+$0x0], $0xffff;
	v3 =	vadd.f32 v17, v3;
	v21 =	vshll.u32 v58, $0x10;
	v19 =	vmul.f32 v19, v25  }
0x104: {  	v21 =	vmul.f32 v21, v25;
	v24 =	vmul.f32 v13, v57;
	v1 =	vsub.f32 v1, v12;
	v12 =	vld [tilespmem:s13+$0x10280]  }
0x105: {  	v38 =	vld [tilespmem:s7+$0x10180];
	v62 =	vand.u32 $0xFFFF0000, v50;
	v13 =	vmul.f32 v13, v15;
	v15 =	vmul.f32 v15, v20  }
0x106: {  	v0 =	vld [tilespmem:s15+$0x10000];
	v61 =	vmul.f32 v57, v20;
	v43 =	vmul.f32 v18, v20;
	v19 =	vadd.f32 v19, v28  }
0x107: {  	v31 =	vld.idx.msk [tilespmem:v14+s0+$0x0], $0xffff;
	v57 =	vmul.f32 v36, v25;
	v22 =	vsub.f32 v59, v24;
	v13 =	vsub.f32 v13, v27  }
0x108: {  	v14 =	vld.idx.msk [tilespmem:v14+s2+$0x0], $0xffff;
	v28 =	vmul.f32 v62, v39;
	v7 =	vadd.f32 v15, v7;
	v5 =	vadd.f32 v61, v5  }
0x109: {  	v32 =	vld [tilespmem:s7+$0x10000];
	v61 =	vshll.u32 v46, $0x10;
	v48 =	vmul.f32 v44, v12;
	v34 =	vmul.f32 v47, v12  }
0x10a: {  	s6 =	sadd.s32 s6, s11;
	v26 =	vld [tilespmem:s7+$0x10300];
	v15 =	vsub.f32 v51, v30;
	v36 =	vmul.f32 v61, v38;
	v40 =	vmul.f32 v22, v4  }
0x10b: {  	s6 =	sor.u32 $0x380, s6;
	v16 =	vld [tilespmem:s13+$0x10300];
	v41 =	vmul.f32 v13, v4;
	v23 =	vsub.f32 v48, v49;
	v53 =	vsub.f32 v33, v34  }
0x10c: {  	s11 =	sand.u32 $0x7, s24;
	v9 =	vld [tilespmem:s6+$0x10000];
	v50 =	vshll.u32 v50, $0x10;
	v1 =	vmul.f32 v1, v4;
	v55 =	vmul.f32 v44, v15  }
0x10d: {  	s9 =	sshll.u32 s11, $0x4;
	v6 =	vadd.f32 v43, v6;
	v30 =	vld [tilespmem:s26+$0x10];
	v34 =	vmul.f32 v45, v53;
	v18 =	vmul.f32 v45, v23  }
0x10e: {  	s8 =	sadd.s32 s9, s8;
	v58 =	vadd.f32 v29, v57;
	v33 =	vld [tilespmem:s7+$0x10080];
	v17 =	vmul.f32 v44, v23;
	v23 =	vmul.f32 v23, v52  }
0x10f: {  	s8 =	sor.u32 $0x380, s8;
	v37 =	vmul.f32 v47, v15;
	v13 =	vadd.f32 v42, v21;
	v10 =	vsub.f32 v55, v34;
	v34 =	vld [tilespmem:s7+$0x10280]  }
0x110: {  	v4 =	vmul.f32 v15, v52;
	v7 =	vadd.f32 v40, v7;
	v8 =	vadd.f32 v23, v63;
	v23 =	vld [tilespmem:s8+$0x10000];
	[tilespmem:s18+$0x16000] =	vst v2  }
0x111: {  	v59 =	vld [tilespmem:s18+$0x10300];
	v5 =	vadd.f32 v41, v5;
	v1 =	vadd.f32 v1, v6;
	v40 =	vmul.f32 v62, v38;
	[tilespmem:s18+$0x16080] =	vst v11  }
0x112: {  	v22 =	vmul.f32 v47, v53;
	v56 =	vmul.f32 v53, v52;
	v44 =	vshll.u32 v14, $0x10;
	[tilespmem:s18+$0x16100] =	vst v3  }
0x113: {  	v52 =	vand.u32 $0xFFFF0000, v31;
	v48 =	vmul.f32 v44, v30;
	v18 =	vsub.f32 v18, v37;
	[tilespmem:s18+$0x16180] =	vst v7  }
0x114: {  	v17 =	vsub.f32 v22, v17;
	v22 =	vadd.f32 v56, v60;
	v63 =	vand.u32 $0xFFFF0000, v46;
	[tilespmem:s18+$0x16200] =	vst v5  }
0x115: {  	v37 =	vand.u32 $0xFFFF0000, v14;
	[tilespmem:s18+$0x16280] =	vst v1;
	v56 =	vmul.f32 v52, v30;
	v29 =	vmul.f32 v63, v39  }
0x116: {  	v4 =	vadd.f32 v4, v12;
	[tilespmem:s18+$0x16300] =	vst v59;
	v5 =	vmul.f32 v37, v30;
	v10 =	vmul.f32 v10, v54  }
0x117: {  	[tilespmem:s15+$0x16000] =	vst v0;
	v18 =	vmul.f32 v18, v54;
	v42 =	vmul.f32 v17, v54;
	v54 =	vshll.u32 v31, $0x10  }
0x118: {  	[tilespmem:s13+$0x16000] =	vst v19;
	v57 =	vadd.f32 v33, v56;
	v43 =	vsub.f32 v29, v36;
	v41 =	vmul.f32 v63, v34  }
0x119: {  	[tilespmem:s13+$0x16080] =	vst v58;
	v58 =	vmul.f32 v54, v30;
	v8 =	vadd.f32 v10, v8;
	v25 =	vmul.f32 v61, v34  }
0x11a: {  	[tilespmem:s13+$0x16100] =	vst v13;
	v47 =	vadd.f32 v42, v4;
	v4 =	vmul.f32 v50, v30;
	v46 =	vsub.f32 v40, v41  }
0x11b: {  	[tilespmem:s13+$0x16300] =	vst v16;
	v60 =	vadd.f32 v18, v22;
	v49 =	vmul.f32 v61, v43;
	v45 =	vsub.f32 v25, v28  }
0x11c: {  	v53 =	vmul.f32 v63, v43;
	[tilespmem:s13+$0x16180] =	vst v8;
	v4 =	vadd.f32 v4, v32;
	v51 =	vmul.f32 v62, v46  }
0x11d: {  	[tilespmem:s13+$0x16200] =	vst v60;
	v60 =	vadd.f32 v35, v58;
	v15 =	vmul.f32 v62, v45;
	v3 =	vmul.f32 v63, v46  }
0x11e: {  	[tilespmem:s13+$0x16280] =	vst v47;
	v11 =	vmul.f32 v61, v45;
	v7 =	vmul.f32 v45, v5;
	v2 =	vsub.f32 v49, v51  }
0x11f: {  	[tilespmem:s6+$0x16000] =	vst v9;
	v59 =	vmul.f32 v46, v5;
	v5 =	vmul.f32 v43, v5;
	v55 =	vsub.f32 v15, v53  }
0x120: {  	[tilespmem:s7+$0x16000] =	vst v4;
	v3 =	vsub.f32 v3, v11;
	v7 =	vadd.f32 v7, v38;
	v2 =	vmul.f32 v2, v48  }
0x121: {  	[tilespmem:s7+$0x16080] =	vst v57;
	v61 =	vadd.f32 v59, v39;
	v8 =	vmul.f32 v55, v48  }
0x122: {  	p0 =	sne.s32 s20, $0x2E80;
	[tilespmem:s7+$0x16100] =	vst v60;
	v62 =	vadd.f32 v5, v34;
	v1 =	vmul.f32 v3, v48;
	v2 =	vadd.f32 v2, v7  }
.Ltmp2:
0x123: {  	[tilespmem:s7+$0x16300] =	vst v26;
	v63 =	vadd.f32 v8, v61;
	(pc) =	sbr.rel @p0 .LBB2_7-.Ltmp2, $4  }
0x124: {  	v1 =	vadd.f32 v1, v62;
	[tilespmem:s7+$0x16180] =	vst v2  }
0x125: {  	s30 =	sadd.s32 $0x3, s30;
	[tilespmem:s7+$0x16200] =	vst v63  }
0x126: {  	s25 =	sadd.s32 $0x30, s25;
	s23 =	sadd.s32 $0x30, s23;
	s19 =	sadd.s32 $0x3, s19;
	[tilespmem:s7+$0x16280] =	vst v1  }
0x127: {  	s20 =	sadd.s32 $0x180, s20;
	s24 =	sadd.s32 $0x3, s24;
	s26 =	sadd.s32 $0x30, s26;
	[tilespmem:s8+$0x16000] =	vst v23  }
0x128: {  	s23 =	sshll.u32 s22, $0x1  }
0x129: {  	s6 =	sadd.s32 s14, s23;
	s7 =	smin.u32 s23, $0x12  }
0x12a: {  	s6 =	smul.u32 $0x600, s6;
	s7 =	sadd.s32 s7, s28  }
0x12b: {  	s7 =	smul.u32 $0x600, s7  }
0x12c: {  	s24 =	simm.s32 $0x0;
	s6 =	smin.u32 s6, $0xF3C80  }
0x12d: {  	s8 =	simm.s32 $0x16000;
	s6 =	sadd.s32 s4, s6;
	s19 =	smin.u32 s7, $0xF3C80  }
0x12e: {  	[hbm4b:s6+s24] =	stream.linear.scatter [tilespmem:s8], [sflag:$0x3], $0x3000, $0x38;
	[tilespmem:$0x1D800] =	vst v63  }
0x12f: {  	s7 =	sshrl.u32 s19, $0x3  }
0x130: {  	s9 =	simm.s32 $0x1C000;
	s20 =	sadd.s32 s3, s7  }
0x131: {  	[tilespmem:s9], [sflag:$0x1] =	stream.linear.gather [hbm4b:s20+s24], $0x600, $0x38;
	[tilespmem:$0x1D800] =	vst v63  }
0x132: {  	s25 =	simm.s32 $0x1CC00;
	s7 =	sadd.s32 s10, s7  }
0x133: {  	[tilespmem:s25], [sflag:$0x1] =	stream.linear.gather [hbm4b:s7+s24], $0x600, $0x38;
	[tilespmem:$0x1D800] =	vst v63  }
0x134: {  	s26 =	simm.s32 $0x10000;
	s6 =	sadd.s32 s1, s19;
	s25 =	simm.s32 $0x2  }
0x135: {  	[tilespmem:s26], [sflag:$0x1] =	stream.linear.gather [hbm4b:s6+s24], $0x3000, $0x38;
	[tilespmem:$0x1D800] =	vst v63  }
0x136: {  	_ =	swait.ge [sflag:s25], $0x600  }
0x137: {  	[sflag:s25] =	ssyncset.done $0x0  }
0x138: {  	[sflag:s25] =	ssyncadd.s32 $0xFFFFFA00  }
0x139: {  	_ =	swait.ge [sflag:s25], $0x600  }
0x13a: {  	[sflag:s25] =	ssyncset.done $0x0  }
0x13b: {  	[sflag:s25] =	ssyncadd.s32 $0xFFFFFA00  }
0x13c: {  	_ =	swait.ge [sflag:s25], $0x3000  }
0x13d: {  	[sflag:s25] =	ssyncset.done $0x0  }
0x13e: {  	[sflag:s25] =	ssyncadd.s32 $0xFFFFD000  }
0x13f: {  	s30 =	simm.s32 $0x1D210;
	_ =	swait.ge [sflag:s17], $0x3000  }
0x140: {  	s18 =	simm.s32 $0x0;
	s19 =	simm.s32 $0x1C610;
	[sflag:s17] =	ssyncset.done $0x0  }
0x141: {  	s20 =	simm.s32 $0x0;
	s26 =	simm.s32 $0x1;
	[sflag:s17] =	ssyncadd.s32 $0xFFFFD000  }
.LBB2_9:
0x142: {  	v0 =	vld [tilespmem:s19+$0xFFFFFFF0];
	_ =	sdelay $0x3  }
0x143: {  	v55 =	vld [tilespmem:s19+$0x0]  }
0x144: {  	v8 =	vld [tilespmem:s30+$0xFFFFFFF0];
	v0 =	vand.u32 $0x3FFF, v0  }
0x145: {  	s6 =	sand.u32 $0x70, s24;
	s7 =	sand.u32 $0x3C00, s18;
	v14 =	vld [tilespmem:s19+$0x10]  }
0x146: {  	v25 =	vld [tilespmem:s30+$0x0];
	s13 =	sor.u32 s6, s7  }
0x147: {  	v5 =	vld [tilespmem:s13+$0x13200]  }
0x148: {  	v6 =	vld [tilespmem:s13+$0x13280]  }
0x149: {  	v10 =	vand.u32 $0x3FFF, v55;
	v1 =	vld.idx.msk [tilespmem:v0+s5+$0x0], $0xffff  }
0x14a: {  	v2 =	vld.idx.msk [tilespmem:v0+s31+$0x0], $0xffff  }
0x14b: {  	v4 =	vld.idx.msk [tilespmem:v0+s2+$0x0], $0xffff  }
0x14c: {  	v3 =	vld.idx.msk [tilespmem:v0+s0+$0x0], $0xffff  }
0x14d: {  	v7 =	vld [tilespmem:s13+$0x13180]  }
0x14e: {  	v23 =	vld.idx.msk [tilespmem:v10+s5+$0x0], $0xffff  }
0x14f: {  	s15 =	sadd.s32 $0x10, s24;
	s8 =	sadd.s32 $0x80, s18;
	v14 =	vand.u32 $0x3FFF, v14;
	v56 =	vld.idx.msk [tilespmem:v10+s31+$0x0], $0xffff;
	v12 =	vshll.u32 v1, $0x10;
	v13 =	vand.u32 $0xFFFF0000, v2  }
0x150: {  	s7 =	sand.u32 $0x70, s15;
	s9 =	sand.u32 $0x7C00, s8;
	v58 =	vld.idx.msk [tilespmem:v10+s0+$0x0], $0xffff;
	v1 =	vand.u32 $0xFFFF0000, v1;
	v20 =	vand.u32 $0xFFFF0000, v4;
	v4 =	vshll.u32 v4, $0x10  }
0x151: {  	s15 =	sor.u32 s7, s9;
	v10 =	vld.idx.msk [tilespmem:v10+s2+$0x0], $0xffff;
	v2 =	vshll.u32 v2, $0x10;
	v26 =	vand.u32 $0xFFFF0000, v3;
	v15 =	vmul.f32 v12, v6  }
0x152: {  	v60 =	vld [tilespmem:s15+$0x13200];
	v3 =	vshll.u32 v3, $0x10;
	v16 =	vmul.f32 v13, v5;
	v18 =	vmul.f32 v1, v5  }
0x153: {  	v63 =	vld [tilespmem:s15+$0x13180];
	v44 =	vshll.u32 v23, $0x10;
	v19 =	vmul.f32 v12, v7;
	v21 =	vmul.f32 v13, v7  }
0x154: {  	v9 =	vld [tilespmem:s13+$0x13000];
	v45 =	vand.u32 $0xFFFF0000, v56;
	v22 =	vmul.f32 v1, v6;
	v20 =	vmul.f32 v20, v8  }
0x155: {  	v11 =	vld [tilespmem:s13+$0x13080];
	v47 =	vand.u32 $0xFFFF0000, v23;
	v4 =	vmul.f32 v4, v8;
	v2 =	vmul.f32 v2, v8  }
0x156: {  	s11 =	sand.u32 $0x7, s20;
	v17 =	vld [tilespmem:s13+$0x13100];
	v32 =	vand.u32 $0xFFFF0000, v10;
	v62 =	vmul.f32 v26, v8;
	v3 =	vmul.f32 v3, v8  }
0x157: {  	s6 =	sshll.u32 s11, $0x4;
	s9 =	sand.u32 $0x7, s26;
	v28 =	vld [tilespmem:s15+$0x13000];
	v10 =	vshll.u32 v10, $0x10;
	v49 =	vmul.f32 v45, v60;
	v51 =	vmul.f32 v47, v60  }
0x158: {  	s11 =	sadd.s32 $0x20, s24;
	v29 =	vld [tilespmem:s15+$0x13080];
	s7 =	sshll.u32 s9, $0x4;
	s9 =	sadd.s32 $0x100, s18;
	v36 =	vand.u32 $0xFFFF0000, v58;
	v30 =	vmul.f32 v44, v63;
	v33 =	vmul.f32 v45, v63  }
0x159: {  	v42 =	vld [tilespmem:s15+$0x13100];
	s7 =	sadd.s32 s7, s8;
	s8 =	sand.u32 $0x70, s11;
	s11 =	sand.u32 $0x7C00, s9;
	v52 =	vmul.f32 v32, v25;
	v18 =	vsub.f32 v18, v19;
	v15 =	vsub.f32 v15, v16  }
0x15a: {  	s8 =	sor.u32 s8, s11;
	v50 =	vld.idx.msk [tilespmem:v14+s31+$0x0], $0xffff;
	v54 =	vmul.f32 v10, v25;
	v57 =	vsub.f32 v21, v22;
	v2 =	vadd.f32 v2, v9  }
0x15b: {  	v35 =	vld [tilespmem:s8+$0x13100];
	v11 =	vadd.f32 v11, v62;
	v59 =	vmul.f32 v12, v18;
	v27 =	vmul.f32 v1, v18  }
0x15c: {  	v39 =	vld [tilespmem:s8+$0x13200];
	v19 =	vshll.u32 v56, $0x10;
	v1 =	vmul.f32 v1, v57;
	v12 =	vmul.f32 v12, v15  }
0x15d: {  	v46 =	vld.idx.msk [tilespmem:v14+s5+$0x0], $0xffff;
	v3 =	vadd.f32 v17, v3;
	v21 =	vshll.u32 v58, $0x10;
	v19 =	vmul.f32 v19, v25  }
0x15e: {  	s6 =	sadd.s32 s6, s18;
	v21 =	vmul.f32 v21, v25;
	v24 =	vmul.f32 v13, v57;
	v1 =	vsub.f32 v1, v12;
	v12 =	vld [tilespmem:s15+$0x13280]  }
0x15f: {  	s6 =	sor.u32 $0x380, s6;
	v38 =	vld [tilespmem:s8+$0x13180];
	v62 =	vand.u32 $0xFFFF0000, v50;
	v13 =	vmul.f32 v13, v15;
	v15 =	vmul.f32 v15, v20  }
0x160: {  	v0 =	vld [tilespmem:s6+$0x13000];
	v61 =	vmul.f32 v57, v20;
	v43 =	vmul.f32 v18, v20;
	v19 =	vadd.f32 v19, v28  }
0x161: {  	v31 =	vld.idx.msk [tilespmem:v14+s0+$0x0], $0xffff;
	v57 =	vmul.f32 v36, v25;
	v22 =	vsub.f32 v59, v24;
	v13 =	vsub.f32 v13, v27  }
0x162: {  	v14 =	vld.idx.msk [tilespmem:v14+s2+$0x0], $0xffff;
	v28 =	vmul.f32 v62, v39;
	v7 =	vadd.f32 v15, v7;
	v5 =	vadd.f32 v61, v5  }
0x163: {  	v32 =	vld [tilespmem:s8+$0x13000];
	v61 =	vshll.u32 v46, $0x10;
	v48 =	vmul.f32 v44, v12;
	v34 =	vmul.f32 v47, v12  }
0x164: {  	v26 =	vld [tilespmem:s8+$0x13300];
	v15 =	vsub.f32 v51, v30;
	v36 =	vmul.f32 v61, v38;
	v40 =	vmul.f32 v22, v4  }
0x165: {  	s7 =	sor.u32 $0x380, s7;
	v16 =	vld [tilespmem:s15+$0x13300];
	v41 =	vmul.f32 v13, v4;
	v23 =	vsub.f32 v48, v49;
	v53 =	vsub.f32 v33, v34  }
0x166: {  	s11 =	sand.u32 $0x7, s25;
	v9 =	vld [tilespmem:s7+$0x13000];
	v50 =	vshll.u32 v50, $0x10;
	v1 =	vmul.f32 v1, v4;
	v55 =	vmul.f32 v44, v15  }
0x167: {  	s11 =	sshll.u32 s11, $0x4;
	v6 =	vadd.f32 v43, v6;
	v30 =	vld [tilespmem:s30+$0x10];
	v34 =	vmul.f32 v45, v53;
	v18 =	vmul.f32 v45, v23  }
0x168: {  	s9 =	sadd.s32 s11, s9;
	v58 =	vadd.f32 v29, v57;
	v33 =	vld [tilespmem:s8+$0x13080];
	v17 =	vmul.f32 v44, v23;
	v23 =	vmul.f32 v23, v52  }
0x169: {  	s9 =	sor.u32 $0x380, s9;
	v37 =	vmul.f32 v47, v15;
	v13 =	vadd.f32 v42, v21;
	v10 =	vsub.f32 v55, v34;
	v34 =	vld [tilespmem:s8+$0x13280]  }
0x16a: {  	v4 =	vmul.f32 v15, v52;
	v7 =	vadd.f32 v40, v7;
	v8 =	vadd.f32 v23, v63;
	v23 =	vld [tilespmem:s9+$0x13000];
	[tilespmem:s13+$0x19000] =	vst v2  }
0x16b: {  	v59 =	vld [tilespmem:s13+$0x13300];
	v5 =	vadd.f32 v41, v5;
	v1 =	vadd.f32 v1, v6;
	v40 =	vmul.f32 v62, v38;
	[tilespmem:s13+$0x19080] =	vst v11  }
0x16c: {  	v22 =	vmul.f32 v47, v53;
	v56 =	vmul.f32 v53, v52;
	v44 =	vshll.u32 v14, $0x10;
	[tilespmem:s13+$0x19100] =	vst v3  }
0x16d: {  	v52 =	vand.u32 $0xFFFF0000, v31;
	v48 =	vmul.f32 v44, v30;
	v18 =	vsub.f32 v18, v37;
	[tilespmem:s13+$0x19180] =	vst v7  }
0x16e: {  	v17 =	vsub.f32 v22, v17;
	v22 =	vadd.f32 v56, v60;
	v63 =	vand.u32 $0xFFFF0000, v46;
	[tilespmem:s13+$0x19200] =	vst v5  }
0x16f: {  	v37 =	vand.u32 $0xFFFF0000, v14;
	[tilespmem:s13+$0x19280] =	vst v1;
	v56 =	vmul.f32 v52, v30;
	v29 =	vmul.f32 v63, v39  }
0x170: {  	v4 =	vadd.f32 v4, v12;
	[tilespmem:s13+$0x19300] =	vst v59;
	v5 =	vmul.f32 v37, v30;
	v10 =	vmul.f32 v10, v54  }
0x171: {  	[tilespmem:s6+$0x19000] =	vst v0;
	v18 =	vmul.f32 v18, v54;
	v42 =	vmul.f32 v17, v54;
	v54 =	vshll.u32 v31, $0x10  }
0x172: {  	[tilespmem:s15+$0x19000] =	vst v19;
	v57 =	vadd.f32 v33, v56;
	v43 =	vsub.f32 v29, v36;
	v41 =	vmul.f32 v63, v34  }
0x173: {  	[tilespmem:s15+$0x19080] =	vst v58;
	v58 =	vmul.f32 v54, v30;
	v8 =	vadd.f32 v10, v8;
	v25 =	vmul.f32 v61, v34  }
0x174: {  	[tilespmem:s15+$0x19100] =	vst v13;
	v47 =	vadd.f32 v42, v4;
	v4 =	vmul.f32 v50, v30;
	v46 =	vsub.f32 v40, v41  }
0x175: {  	[tilespmem:s15+$0x19300] =	vst v16;
	v60 =	vadd.f32 v18, v22;
	v49 =	vmul.f32 v61, v43;
	v45 =	vsub.f32 v25, v28  }
0x176: {  	v53 =	vmul.f32 v63, v43;
	[tilespmem:s15+$0x19180] =	vst v8;
	v4 =	vadd.f32 v4, v32;
	v51 =	vmul.f32 v62, v46  }
0x177: {  	[tilespmem:s15+$0x19200] =	vst v60;
	v60 =	vadd.f32 v35, v58;
	v15 =	vmul.f32 v62, v45;
	v3 =	vmul.f32 v63, v46  }
0x178: {  	[tilespmem:s15+$0x19280] =	vst v47;
	v11 =	vmul.f32 v61, v45;
	v7 =	vmul.f32 v45, v5;
	v2 =	vsub.f32 v49, v51  }
0x179: {  	[tilespmem:s7+$0x19000] =	vst v9;
	v59 =	vmul.f32 v46, v5;
	v5 =	vmul.f32 v43, v5;
	v55 =	vsub.f32 v15, v53  }
0x17a: {  	[tilespmem:s8+$0x19000] =	vst v4;
	v3 =	vsub.f32 v3, v11;
	v7 =	vadd.f32 v7, v38;
	v2 =	vmul.f32 v2, v48  }
0x17b: {  	[tilespmem:s8+$0x19080] =	vst v57;
	v61 =	vadd.f32 v59, v39;
	v8 =	vmul.f32 v55, v48  }
0x17c: {  	p0 =	sne.s32 s18, $0x2E80;
	[tilespmem:s8+$0x19100] =	vst v60;
	v62 =	vadd.f32 v5, v34;
	v1 =	vmul.f32 v3, v48;
	v2 =	vadd.f32 v2, v7  }
.Ltmp3:
0x17d: {  	[tilespmem:s8+$0x19300] =	vst v26;
	v63 =	vadd.f32 v8, v61;
	(pc) =	sbr.rel @p0 .LBB2_9-.Ltmp3, $4  }
0x17e: {  	v1 =	vadd.f32 v1, v62;
	[tilespmem:s8+$0x19180] =	vst v2  }
0x17f: {  	s20 =	sadd.s32 $0x3, s20;
	[tilespmem:s8+$0x19200] =	vst v63  }
0x180: {  	s19 =	sadd.s32 $0x30, s19;
	s24 =	sadd.s32 $0x30, s24;
	s26 =	sadd.s32 $0x3, s26;
	[tilespmem:s8+$0x19280] =	vst v1  }
0x181: {  	s18 =	sadd.s32 $0x180, s18;
	s25 =	sadd.s32 $0x3, s25;
	s30 =	sadd.s32 $0x30, s30;
	[tilespmem:s9+$0x19000] =	vst v23  }
0x182: {  	s6 =	sor.u32 $0x1, s23;
	s7 =	smin.u32 s23, $0x11  }
0x183: {  	s6 =	smin.u32 s6, $0x14;
	s7 =	sadd.s32 s7, s29  }
0x184: {  	s6 =	sadd.s32 s14, s6;
	s7 =	smul.u32 $0x600, s7  }
0x185: {  	s6 =	smul.u32 $0x600, s6;
	_ =	sdelay $0x1  }
0x186: {  	s8 =	simm.s32 $0x19000;
	s25 =	smin.u32 s7, $0xF3C80;
	s6 =	smin.u32 s6, $0xF3C80  }
0x187: {  	s22 =	sadd.s32 $0x1, s22;
	s7 =	sshrl.u32 s25, $0x3;
	s6 =	sadd.s32 s4, s6  }
0x188: {  	[hbm4b:s6+s5] =	stream.linear.scatter [tilespmem:s8], [sflag:$0x4], $0x3000, $0x38;
	[tilespmem:$0x1D800] =	vst v63  }
0x189: {  	s9 =	simm.s32 $0x1C600;
	p0 =	sne.s32 s22, $0xB;
	s26 =	sadd.s32 s3, s7  }
0x18a: {  	[tilespmem:s9], [sflag:$0x2] =	stream.linear.gather [hbm4b:s26+s5], $0x600, $0x38;
	[tilespmem:$0x1D800] =	vst v63  }
.Ltmp4:
0x18b: {  	_ = 	snop;
	(pc) =	sbr.rel @p0 .LBB2_6-.Ltmp4, $4  }
0x18c: {  	s30 =	simm.s32 $0x1D200;
	s7 =	sadd.s32 s10, s7  }
0x18d: {  	[tilespmem:s30], [sflag:$0x2] =	stream.linear.gather [hbm4b:s7+s5], $0x600, $0x38;
	[tilespmem:$0x1D800] =	vst v63  }
0x18e: {  	s6 =	sadd.s32 s1, s25  }
0x18f: {  	[tilespmem:s12], [sflag:$0x2] =	stream.linear.gather [hbm4b:s6+s5], $0x3000, $0x38;
	[tilespmem:$0x1D800] =	vst v63  }
0x190: {  	s8 =	simm.s32 $0x1  }
0x191: {  	_ =	swait.ge [sflag:s8], $0x600  }
0x192: {  	[sflag:s8] =	ssyncset.done $0x0  }
0x193: {  	[sflag:s8] =	ssyncadd.s32 $0xFFFFFA00  }
0x194: {  	_ =	swait.ge [sflag:s8], $0x600  }
0x195: {  	[sflag:s8] =	ssyncset.done $0x0  }
0x196: {  	[sflag:s8] =	ssyncadd.s32 $0xFFFFFA00  }
0x197: {  	_ =	swait.ge [sflag:s8], $0x3000  }
0x198: {  	[sflag:s8] =	ssyncset.done $0x0  }
0x199: {  	s6 =	simm.s32 $0x2;
	[sflag:s8] =	ssyncadd.s32 $0xFFFFD000  }
0x19a: {  	_ =	swait.ge [sflag:s6], $0x600  }
0x19b: {  	[sflag:s6] =	ssyncset.done $0x0  }
0x19c: {  	[sflag:s6] =	ssyncadd.s32 $0xFFFFFA00  }
0x19d: {  	_ =	swait.ge [sflag:s6], $0x600  }
0x19e: {  	[sflag:s6] =	ssyncset.done $0x0  }
0x19f: {  	[sflag:s6] =	ssyncadd.s32 $0xFFFFFA00  }
0x1a0: {  	_ =	swait.ge [sflag:s6], $0x3000  }
0x1a1: {  	[sflag:s6] =	ssyncset.done $0x0  }
0x1a2: {  	[sflag:s6] =	ssyncadd.s32 $0xFFFFD000  }
0x1a3: {  	_ =	swait.ge [sflag:s16], $0x3000  }
0x1a4: {  	[sflag:s16] =	ssyncset.done $0x0  }
0x1a5: {  	[sflag:s16] =	ssyncadd.s32 $0xFFFFD000  }
0x1a6: {  	_ =	swait.ge [sflag:s17], $0x3000  }
0x1a7: {  	s7 =	rddreg [dreg:$0x18]  }
0x1a8: {  	s30 =	rddreg [dreg:$0x17];
	s7 =	sadd.s32 $0x1, s7  }
0x1a9: {  	p0 =	sne.s32 s7, s30  }
.Ltmp5:
0x1aa: {  	_ = 	snop;
	(pc) =	sbr.rel @p0 .LBB2_1-.Ltmp5, $3  }
0x1ab: {  	_ =	sdelay $0x1  }
0x1ac: {  	[sflag:s17] =	ssyncset.done $0x0  }
0x1ad: {  	[sflag:s17] =	ssyncadd.s32 $0xFFFFD000  }
0x1ae: {  	_ =	sfence.sel $0x180000  }
0x1af: {  	[bflag:$0x0] =	sbarrier.arrive $0xFFFF  }
0x1b0: {  	_ =	strace $0x90000047  }
0x1b1: {  	s0 =	stileid.u32;
	[bflag:$0x2] =	sbarrier.arrive $0xFFFF  }
0x1b2: {  	p0 =	sne.s32 s0, $0x0;
	s0 =	rddreg [dreg:$0x4]  }
0x1b3: {  	s0 =	sadd.s32 @!p0 $0x100000, s0  }
0x1b4: {  	[sflag:s0] =	ssyncadd.tile.s32 @!p0 $0x1;
	_ =	shalt  }
.Lfunc_end2:
_tile_overlayer_lowered:
.L_overlay_start_2:
0x1b5: {  	(tag) =	ssettag $0x2  }
0x1b6: {  	s0 =	rddreg [dreg:$0x0];
	s2 =	stileid.u32  }
0x1b7: {  	s1 =	rddreg [dreg:$0x1];
	p0 =	sne.s32 s2, $0x0  }
0x1b8: {  	s3 =	rddreg [dreg:$0x2];
	[bflag:$0x3] =	sbarrier.arrive $0xFFFF;
	s2 =	simm.s32 @!p0 $0x1C05  }
0x1b9: {  	[timem:s3], [sflag:s2] =	dma.local @!p0 [hbm:s0], s1  }
0x1ba: {  	s0 =	simm.s32 @!p0 $0x5  }
0x1bb: {  	_ =	swait.ge @!p0 [sflag:s0], s1  }
0x1bc: {  	s1 =	ssub.s32 @!p0 $0x0, s1;
	[sflag:s0] =	ssyncset.done @!p0 $0x0  }
0x1bd: {  	[sflag:s0] =	ssyncadd.s32 @!p0 s1  }
0x1be: {  	[bflag:$0x3] =	sbarrier.arrive $0xFFFF  }
0x1bf: {  	_ =	shalt  }

</sc_bundles>
